<compile_context>
chip_gen: v7x
topology: tpu7x:2x2x1
jax: 0.10.2.dev20260603
libtpu: 0.0.44.dev20260713+nightly
codegen_flags: <defaults>
</compile_context>

<pallas_src>
import functools

import jax
import jax.numpy as jnp
from jax import lax
from jax.experimental import pallas as pl
from jax.experimental.pallas import tpu as pltpu
from jax.experimental.pallas import tpu_sc as plsc

N = 10000
E = 320000
D = 128
H = 256
C = 64
K_PROP = 10
ALPHA = 0.1

NC = 2
NS = 16
NW = NC * NS
EPW = E // NW
CE = 125
NB = EPW // CE

HC = C // NC
TPE = E // NS
GB = 125
NGB = TPE // GB
NBUF = 10
RPT = N // NS
RCH = 125
NCH = RPT // RCH

_mesh = plsc.VectorSubcoreMesh(core_axis_name="c", subcore_axis_name="s",
                               num_cores=NC, num_subcores=NS)
_sc_params = pltpu.CompilerParams(use_tc_tiling_on_sc=False)


def _worker_id():
    return lax.axis_index("s") * NC + lax.axis_index("c")


@functools.partial(
    pl.kernel,
    out_type=jax.ShapeDtypeStruct((NC, 2, N), jnp.float32),
    mesh=_mesh,
    compiler_params=_sc_params,
    scratch_types=[
        pltpu.VMEM((NB, CE), jnp.int32),
        pltpu.VMEM((NB, CE), jnp.int32),
        pltpu.VMEM((128,), jnp.float32),
        pltpu.VMEM((2000,), jnp.float32),
        pltpu.VMEM_SHARED((N,), jnp.float32),
        pltpu.VMEM_SHARED((N,), jnp.float32),
        pltpu.SemaphoreType.DMA((4,)),
    ],
)
def _deg_kernel(src_hbm, dst_hbm, dpart, src_v, dst_v, ones_v, z_v,
                acc_out, acc_in, dsem):
    cid = lax.axis_index("c")
    sid = lax.axis_index("s")
    wid = _worker_id()

    def fill_ones(i, _):
        ones_v[pl.ds(i * 16, 16)] = jnp.ones((16,), jnp.float32)
        return 0
    lax.fori_loop(0, 128 // 16, fill_ones, 0)

    def fill_z(i, _):
        z_v[pl.ds(i * 16, 16)] = jnp.zeros((16,), jnp.float32)
        return 0
    lax.fori_loop(0, 2000 // 16, fill_z, 0)

    @pl.when(sid < 5)
    def _():
        pltpu.sync_copy(z_v, acc_out.at[pl.ds(sid * 2000, 2000)])
        pltpu.sync_copy(z_v, acc_in.at[pl.ds(sid * 2000, 2000)])

    plsc.subcore_barrier()

    pltpu.sync_copy(src_hbm.at[wid], src_v)
    pltpu.sync_copy(dst_hbm.at[wid], dst_v)

    def body(j, _):
        p2 = (j % 2) * 2

        @pl.when(j >= 2)
        def _():
            pltpu.make_async_copy(ones_v.at[pl.ds(0, CE)],
                                  acc_out.at[src_v.at[j - 2]],
                                  dsem.at[p2]).wait()
            pltpu.make_async_copy(ones_v.at[pl.ds(0, CE)],
                                  acc_in.at[dst_v.at[j - 2]],
                                  dsem.at[p2 + 1]).wait()

        pltpu.async_copy(ones_v.at[pl.ds(0, CE)], acc_out.at[src_v.at[j]],
                         dsem.at[p2], add=True)
        pltpu.async_copy(ones_v.at[pl.ds(0, CE)], acc_in.at[dst_v.at[j]],
                         dsem.at[p2 + 1], add=True)
        return 0
    lax.fori_loop(0, NB, body, 0)

    def dega_drain(d, _):
        j = NB - 2 + d
        p2 = (j % 2) * 2
        pltpu.make_async_copy(ones_v.at[pl.ds(0, CE)],
                              acc_out.at[src_v.at[j]], dsem.at[p2]).wait()
        pltpu.make_async_copy(ones_v.at[pl.ds(0, CE)],
                              acc_in.at[dst_v.at[j]],
                              dsem.at[p2 + 1]).wait()
        return 0
    lax.fori_loop(0, 2, dega_drain, 0)

    plsc.subcore_barrier()

    @pl.when(sid < 10)
    def _():
        pltpu.sync_copy(acc_out.at[pl.ds(sid * 1000, 1000)],
                        dpart.at[cid, 0, pl.ds(sid * 1000, 1000)])
        pltpu.sync_copy(acc_in.at[pl.ds(sid * 1000, 1000)],
                        dpart.at[cid, 1, pl.ds(sid * 1000, 1000)])


_BR = 1000


def _mlp_body(feat, w0, b0, w1, b1, w2, b2, h0a_ref, h0b_ref):
    x = feat[...]
    h = jnp.maximum(jnp.dot(x, w0[...], preferred_element_type=jnp.float32)
                    + b0[...], 0.0)
    h = jnp.maximum(jnp.dot(h, w1[...], preferred_element_type=jnp.float32)
                    + b1[...], 0.0)
    h = jnp.dot(h, w2[...], preferred_element_type=jnp.float32) + b2[...]
    h0a_ref[...] = h[:, :HC]
    h0b_ref[...] = h[:, HC:]


def _mlp_kernel(features, W0, b0, W1, b1, W2, b2):
    grid = (N // _BR,)
    outh = jax.ShapeDtypeStruct((N, HC), jnp.float32)
    return pl.pallas_call(
        _mlp_body,
        grid=grid,
        in_specs=[
            pl.BlockSpec((_BR, D), lambda i: (i, 0)),
            pl.BlockSpec((D, H), lambda i: (0, 0)),
            pl.BlockSpec((1, H), lambda i: (0, 0)),
            pl.BlockSpec((H, H), lambda i: (0, 0)),
            pl.BlockSpec((1, H), lambda i: (0, 0)),
            pl.BlockSpec((H, C), lambda i: (0, 0)),
            pl.BlockSpec((1, C), lambda i: (0, 0)),
        ],
        out_specs=[
            pl.BlockSpec((_BR, HC), lambda i: (i, 0)),
            pl.BlockSpec((_BR, HC), lambda i: (i, 0)),
        ],
        out_shape=[outh, outh],
    )(features, W0, b0.reshape(1, H), W1, b1.reshape(1, H),
      W2, b2.reshape(1, C))


def _norm_body(dpo, dpi, nin_ref, nout_ref):
    dout = jnp.maximum(dpo[0] + dpo[1], 1.0)
    din = jnp.maximum(dpi[0] + dpi[1], 1.0)
    no = lax.rsqrt(dout)
    ni = lax.rsqrt(din)
    nin_ref[...] = jnp.broadcast_to((1.0 - ALPHA) * ni, (_BR, HC))
    nout_ref[...] = jnp.broadcast_to(no, (_BR, HC))


def _norm_kernel(dpo, dpi):
    grid = (N // _BR,)
    outm = jax.ShapeDtypeStruct((N, HC), jnp.float32)
    return pl.pallas_call(
        _norm_body,
        grid=grid,
        in_specs=[
            pl.BlockSpec((NC, _BR, 1), lambda i: (0, i, 0)),
            pl.BlockSpec((NC, _BR, 1), lambda i: (0, i, 0)),
        ],
        out_specs=[
            pl.BlockSpec((_BR, HC), lambda i: (i, 0)),
            pl.BlockSpec((_BR, HC), lambda i: (i, 0)),
        ],
        out_shape=[outm, outm],
    )(dpo, dpi)


@functools.partial(
    pl.kernel,
    out_type=[jax.ShapeDtypeStruct((NC * N, HC), jnp.float32),
              jax.ShapeDtypeStruct((N, C), jnp.float32)],
    mesh=_mesh,
    compiler_params=_sc_params,
    scratch_types=[
        pltpu.VMEM((NGB, GB), jnp.int32),
        pltpu.VMEM((NGB, GB), jnp.int32),
        pltpu.VMEM((NBUF, GB, HC), jnp.float32),
        pltpu.VMEM((RCH, HC), jnp.float32),
        pltpu.VMEM_SHARED((N, HC), jnp.float32),
        pltpu.SemaphoreType.DMA((NBUF,)),
        pltpu.SemaphoreType.DMA((NBUF,)),
    ],
)
def _prop_kernel(h0_a, h0_b, ninm, noutm, srcr, dstr, s_buf, out64,
                 src_v, dst_v, rows_v, zch, acc, gsem, ssem):
    accv = rows_v.at[4]
    cid = lax.axis_index("c")
    sid = lax.axis_index("s")
    base_row = sid * RPT

    off = cid * N

    pltpu.sync_copy(srcr.at[cid, sid], src_v)
    pltpu.sync_copy(dstr.at[sid], dst_v)

    def fz(i, _):
        zch[i // (HC // 16), pl.ds((i % (HC // 16)) * 16, 16)] = (
            jnp.zeros((16,), jnp.float32))
        return 0
    lax.fori_loop(0, RCH * (HC // 16), fz, 0)

    def cinit(t, _):
        r0 = base_row + t * RCH

        @pl.when(cid == 0)
        def _():
            pltpu.sync_copy(h0_a.at[pl.ds(r0, RCH)], rows_v.at[1])

        @pl.when(cid == 1)
        def _():
            pltpu.sync_copy(h0_b.at[pl.ds(r0, RCH)], rows_v.at[1])

        pltpu.sync_copy(noutm.at[pl.ds(r0, RCH)], rows_v.at[3])

        def iloop(r, _):
            for q in range(HC // 16):
                sl = pl.ds(q * 16, 16)
                rows_v[1, r, sl] = rows_v[1, r, sl] * rows_v[3, r, sl]
            return 0
        lax.fori_loop(0, RCH, iloop, 0)

        pltpu.sync_copy(rows_v.at[1], s_buf.at[pl.ds(off + r0, RCH)])
        pltpu.sync_copy(zch, acc.at[pl.ds(r0, RCH)])
        return 0
    lax.fori_loop(0, NCH, cinit, 0)

    plsc.subcore_barrier()

    def step(k, _):
        for p in range(NBUF - 1):
            pltpu.async_copy(s_buf.at[src_v.at[p]], rows_v.at[p],
                             gsem.at[p])

        def body(j, _):
            b = j % NBUF
            ahead = (j + NBUF - 1) % NBUF

            @pl.when(j >= 1)
            def _():
                pltpu.make_async_copy(rows_v.at[ahead],
                                      acc.at[dst_v.at[j - 1]],
                                      ssem.at[ahead]).wait()

            @pl.when(j + NBUF - 1 < NGB)
            def _():
                pltpu.async_copy(s_buf.at[src_v.at[j + NBUF - 1]],
                                 rows_v.at[ahead], gsem.at[ahead])

            pltpu.make_async_copy(s_buf.at[src_v.at[j]], rows_v.at[b],
                                  gsem.at[b]).wait()
            pltpu.async_copy(rows_v.at[b], acc.at[dst_v.at[j]], ssem.at[b],
                             add=True)
            return 0
        lax.fori_loop(0, NGB, body, 0)

        pltpu.make_async_copy(rows_v.at[(NGB - 1) % NBUF],
                              acc.at[dst_v.at[NGB - 1]],
                              ssem.at[(NGB - 1) % NBUF]).wait()

        plsc.subcore_barrier()

        last = k == K_PROP - 1

        def issue_loads(t, g4):
            r0 = base_row + t * RCH

            @pl.when(cid == 0)
            def _():
                pltpu.async_copy(h0_a.at[pl.ds(r0, RCH)],
                                 rows_v.at[g4 + 1], gsem.at[g4 + 1])

            @pl.when(cid == 1)
            def _():
                pltpu.async_copy(h0_b.at[pl.ds(r0, RCH)],
                                 rows_v.at[g4 + 1], gsem.at[g4 + 1])

            pltpu.async_copy(acc.at[pl.ds(r0, RCH)], rows_v.at[g4 + 0],
                             gsem.at[g4 + 0])
            pltpu.async_copy(ninm.at[pl.ds(r0, RCH)],
                             rows_v.at[g4 + 2], gsem.at[g4 + 2])
            pltpu.async_copy(noutm.at[pl.ds(r0, RCH)],
                             rows_v.at[g4 + 3], gsem.at[g4 + 3])

        issue_loads(0, 0)

        def comb(t, _):
            g4 = (t % 2) * 4
            og4 = ((t + 1) % 2) * 4
            r0 = base_row + t * RCH

            @pl.when(jnp.logical_and(t >= 1, jnp.logical_not(last)))
            def _():
                pltpu.make_async_copy(
                    rows_v.at[og4],
                    s_buf.at[pl.ds(off + r0 - RCH, RCH)],
                    ssem.at[og4]).wait()

            @pl.when(jnp.logical_and(t >= 1, last))
            def _():
                pltpu.make_async_copy(
                    rows_v.at[og4],
                    out64.at[pl.ds(r0 - RCH, RCH), pl.ds(cid * HC, HC)],
                    ssem.at[og4]).wait()

            @pl.when(t + 1 < NCH)
            def _():
                issue_loads(t + 1, og4)

            for q in range(4):
                pltpu.make_async_copy(acc.at[pl.ds(r0, RCH)],
                                      rows_v.at[g4 + q],
                                      gsem.at[g4 + q]).wait()

            @pl.when(t >= 2)
            def _():
                pltpu.make_async_copy(zch,
                                      acc.at[pl.ds(r0 - 2 * RCH, RCH)],
                                      ssem.at[8 + t % 2]).wait()
            pltpu.async_copy(zch, acc.at[pl.ds(r0, RCH)],
                             ssem.at[8 + t % 2])

            @pl.when(jnp.logical_not(last))
            def _():
                def rowloop(r, _):
                    for q in range(HC // 16):
                        sl = pl.ds(q * 16, 16)
                        rows_v[g4, r, sl] = (
                            rows_v[g4, r, sl] * rows_v[g4 + 2, r, sl]
                            + ALPHA * rows_v[g4 + 1, r, sl]
                        ) * rows_v[g4 + 3, r, sl]
                    return 0
                lax.fori_loop(0, RCH, rowloop, 0)

            @pl.when(last)
            def _():
                def rowloop(r, _):
                    for q in range(HC // 16):
                        sl = pl.ds(q * 16, 16)
                        rows_v[g4, r, sl] = (
                            rows_v[g4, r, sl] * rows_v[g4 + 2, r, sl]
                            + ALPHA * rows_v[g4 + 1, r, sl])
                    return 0
                lax.fori_loop(0, RCH, rowloop, 0)

            @pl.when(jnp.logical_not(last))
            def _():
                pltpu.async_copy(rows_v.at[g4],
                                 s_buf.at[pl.ds(off + r0, RCH)],
                                 ssem.at[g4])

            @pl.when(last)
            def _():
                pltpu.async_copy(
                    rows_v.at[g4],
                    out64.at[pl.ds(r0, RCH), pl.ds(cid * HC, HC)],
                    ssem.at[g4])
            return 0
        lax.fori_loop(0, NCH, comb, 0)

        def zdrain(d, _):
            t = NCH - 2 + d
            pltpu.make_async_copy(
                zch, acc.at[pl.ds(base_row + t * RCH, RCH)],
                ssem.at[8 + t % 2]).wait()
            return 0
        lax.fori_loop(0, 2, zdrain, 0)

        g4l = ((NCH - 1) % 2) * 4
        r0l = base_row + (NCH - 1) * RCH

        @pl.when(jnp.logical_not(last))
        def _():
            pltpu.make_async_copy(
                rows_v.at[g4l],
                s_buf.at[pl.ds(off + r0l, RCH)],
                ssem.at[g4l]).wait()

        @pl.when(last)
        def _():
            pltpu.make_async_copy(
                rows_v.at[g4l],
                out64.at[pl.ds(r0l, RCH), pl.ds(cid * HC, HC)],
                ssem.at[g4l]).wait()

        plsc.subcore_barrier()
        return 0
    lax.fori_loop(0, K_PROP, step, 0)


def kernel(features, edge_index, W0, b0, W1, b1, W2, b2):
    src = edge_index[0]
    dst = edge_index[1]

    dpart = _deg_kernel(src.reshape(NW, NB, CE), dst.reshape(NW, NB, CE))
    dpo = dpart[:, 0, :].reshape(NC, N, 1)
    dpi = dpart[:, 1, :].reshape(NC, N, 1)

    h0_a, h0_b = _mlp_kernel(features, W0, b0, W1, b1, W2, b2)
    ninm, noutm = _norm_kernel(dpo, dpi)

    src2 = jnp.stack([src, src + N]).reshape(NC, NS, NGB, GB)
    _, out64 = _prop_kernel(h0_a, h0_b, ninm, noutm,
                            src2, dst.reshape(NS, NGB, GB))
    return out64

# --- scband reference (transcript-rebuilt; emitter-appended) ---
"""Pipeline reference for scband-appnp-19567871000953 (READ-ONLY COPY).

The authoritative reference and input builder live on the scoring server;
editing this copy changes nothing except your own understanding.
"""

import jax, jax.numpy as jnp
import numpy as np

N = 10000
E = 320000
D = 128
H = 256
C = 64
K_PROP = 10
ALPHA = 0.1


def setup_inputs(seed: int = 0) -> dict:
    key = jax.random.key(seed)
    ks = jax.random.split(key, 8)
    features = jax.random.normal(ks[0], (N, D), dtype=jnp.float32)
    edge_index = jax.random.randint(ks[1], (2, E), 0, N, dtype=jnp.int32)
    W0 = jax.random.normal(ks[2], (D, H), dtype=jnp.float32) * (1.0 / np.sqrt(D))
    b0 = jnp.zeros((H,), dtype=jnp.float32)
    W1 = jax.random.normal(ks[3], (H, H), dtype=jnp.float32) * (1.0 / np.sqrt(H))
    b1 = jnp.zeros((H,), dtype=jnp.float32)
    W2 = jax.random.normal(ks[4], (H, C), dtype=jnp.float32) * (1.0 / np.sqrt(H))
    b2 = jnp.zeros((C,), dtype=jnp.float32)
    return {"features": features, "edge_index": edge_index, "W0": W0, "b0": b0,
            "W1": W1, "b1": b1, "W2": W2, "b2": b2}


def reference(features, edge_index, W0, b0, W1, b1, W2, b2):
    # MLP part (feat_drop=0 -> identity)
    h = jax.nn.relu(features @ W0 + b0)   # layers[0] + activation
    h = jax.nn.relu(h @ W1 + b1)          # layers[1] (hidden) + activation
    h = h @ W2 + b2                       # layers[-1] (to n_classes)

    # APPNPConv: k steps of personalized PageRank propagation (edge_drop=0)
    src = edge_index[0]
    dst = edge_index[1]
    ones = jnp.ones((E,), dtype=jnp.float32)
    deg_out = jnp.clip(jax.ops.segment_sum(ones, src, num_segments=N), 1.0)
    deg_in = jnp.clip(jax.ops.segment_sum(ones, dst, num_segments=N), 1.0)
    norm_out = jax.lax.rsqrt(deg_out)
    norm_in = jax.lax.rsqrt(deg_in)

    h0 = h
    for _ in range(K_PROP):
        h = h * norm_out[:, None]
        msg = jax.ops.segment_sum(h[src], dst, num_segments=N)
        h = msg * norm_in[:, None]
        h = (1.0 - ALPHA) * h + ALPHA * h0
    return h

if __name__ == "__main__":
    import jax
    _d = setup_inputs()
    print(jax.jit(kernel)(*tuple(_d.values())))

</pallas_src>

<mosaic_0001>
#map = affine_map<(d0, d1) -> (0, 0)>
#map1 = affine_map<(d0, d1) -> (0, 0, 0, 0)>
#map2 = affine_map<(d0, d1) -> (0, 0, 0)>
module attributes {stable_mosaic.version = 14 : i64} {
  func.func @_prop_kernel(%arg0: i32, %arg1: i32, %arg2: memref<10000x32xf32, #tpu.memory_space<hbm>>, %arg3: memref<10000x32xf32, #tpu.memory_space<hbm>>, %arg4: memref<10000x32xf32, #tpu.memory_space<hbm>>, %arg5: memref<10000x32xf32, #tpu.memory_space<hbm>>, %arg6: memref<2x16x160x125xi32, #tpu.memory_space<hbm>>, %arg7: memref<16x160x125xi32, #tpu.memory_space<hbm>>, %arg8: memref<20000x32xf32, #tpu.memory_space<hbm>>, %arg9: memref<10000x64xf32, #tpu.memory_space<hbm>>, %arg10: memref<160x125xi32, #tpu.memory_space<vmem>>, %arg11: memref<160x125xi32, #tpu.memory_space<vmem>>, %arg12: memref<10x125x32xf32, #tpu.memory_space<vmem>>, %arg13: memref<125x32xf32, #tpu.memory_space<vmem>>, %arg14: memref<10000x32xf32, #tpu.memory_space<vmem_shared>>, %arg15: memref<10x!tpu.dma_semaphore, #tpu.memory_space<semaphore_mem>>, %arg16: memref<10x!tpu.dma_semaphore, #tpu.memory_space<semaphore_mem>>) attributes {dimension_semantics = [#tpu.dimension_semantics<core_parallel>, #tpu.dimension_semantics<subcore_parallel>], iteration_bounds = array<i64: 2, 16>, scalar_prefetch = 0 : i64, scratch_operands = 7 : i64, tpu.core_type = #tpu.core_type<sc_vector_subcore>, window_params = [{transform_indices = #map}, {transform_indices = #map}, {transform_indices = #map}, {transform_indices = #map}, {transform_indices = #map1}, {transform_indices = #map2}, {transform_indices = #map}, {transform_indices = #map}]} {
    %mul3A = arith.constant 625 : i32
    %mul3A_0 = arith.muli %arg1, %mul3A : i32
    %mul3A_1 = arith.constant 10000 : i32
    %mul3A_2 = arith.muli %arg0, %mul3A_1 : i32
    "tpu.region"() ({
      %run_scoped3A = tpu.sem_alloc : memref<!tpu.dma_semaphore, #tpu.memory_space<semaphore_mem>>
      %dma_start3A = arith.constant 0 : i32
      %dma_start3A_23 = arith.constant 0 : i32
      %dma_start3A_24 = tpu.memref_slice %arg6[%arg0, %arg1, %dma_start3A, %dma_start3A_23] : memref<2x16x160x125xi32, #tpu.memory_space<hbm>> -> memref<1x1x160x125xi32, #tpu.memory_space<hbm>>
      %dma_start3A_25 = tpu.memref_squeeze %dma_start3A_24 : memref<1x1x160x125xi32, #tpu.memory_space<hbm>> -> memref<160x125xi32, #tpu.memory_space<hbm>>
      %dma_start3A_26 = arith.constant 0 : i32
      %dma_start3A_27 = arith.constant 0 : i32
      %dma_start3A_28 = tpu.memref_slice %arg6[%arg0, %arg1, %dma_start3A_26, %dma_start3A_27] : memref<2x16x160x125xi32, #tpu.memory_space<hbm>> -> memref<1x1x160x125xi32, #tpu.memory_space<hbm>>
      %dma_start3A_29 = tpu.memref_squeeze %dma_start3A_28 : memref<1x1x160x125xi32, #tpu.memory_space<hbm>> -> memref<160x125xi32, #tpu.memory_space<hbm>>
      tpu.enqueue_dma source(%dma_start3A_29 : memref<160x125xi32, #tpu.memory_space<hbm>>) target(%arg10 : memref<160x125xi32, #tpu.memory_space<vmem>>) target_semaphore(%run_scoped3A : memref<!tpu.dma_semaphore, #tpu.memory_space<semaphore_mem>>)
      %dma_wait3A = arith.constant 0 : i32
      %dma_wait3A_30 = arith.constant 0 : i32
      %dma_wait3A_31 = tpu.memref_slice %arg6[%arg0, %arg1, %dma_wait3A, %dma_wait3A_30] : memref<2x16x160x125xi32, #tpu.memory_space<hbm>> -> memref<1x1x160x125xi32, #tpu.memory_space<hbm>>
      %dma_wait3A_32 = tpu.memref_squeeze %dma_wait3A_31 : memref<1x1x160x125xi32, #tpu.memory_space<hbm>> -> memref<160x125xi32, #tpu.memory_space<hbm>>
      %dma_wait3A_33 = arith.constant 0 : i32
      %dma_wait3A_34 = arith.constant 0 : i32
      %dma_wait3A_35 = tpu.memref_slice %arg6[%arg0, %arg1, %dma_wait3A_33, %dma_wait3A_34] : memref<2x16x160x125xi32, #tpu.memory_space<hbm>> -> memref<1x1x160x125xi32, #tpu.memory_space<hbm>>
      %dma_wait3A_36 = tpu.memref_squeeze %dma_wait3A_35 : memref<1x1x160x125xi32, #tpu.memory_space<hbm>> -> memref<160x125xi32, #tpu.memory_space<hbm>>
      tpu.wait_dma2 semaphore(%run_scoped3A : memref<!tpu.dma_semaphore, #tpu.memory_space<semaphore_mem>>) src(%dma_wait3A_36 : memref<160x125xi32, #tpu.memory_space<hbm>>) dst(%arg10 : memref<160x125xi32, #tpu.memory_space<vmem>>)
      tpu.yield
    }) : () -> ()
    "tpu.region"() ({
      %run_scoped3A = tpu.sem_alloc : memref<!tpu.dma_semaphore, #tpu.memory_space<semaphore_mem>>
      %dma_start3A = arith.constant 0 : i32
      %dma_start3A_23 = arith.constant 0 : i32
      %dma_start3A_24 = tpu.memref_slice %arg7[%arg1, %dma_start3A, %dma_start3A_23] : memref<16x160x125xi32, #tpu.memory_space<hbm>> -> memref<1x160x125xi32, #tpu.memory_space<hbm>>
      %dma_start3A_25 = tpu.memref_squeeze %dma_start3A_24 : memref<1x160x125xi32, #tpu.memory_space<hbm>> -> memref<160x125xi32, #tpu.memory_space<hbm>>
      %dma_start3A_26 = arith.constant 0 : i32
      %dma_start3A_27 = arith.constant 0 : i32
      %dma_start3A_28 = tpu.memref_slice %arg7[%arg1, %dma_start3A_26, %dma_start3A_27] : memref<16x160x125xi32, #tpu.memory_space<hbm>> -> memref<1x160x125xi32, #tpu.memory_space<hbm>>
      %dma_start3A_29 = tpu.memref_squeeze %dma_start3A_28 : memref<1x160x125xi32, #tpu.memory_space<hbm>> -> memref<160x125xi32, #tpu.memory_space<hbm>>
      tpu.enqueue_dma source(%dma_start3A_29 : memref<160x125xi32, #tpu.memory_space<hbm>>) target(%arg11 : memref<160x125xi32, #tpu.memory_space<vmem>>) target_semaphore(%run_scoped3A : memref<!tpu.dma_semaphore, #tpu.memory_space<semaphore_mem>>)
      %dma_wait3A = arith.constant 0 : i32
      %dma_wait3A_30 = arith.constant 0 : i32
      %dma_wait3A_31 = tpu.memref_slice %arg7[%arg1, %dma_wait3A, %dma_wait3A_30] : memref<16x160x125xi32, #tpu.memory_space<hbm>> -> memref<1x160x125xi32, #tpu.memory_space<hbm>>
      %dma_wait3A_32 = tpu.memref_squeeze %dma_wait3A_31 : memref<1x160x125xi32, #tpu.memory_space<hbm>> -> memref<160x125xi32, #tpu.memory_space<hbm>>
      %dma_wait3A_33 = arith.constant 0 : i32
      %dma_wait3A_34 = arith.constant 0 : i32
      %dma_wait3A_35 = tpu.memref_slice %arg7[%arg1, %dma_wait3A_33, %dma_wait3A_34] : memref<16x160x125xi32, #tpu.memory_space<hbm>> -> memref<1x160x125xi32, #tpu.memory_space<hbm>>
      %dma_wait3A_36 = tpu.memref_squeeze %dma_wait3A_35 : memref<1x160x125xi32, #tpu.memory_space<hbm>> -> memref<160x125xi32, #tpu.memory_space<hbm>>
      tpu.wait_dma2 semaphore(%run_scoped3A : memref<!tpu.dma_semaphore, #tpu.memory_space<semaphore_mem>>) src(%dma_wait3A_36 : memref<160x125xi32, #tpu.memory_space<hbm>>) dst(%arg11 : memref<160x125xi32, #tpu.memory_space<vmem>>)
      tpu.yield
    }) : () -> ()
    %scan3A = arith.constant 0 : i32
    %scan3A_3 = arith.constant 0 : i32
    %scan3A_4 = arith.constant 250 : i32
    %scan3A_5 = arith.addi %scan3A_3, %scan3A_4 : i32
    %scan3A_6 = arith.constant 1 : i32
    %scan3A_7 = scf.for %scan3A_23 = %scan3A_3 to %scan3A_5 step %scan3A_6 iter_args(%scan3A_24 = %scan3A) -> (i32)  : i32 {
      %broadcast_in_dim3A = arith.constant 0.000000e+00 : f32
      %broadcast_in_dim3A_25 = vector.broadcast %broadcast_in_dim3A : f32 to vector<16xf32>
      %jit3A = arith.constant 2 : i32
      %div3A = arith.divsi %scan3A_23, %jit3A : i32
      %sign3A = arith.constant 0 : i32
      %sign3A_26 = arith.cmpi sgt, %scan3A_23, %sign3A : i32
      %sign3A_27 = arith.extui %sign3A_26 : i1 to i32
      %sign3A_28 = arith.constant 0 : i32
      %sign3A_29 = arith.cmpi slt, %scan3A_23, %sign3A_28 : i32
      %sign3A_30 = arith.extui %sign3A_29 : i1 to i32
      %sign3A_31 = arith.subi %sign3A_27, %sign3A_30 : i32
      %sign3A_32 = arith.constant 0 : i32
      %sign3A_33 = arith.cmpi sgt, %jit3A, %sign3A_32 : i32
      %sign3A_34 = arith.extui %sign3A_33 : i1 to i32
      %sign3A_35 = arith.constant 0 : i32
      %sign3A_36 = arith.cmpi slt, %jit3A, %sign3A_35 : i32
      %sign3A_37 = arith.extui %sign3A_36 : i1 to i32
      %sign3A_38 = arith.subi %sign3A_34, %sign3A_37 : i32
      %ne3A = arith.cmpi ne, %sign3A_31, %sign3A_38 : i32
      %rem3A = arith.remsi %scan3A_23, %jit3A : i32
      %ne3A_39 = arith.constant 0 : i32
      %ne3A_40 = arith.cmpi ne, %rem3A, %ne3A_39 : i32
      %and3A = arith.andi %ne3A, %ne3A_40 : i1
      %sub3A = arith.constant 1 : i32
      %sub3A_41 = arith.subi %div3A, %sub3A : i32
      %select_n3A = arith.select %and3A, %sub3A_41, %div3A : i32
      %jit3A_42 = arith.constant 2 : i32
      %eq3A = arith.constant 0 : i32
      %eq3A_43 = arith.cmpi eq, %jit3A_42, %eq3A : i32
      %jit3A_44 = arith.constant 1 : i32
      %select_n3A_45 = arith.select %eq3A_43, %jit3A_44, %jit3A_42 : i32
      %rem3A_46 = arith.remsi %scan3A_23, %select_n3A_45 : i32
      %ne3A_47 = arith.constant 0 : i32
      %ne3A_48 = arith.cmpi ne, %rem3A_46, %ne3A_47 : i32
      %lt3A = arith.constant 0 : i32
      %lt3A_49 = arith.cmpi slt, %rem3A_46, %lt3A : i32
      %lt3A_50 = arith.constant 0 : i32
      %lt3A_51 = arith.cmpi slt, %select_n3A_45, %lt3A_50 : i32
      %ne3A_52 = arith.xori %lt3A_49, %lt3A_51 : i1
      %and3A_53 = arith.andi %ne3A_52, %ne3A_48 : i1
      %add3A = arith.addi %rem3A_46, %select_n3A_45 : i32
      %select_n3A_54 = arith.select %and3A_53, %add3A, %rem3A_46 : i32
      %mul3A_55 = arith.constant 16 : i32
      %mul3A_56 = arith.muli %select_n3A_54, %mul3A_55 : i32
      %swap3A = arith.index_cast %select_n3A : i32 to index
      %swap3A_57 = arith.index_cast %mul3A_56 : i32 to index
      %swap3A_58 = tpu.vector_load %arg13[%swap3A, %swap3A_57] {strides = array<i32>} : memref<125x32xf32, #tpu.memory_space<vmem>>, vector<1x16xf32>,
      %swap3A_59 = vector.shape_cast %swap3A_58 : vector<1x16xf32> to vector<16xf32>
      %swap3A_60 = vector.shape_cast %broadcast_in_dim3A_25 : vector<16xf32> to vector<1x16xf32>
      tpu.vector_store %arg13[%swap3A, %swap3A_57], %swap3A_60 {strides = array<i32>} : memref<125x32xf32, #tpu.memory_space<vmem>>, vector<1x16xf32>,
      %scan3A_61 = arith.constant 0 : i32
      scf.yield %scan3A_61 : i32
    }
    %scan3A_8 = arith.constant 250 : i32
    %scan3A_9 = arith.constant 0 : i32
    %scan3A_10 = arith.constant 0 : i32
    %scan3A_11 = arith.constant 5 : i32
    %scan3A_12 = arith.addi %scan3A_10, %scan3A_11 : i32
    %scan3A_13 = arith.constant 1 : i32
    %scan3A_14 = scf.for %scan3A_23 = %scan3A_10 to %scan3A_12 step %scan3A_13 iter_args(%scan3A_24 = %scan3A_9) -> (i32)  : i32 {
      %mul3A_25 = arith.constant 125 : i32
      %mul3A_26 = arith.muli %scan3A_23, %mul3A_25 : i32
      %add3A = arith.addi %mul3A_0, %mul3A_26 : i32
      %eq3A = arith.constant 0 : i32
      %eq3A_27 = arith.cmpi eq, %arg0, %eq3A : i32
      %convert_element_type3A = arith.extui %eq3A_27 : i1 to i32
      %cond3A = arith.constant 0 : i32
      %cond3A_28 = arith.cmpi ne, %convert_element_type3A, %cond3A : i32
      scf.if %cond3A_28 {
        %run_scoped3A_44 = arith.constant 1 : i32
        "tpu.region"() ({
          %run_scoped3A_45 = tpu.sem_alloc : memref<!tpu.dma_semaphore, #tpu.memory_space<semaphore_mem>>
          %dma_start3A = arith.constant 0 : i32
          %dma_start3A_46 = arith.constant 0 : i32
          %dma_start3A_47 = tpu.memref_slice %arg12[%run_scoped3A_44, %dma_start3A, %dma_start3A_46] : memref<10x125x32xf32, #tpu.memory_space<vmem>> -> memref<1x125x32xf32, #tpu.memory_space<vmem>>
          %dma_start3A_48 = tpu.memref_squeeze %dma_start3A_47 : memref<1x125x32xf32, #tpu.memory_space<vmem>> -> memref<125x32xf32, #tpu.memory_space<vmem>>
          %dma_start3A_49 = arith.constant 0 : i32
          %dma_start3A_50 = tpu.memref_slice %arg2[%add3A, %dma_start3A_49] : memref<10000x32xf32, #tpu.memory_space<hbm>> -> memref<125x32xf32, #tpu.memory_space<hbm>>
          %dma_start3A_51 = arith.constant 0 : i32
          %dma_start3A_52 = arith.constant 0 : i32
          %dma_start3A_53 = tpu.memref_slice %arg12[%run_scoped3A_44, %dma_start3A_51, %dma_start3A_52] : memref<10x125x32xf32, #tpu.memory_space<vmem>> -> memref<1x125x32xf32, #tpu.memory_space<vmem>>
          %dma_start3A_54 = tpu.memref_squeeze %dma_start3A_53 : memref<1x125x32xf32, #tpu.memory_space<vmem>> -> memref<125x32xf32, #tpu.memory_space<vmem>>
          %dma_start3A_55 = arith.constant 0 : i32
          %dma_start3A_56 = tpu.memref_slice %arg2[%add3A, %dma_start3A_55] : memref<10000x32xf32, #tpu.memory_space<hbm>> -> memref<125x32xf32, #tpu.memory_space<hbm>>
          tpu.enqueue_dma source(%dma_start3A_56 : memref<125x32xf32, #tpu.memory_space<hbm>>) target(%dma_start3A_54 : memref<125x32xf32, #tpu.memory_space<vmem>>) target_semaphore(%run_scoped3A_45 : memref<!tpu.dma_semaphore, #tpu.memory_space<semaphore_mem>>)
          %dma_wait3A = arith.constant 0 : i32
          %dma_wait3A_57 = arith.constant 0 : i32
          %dma_wait3A_58 = tpu.memref_slice %arg12[%run_scoped3A_44, %dma_wait3A, %dma_wait3A_57] : memref<10x125x32xf32, #tpu.memory_space<vmem>> -> memref<1x125x32xf32, #tpu.memory_space<vmem>>
          %dma_wait3A_59 = tpu.memref_squeeze %dma_wait3A_58 : memref<1x125x32xf32, #tpu.memory_space<vmem>> -> memref<125x32xf32, #tpu.memory_space<vmem>>
          %dma_wait3A_60 = arith.constant 0 : i32
          %dma_wait3A_61 = tpu.memref_slice %arg2[%add3A, %dma_wait3A_60] : memref<10000x32xf32, #tpu.memory_space<hbm>> -> memref<125x32xf32, #tpu.memory_space<hbm>>
          %dma_wait3A_62 = arith.constant 0 : i32
          %dma_wait3A_63 = arith.constant 0 : i32
          %dma_wait3A_64 = tpu.memref_slice %arg12[%run_scoped3A_44, %dma_wait3A_62, %dma_wait3A_63] : memref<10x125x32xf32, #tpu.memory_space<vmem>> -> memref<1x125x32xf32, #tpu.memory_space<vmem>>
          %dma_wait3A_65 = tpu.memref_squeeze %dma_wait3A_64 : memref<1x125x32xf32, #tpu.memory_space<vmem>> -> memref<125x32xf32, #tpu.memory_space<vmem>>
          %dma_wait3A_66 = arith.constant 0 : i32
          %dma_wait3A_67 = tpu.memref_slice %arg2[%add3A, %dma_wait3A_66] : memref<10000x32xf32, #tpu.memory_space<hbm>> -> memref<125x32xf32, #tpu.memory_space<hbm>>
          tpu.wait_dma2 semaphore(%run_scoped3A_45 : memref<!tpu.dma_semaphore, #tpu.memory_space<semaphore_mem>>) src(%dma_wait3A_67 : memref<125x32xf32, #tpu.memory_space<hbm>>) dst(%dma_wait3A_65 : memref<125x32xf32, #tpu.memory_space<vmem>>)
          tpu.yield
        }) : () -> ()
      } else {
      }
      %eq3A_29 = arith.constant 1 : i32
      %eq3A_30 = arith.cmpi eq, %arg0, %eq3A_29 : i32
      %convert_element_type3A_31 = arith.extui %eq3A_30 : i1 to i32
      %cond3A_32 = arith.constant 0 : i32
      %cond3A_33 = arith.cmpi ne, %convert_element_type3A_31, %cond3A_32 : i32
      scf.if %cond3A_33 {
        %run_scoped3A_44 = arith.constant 1 : i32
        "tpu.region"() ({
          %run_scoped3A_45 = tpu.sem_alloc : memref<!tpu.dma_semaphore, #tpu.memory_space<semaphore_mem>>
          %dma_start3A = arith.constant 0 : i32
          %dma_start3A_46 = arith.constant 0 : i32
          %dma_start3A_47 = tpu.memref_slice %arg12[%run_scoped3A_44, %dma_start3A, %dma_start3A_46] : memref<10x125x32xf32, #tpu.memory_space<vmem>> -> memref<1x125x32xf32, #tpu.memory_space<vmem>>
          %dma_start3A_48 = tpu.memref_squeeze %dma_start3A_47 : memref<1x125x32xf32, #tpu.memory_space<vmem>> -> memref<125x32xf32, #tpu.memory_space<vmem>>
          %dma_start3A_49 = arith.constant 0 : i32
          %dma_start3A_50 = tpu.memref_slice %arg3[%add3A, %dma_start3A_49] : memref<10000x32xf32, #tpu.memory_space<hbm>> -> memref<125x32xf32, #tpu.memory_space<hbm>>
          %dma_start3A_51 = arith.constant 0 : i32
          %dma_start3A_52 = arith.constant 0 : i32
          %dma_start3A_53 = tpu.memref_slice %arg12[%run_scoped3A_44, %dma_start3A_51, %dma_start3A_52] : memref<10x125x32xf32, #tpu.memory_space<vmem>> -> memref<1x125x32xf32, #tpu.memory_space<vmem>>
          %dma_start3A_54 = tpu.memref_squeeze %dma_start3A_53 : memref<1x125x32xf32, #tpu.memory_space<vmem>> -> memref<125x32xf32, #tpu.memory_space<vmem>>
          %dma_start3A_55 = arith.constant 0 : i32
          %dma_start3A_56 = tpu.memref_slice %arg3[%add3A, %dma_start3A_55] : memref<10000x32xf32, #tpu.memory_space<hbm>> -> memref<125x32xf32, #tpu.memory_space<hbm>>
          tpu.enqueue_dma source(%dma_start3A_56 : memref<125x32xf32, #tpu.memory_space<hbm>>) target(%dma_start3A_54 : memref<125x32xf32, #tpu.memory_space<vmem>>) target_semaphore(%run_scoped3A_45 : memref<!tpu.dma_semaphore, #tpu.memory_space<semaphore_mem>>)
          %dma_wait3A = arith.constant 0 : i32
          %dma_wait3A_57 = arith.constant 0 : i32
          %dma_wait3A_58 = tpu.memref_slice %arg12[%run_scoped3A_44, %dma_wait3A, %dma_wait3A_57] : memref<10x125x32xf32, #tpu.memory_space<vmem>> -> memref<1x125x32xf32, #tpu.memory_space<vmem>>
          %dma_wait3A_59 = tpu.memref_squeeze %dma_wait3A_58 : memref<1x125x32xf32, #tpu.memory_space<vmem>> -> memref<125x32xf32, #tpu.memory_space<vmem>>
          %dma_wait3A_60 = arith.constant 0 : i32
          %dma_wait3A_61 = tpu.memref_slice %arg3[%add3A, %dma_wait3A_60] : memref<10000x32xf32, #tpu.memory_space<hbm>> -> memref<125x32xf32, #tpu.memory_space<hbm>>
          %dma_wait3A_62 = arith.constant 0 : i32
          %dma_wait3A_63 = arith.constant 0 : i32
          %dma_wait3A_64 = tpu.memref_slice %arg12[%run_scoped3A_44, %dma_wait3A_62, %dma_wait3A_63] : memref<10x125x32xf32, #tpu.memory_space<vmem>> -> memref<1x125x32xf32, #tpu.memory_space<vmem>>
          %dma_wait3A_65 = tpu.memref_squeeze %dma_wait3A_64 : memref<1x125x32xf32, #tpu.memory_space<vmem>> -> memref<125x32xf32, #tpu.memory_space<vmem>>
          %dma_wait3A_66 = arith.constant 0 : i32
          %dma_wait3A_67 = tpu.memref_slice %arg3[%add3A, %dma_wait3A_66] : memref<10000x32xf32, #tpu.memory_space<hbm>> -> memref<125x32xf32, #tpu.memory_space<hbm>>
          tpu.wait_dma2 semaphore(%run_scoped3A_45 : memref<!tpu.dma_semaphore, #tpu.memory_space<semaphore_mem>>) src(%dma_wait3A_67 : memref<125x32xf32, #tpu.memory_space<hbm>>) dst(%dma_wait3A_65 : memref<125x32xf32, #tpu.memory_space<vmem>>)
          tpu.yield
        }) : () -> ()
      } else {
      }
      %run_scoped3A = arith.constant 3 : i32
      "tpu.region"() ({
        %run_scoped3A_44 = tpu.sem_alloc : memref<!tpu.dma_semaphore, #tpu.memory_space<semaphore_mem>>
        %dma_start3A = arith.constant 0 : i32
        %dma_start3A_45 = arith.constant 0 : i32
        %dma_start3A_46 = tpu.memref_slice %arg12[%run_scoped3A, %dma_start3A, %dma_start3A_45] : memref<10x125x32xf32, #tpu.memory_space<vmem>> -> memref<1x125x32xf32, #tpu.memory_space<vmem>>
        %dma_start3A_47 = tpu.memref_squeeze %dma_start3A_46 : memref<1x125x32xf32, #tpu.memory_space<vmem>> -> memref<125x32xf32, #tpu.memory_space<vmem>>
        %dma_start3A_48 = arith.constant 0 : i32
        %dma_start3A_49 = tpu.memref_slice %arg5[%add3A, %dma_start3A_48] : memref<10000x32xf32, #tpu.memory_space<hbm>> -> memref<125x32xf32, #tpu.memory_space<hbm>>
        %dma_start3A_50 = arith.constant 0 : i32
        %dma_start3A_51 = arith.constant 0 : i32
        %dma_start3A_52 = tpu.memref_slice %arg12[%run_scoped3A, %dma_start3A_50, %dma_start3A_51] : memref<10x125x32xf32, #tpu.memory_space<vmem>> -> memref<1x125x32xf32, #tpu.memory_space<vmem>>
        %dma_start3A_53 = tpu.memref_squeeze %dma_start3A_52 : memref<1x125x32xf32, #tpu.memory_space<vmem>> -> memref<125x32xf32, #tpu.memory_space<vmem>>
        %dma_start3A_54 = arith.constant 0 : i32
        %dma_start3A_55 = tpu.memref_slice %arg5[%add3A, %dma_start3A_54] : memref<10000x32xf32, #tpu.memory_space<hbm>> -> memref<125x32xf32, #tpu.memory_space<hbm>>
        tpu.enqueue_dma source(%dma_start3A_55 : memref<125x32xf32, #tpu.memory_space<hbm>>) target(%dma_start3A_53 : memref<125x32xf32, #tpu.memory_space<vmem>>) target_semaphore(%run_scoped3A_44 : memref<!tpu.dma_semaphore, #tpu.memory_space<semaphore_mem>>)
        %dma_wait3A = arith.constant 0 : i32
        %dma_wait3A_56 = arith.constant 0 : i32
        %dma_wait3A_57 = tpu.memref_slice %arg12[%run_scoped3A, %dma_wait3A, %dma_wait3A_56] : memref<10x125x32xf32, #tpu.memory_space<vmem>> -> memref<1x125x32xf32, #tpu.memory_space<vmem>>
        %dma_wait3A_58 = tpu.memref_squeeze %dma_wait3A_57 : memref<1x125x32xf32, #tpu.memory_space<vmem>> -> memref<125x32xf32, #tpu.memory_space<vmem>>
        %dma_wait3A_59 = arith.constant 0 : i32
        %dma_wait3A_60 = tpu.memref_slice %arg5[%add3A, %dma_wait3A_59] : memref<10000x32xf32, #tpu.memory_space<hbm>> -> memref<125x32xf32, #tpu.memory_space<hbm>>
        %dma_wait3A_61 = arith.constant 0 : i32
        %dma_wait3A_62 = arith.constant 0 : i32
        %dma_wait3A_63 = tpu.memref_slice %arg12[%run_scoped3A, %dma_wait3A_61, %dma_wait3A_62] : memref<10x125x32xf32, #tpu.memory_space<vmem>> -> memref<1x125x32xf32, #tpu.memory_space<vmem>>
        %dma_wait3A_64 = tpu.memref_squeeze %dma_wait3A_63 : memref<1x125x32xf32, #tpu.memory_space<vmem>> -> memref<125x32xf32, #tpu.memory_space<vmem>>
        %dma_wait3A_65 = arith.constant 0 : i32
        %dma_wait3A_66 = tpu.memref_slice %arg5[%add3A, %dma_wait3A_65] : memref<10000x32xf32, #tpu.memory_space<hbm>> -> memref<125x32xf32, #tpu.memory_space<hbm>>
        tpu.wait_dma2 semaphore(%run_scoped3A_44 : memref<!tpu.dma_semaphore, #tpu.memory_space<semaphore_mem>>) src(%dma_wait3A_66 : memref<125x32xf32, #tpu.memory_space<hbm>>) dst(%dma_wait3A_64 : memref<125x32xf32, #tpu.memory_space<vmem>>)
        tpu.yield
      }) : () -> ()
      %scan3A_34 = arith.constant 0 : i32
      %scan3A_35 = arith.constant 0 : i32
      %scan3A_36 = arith.constant 125 : i32
      %scan3A_37 = arith.addi %scan3A_35, %scan3A_36 : i32
      %scan3A_38 = arith.constant 1 : i32
      %scan3A_39 = scf.for %scan3A_44 = %scan3A_35 to %scan3A_37 step %scan3A_38 iter_args(%scan3A_45 = %scan3A_34) -> (i32)  : i32 {
        %get3A = arith.constant 1 : i32
        %get3A_46 = arith.index_cast %get3A : i32 to index
        %get3A_47 = arith.index_cast %scan3A_44 : i32 to index
        %get3A_48 = arith.constant 0 : index
        %get3A_49 = tpu.vector_load %arg12[%get3A_46, %get3A_47, %get3A_48] {strides = array<i32>} : memref<10x125x32xf32, #tpu.memory_space<vmem>>, vector<1x1x16xf32>,
        %get3A_50 = vector.shape_cast %get3A_49 : vector<1x1x16xf32> to vector<16xf32>
        %get3A_51 = arith.constant 3 : i32
        %get3A_52 = arith.index_cast %get3A_51 : i32 to index
        %get3A_53 = arith.index_cast %scan3A_44 : i32 to index
        %get3A_54 = arith.constant 0 : index
        %get3A_55 = tpu.vector_load %arg12[%get3A_52, %get3A_53, %get3A_54] {strides = array<i32>} : memref<10x125x32xf32, #tpu.memory_space<vmem>>, vector<1x1x16xf32>,
        %get3A_56 = vector.shape_cast %get3A_55 : vector<1x1x16xf32> to vector<16xf32>
        %mul3A_57 = arith.mulf %get3A_50, %get3A_56 : vector<16xf32>
        %swap3A = arith.constant 1 : i32
        %swap3A_58 = arith.index_cast %swap3A : i32 to index
        %swap3A_59 = arith.index_cast %scan3A_44 : i32 to index
        %swap3A_60 = arith.constant 0 : index
        %swap3A_61 = tpu.vector_load %arg12[%swap3A_58, %swap3A_59, %swap3A_60] {strides = array<i32>} : memref<10x125x32xf32, #tpu.memory_space<vmem>>, vector<1x1x16xf32>,
        %swap3A_62 = vector.shape_cast %swap3A_61 : vector<1x1x16xf32> to vector<16xf32>
        %swap3A_63 = vector.shape_cast %mul3A_57 : vector<16xf32> to vector<1x1x16xf32>
        tpu.vector_store %arg12[%swap3A_58, %swap3A_59, %swap3A_60], %swap3A_63 {strides = array<i32>} : memref<10x125x32xf32, #tpu.memory_space<vmem>>, vector<1x1x16xf32>,
        %get3A_64 = arith.constant 1 : i32
        %get3A_65 = arith.index_cast %get3A_64 : i32 to index
        %get3A_66 = arith.index_cast %scan3A_44 : i32 to index
        %get3A_67 = arith.constant 16 : index
        %get3A_68 = tpu.vector_load %arg12[%get3A_65, %get3A_66, %get3A_67] {strides = array<i32>} : memref<10x125x32xf32, #tpu.memory_space<vmem>>, vector<1x1x16xf32>,
        %get3A_69 = vector.shape_cast %get3A_68 : vector<1x1x16xf32> to vector<16xf32>
        %get3A_70 = arith.constant 3 : i32
        %get3A_71 = arith.index_cast %get3A_70 : i32 to index
        %get3A_72 = arith.index_cast %scan3A_44 : i32 to index
        %get3A_73 = arith.constant 16 : index
        %get3A_74 = tpu.vector_load %arg12[%get3A_71, %get3A_72, %get3A_73] {strides = array<i32>} : memref<10x125x32xf32, #tpu.memory_space<vmem>>, vector<1x1x16xf32>,
        %get3A_75 = vector.shape_cast %get3A_74 : vector<1x1x16xf32> to vector<16xf32>
        %mul3A_76 = arith.mulf %get3A_69, %get3A_75 : vector<16xf32>
        %swap3A_77 = arith.constant 1 : i32
        %swap3A_78 = arith.index_cast %swap3A_77 : i32 to index
        %swap3A_79 = arith.index_cast %scan3A_44 : i32 to index
        %swap3A_80 = arith.constant 16 : index
        %swap3A_81 = tpu.vector_load %arg12[%swap3A_78, %swap3A_79, %swap3A_80] {strides = array<i32>} : memref<10x125x32xf32, #tpu.memory_space<vmem>>, vector<1x1x16xf32>,
        %swap3A_82 = vector.shape_cast %swap3A_81 : vector<1x1x16xf32> to vector<16xf32>
        %swap3A_83 = vector.shape_cast %mul3A_76 : vector<16xf32> to vector<1x1x16xf32>
        tpu.vector_store %arg12[%swap3A_78, %swap3A_79, %swap3A_80], %swap3A_83 {strides = array<i32>} : memref<10x125x32xf32, #tpu.memory_space<vmem>>, vector<1x1x16xf32>,
        %scan3A_84 = arith.constant 0 : i32
        scf.yield %scan3A_84 : i32
      }
      %scan3A_40 = arith.constant 125 : i32
      %add3A_41 = arith.addi %mul3A_2, %add3A : i32
      %run_scoped3A_42 = arith.constant 1 : i32
      "tpu.region"() ({
        %run_scoped3A_44 = tpu.sem_alloc : memref<!tpu.dma_semaphore, #tpu.memory_space<semaphore_mem>>
        %dma_start3A = arith.constant 0 : i32
        %dma_start3A_45 = arith.constant 0 : i32
        %dma_start3A_46 = tpu.memref_slice %arg12[%run_scoped3A_42, %dma_start3A, %dma_start3A_45] : memref<10x125x32xf32, #tpu.memory_space<vmem>> -> memref<1x125x32xf32, #tpu.memory_space<vmem>>
        %dma_start3A_47 = tpu.memref_squeeze %dma_start3A_46 : memref<1x125x32xf32, #tpu.memory_space<vmem>> -> memref<125x32xf32, #tpu.memory_space<vmem>>
        %dma_start3A_48 = arith.constant 0 : i32
        %dma_start3A_49 = tpu.memref_slice %arg8[%add3A_41, %dma_start3A_48] : memref<20000x32xf32, #tpu.memory_space<hbm>> -> memref<125x32xf32, #tpu.memory_space<hbm>>
        %dma_start3A_50 = arith.constant 0 : i32
        %dma_start3A_51 = tpu.memref_slice %arg8[%add3A_41, %dma_start3A_50] : memref<20000x32xf32, #tpu.memory_space<hbm>> -> memref<125x32xf32, #tpu.memory_space<hbm>>
        %dma_start3A_52 = arith.constant 0 : i32
        %dma_start3A_53 = arith.constant 0 : i32
        %dma_start3A_54 = tpu.memref_slice %arg12[%run_scoped3A_42, %dma_start3A_52, %dma_start3A_53] : memref<10x125x32xf32, #tpu.memory_space<vmem>> -> memref<1x125x32xf32, #tpu.memory_space<vmem>>
        %dma_start3A_55 = tpu.memref_squeeze %dma_start3A_54 : memref<1x125x32xf32, #tpu.memory_space<vmem>> -> memref<125x32xf32, #tpu.memory_space<vmem>>
        tpu.enqueue_dma source(%dma_start3A_55 : memref<125x32xf32, #tpu.memory_space<vmem>>) target(%dma_start3A_51 : memref<125x32xf32, #tpu.memory_space<hbm>>) target_semaphore(%run_scoped3A_44 : memref<!tpu.dma_semaphore, #tpu.memory_space<semaphore_mem>>)
        %dma_wait3A = arith.constant 0 : i32
        %dma_wait3A_56 = arith.constant 0 : i32
        %dma_wait3A_57 = tpu.memref_slice %arg12[%run_scoped3A_42, %dma_wait3A, %dma_wait3A_56] : memref<10x125x32xf32, #tpu.memory_space<vmem>> -> memref<1x125x32xf32, #tpu.memory_space<vmem>>
        %dma_wait3A_58 = tpu.memref_squeeze %dma_wait3A_57 : memref<1x125x32xf32, #tpu.memory_space<vmem>> -> memref<125x32xf32, #tpu.memory_space<vmem>>
        %dma_wait3A_59 = arith.constant 0 : i32
        %dma_wait3A_60 = tpu.memref_slice %arg8[%add3A_41, %dma_wait3A_59] : memref<20000x32xf32, #tpu.memory_space<hbm>> -> memref<125x32xf32, #tpu.memory_space<hbm>>
        %dma_wait3A_61 = arith.constant 0 : i32
        %dma_wait3A_62 = tpu.memref_slice %arg8[%add3A_41, %dma_wait3A_61] : memref<20000x32xf32, #tpu.memory_space<hbm>> -> memref<125x32xf32, #tpu.memory_space<hbm>>
        %dma_wait3A_63 = arith.constant 0 : i32
        %dma_wait3A_64 = arith.constant 0 : i32
        %dma_wait3A_65 = tpu.memref_slice %arg12[%run_scoped3A_42, %dma_wait3A_63, %dma_wait3A_64] : memref<10x125x32xf32, #tpu.memory_space<vmem>> -> memref<1x125x32xf32, #tpu.memory_space<vmem>>
        %dma_wait3A_66 = tpu.memref_squeeze %dma_wait3A_65 : memref<1x125x32xf32, #tpu.memory_space<vmem>> -> memref<125x32xf32, #tpu.memory_space<vmem>>
        tpu.wait_dma2 semaphore(%run_scoped3A_44 : memref<!tpu.dma_semaphore, #tpu.memory_space<semaphore_mem>>) src(%dma_wait3A_66 : memref<125x32xf32, #tpu.memory_space<vmem>>) dst(%dma_wait3A_62 : memref<125x32xf32, #tpu.memory_space<hbm>>)
        tpu.yield
      }) : () -> ()
      "tpu.region"() ({
        %run_scoped3A_44 = tpu.sem_alloc : memref<!tpu.dma_semaphore, #tpu.memory_space<semaphore_mem>>
        %dma_start3A = arith.constant 0 : i32
        %dma_start3A_45 = tpu.memref_slice %arg14[%add3A, %dma_start3A] : memref<10000x32xf32, #tpu.memory_space<vmem_shared>> -> memref<125x32xf32, #tpu.memory_space<vmem_shared>>
        %dma_start3A_46 = arith.constant 0 : i32
        %dma_start3A_47 = tpu.memref_slice %arg14[%add3A, %dma_start3A_46] : memref<10000x32xf32, #tpu.memory_space<vmem_shared>> -> memref<125x32xf32, #tpu.memory_space<vmem_shared>>
        tpu.enqueue_dma source(%arg13 : memref<125x32xf32, #tpu.memory_space<vmem>>) target(%dma_start3A_47 : memref<125x32xf32, #tpu.memory_space<vmem_shared>>) target_semaphore(%run_scoped3A_44 : memref<!tpu.dma_semaphore, #tpu.memory_space<semaphore_mem>>)
        %dma_wait3A = arith.constant 0 : i32
        %dma_wait3A_48 = tpu.memref_slice %arg14[%add3A, %dma_wait3A] : memref<10000x32xf32, #tpu.memory_space<vmem_shared>> -> memref<125x32xf32, #tpu.memory_space<vmem_shared>>
        %dma_wait3A_49 = arith.constant 0 : i32
        %dma_wait3A_50 = tpu.memref_slice %arg14[%add3A, %dma_wait3A_49] : memref<10000x32xf32, #tpu.memory_space<vmem_shared>> -> memref<125x32xf32, #tpu.memory_space<vmem_shared>>
        tpu.wait_dma2 semaphore(%run_scoped3A_44 : memref<!tpu.dma_semaphore, #tpu.memory_space<semaphore_mem>>) src(%arg13 : memref<125x32xf32, #tpu.memory_space<vmem>>) dst(%dma_wait3A_50 : memref<125x32xf32, #tpu.memory_space<vmem_shared>>)
        tpu.yield
      }) : () -> ()
      %scan3A_43 = arith.constant 0 : i32
      scf.yield %scan3A_43 : i32
    }
    %scan3A_15 = arith.constant 5 : i32
    %barrier3A = arith.constant 0 : index
    tpu.barrier barrier_id(%barrier3A)
    %scan3A_16 = arith.constant 0 : i32
    %scan3A_17 = arith.constant 0 : i32
    %scan3A_18 = arith.constant 10 : i32
    %scan3A_19 = arith.addi %scan3A_17, %scan3A_18 : i32
    %scan3A_20 = arith.constant 1 : i32
    %scan3A_21 = scf.for %scan3A_23 = %scan3A_17 to %scan3A_19 step %scan3A_20 iter_args(%scan3A_24 = %scan3A_16) -> (i32)  : i32 {
      %dma_start3A = arith.constant 0 : i32
      %dma_start3A_25 = arith.constant 0 : i32
      %dma_start3A_26 = arith.constant 0 : i32
      %dma_start3A_27 = arith.constant 0 : i32
      %dma_start3A_28 = arith.constant 0 : i32
      %dma_start3A_29 = tpu.memref_slice %arg12[%dma_start3A_25, %dma_start3A_27, %dma_start3A_28] : memref<10x125x32xf32, #tpu.memory_space<vmem>> -> memref<1x125x32xf32, #tpu.memory_space<vmem>>
      %dma_start3A_30 = tpu.memref_squeeze %dma_start3A_29 : memref<1x125x32xf32, #tpu.memory_space<vmem>> -> memref<125x32xf32, #tpu.memory_space<vmem>>
      %dma_start3A_31 = arith.constant 0 : i32
      %dma_start3A_32 = tpu.memref_slice %arg10[%dma_start3A, %dma_start3A_31] : memref<160x125xi32, #tpu.memory_space<vmem>> -> memref<1x125xi32, #tpu.memory_space<vmem>>
      %dma_start3A_33 = tpu.memref_squeeze %dma_start3A_32 : memref<1x125xi32, #tpu.memory_space<vmem>> -> memref<125xi32, #tpu.memory_space<vmem>>
      %dma_start3A_34 = arith.constant 0 : i32
      %dma_start3A_35 = arith.constant 0 : i32
      %dma_start3A_36 = tpu.memref_slice %arg8[%dma_start3A_34, %dma_start3A_35] : memref<20000x32xf32, #tpu.memory_space<hbm>> -> memref<20000x32xf32, #tpu.memory_space<hbm>>
      %dma_start3A_37 = tpu.memref_slice %arg15[%dma_start3A_26] : memref<10x!tpu.dma_semaphore, #tpu.memory_space<semaphore_mem>> -> memref<1x!tpu.dma_semaphore, #tpu.memory_space<semaphore_mem>>
      %dma_start3A_38 = tpu.memref_squeeze %dma_start3A_37 : memref<1x!tpu.dma_semaphore, #tpu.memory_space<semaphore_mem>> -> memref<!tpu.dma_semaphore, #tpu.memory_space<semaphore_mem>>
      tpu.enqueue_indirect_dma source(%dma_start3A_36 : memref<20000x32xf32, #tpu.memory_space<hbm>>) target(%dma_start3A_30 : memref<125x32xf32, #tpu.memory_space<vmem>>) offsets(%dma_start3A_33 : memref<125xi32, #tpu.memory_space<vmem>>) semaphore(%dma_start3A_38 : memref<!tpu.dma_semaphore, #tpu.memory_space<semaphore_mem>>)
      %dma_start3A_39 = arith.constant 1 : i32
      %dma_start3A_40 = arith.constant 1 : i32
      %dma_start3A_41 = arith.constant 1 : i32
      %dma_start3A_42 = arith.constant 0 : i32
      %dma_start3A_43 = arith.constant 0 : i32
      %dma_start3A_44 = tpu.memref_slice %arg12[%dma_start3A_40, %dma_start3A_42, %dma_start3A_43] : memref<10x125x32xf32, #tpu.memory_space<vmem>> -> memref<1x125x32xf32, #tpu.memory_space<vmem>>
      %dma_start3A_45 = tpu.memref_squeeze %dma_start3A_44 : memref<1x125x32xf32, #tpu.memory_space<vmem>> -> memref<125x32xf32, #tpu.memory_space<vmem>>
      %dma_start3A_46 = arith.constant 0 : i32
      %dma_start3A_47 = tpu.memref_slice %arg10[%dma_start3A_39, %dma_start3A_46] : memref<160x125xi32, #tpu.memory_space<vmem>> -> memref<1x125xi32, #tpu.memory_space<vmem>>
      %dma_start3A_48 = tpu.memref_squeeze %dma_start3A_47 : memref<1x125xi32, #tpu.memory_space<vmem>> -> memref<125xi32, #tpu.memory_space<vmem>>
      %dma_start3A_49 = arith.constant 0 : i32
      %dma_start3A_50 = arith.constant 0 : i32
      %dma_start3A_51 = tpu.memref_slice %arg8[%dma_start3A_49, %dma_start3A_50] : memref<20000x32xf32, #tpu.memory_space<hbm>> -> memref<20000x32xf32, #tpu.memory_space<hbm>>
      %dma_start3A_52 = tpu.memref_slice %arg15[%dma_start3A_41] : memref<10x!tpu.dma_semaphore, #tpu.memory_space<semaphore_mem>> -> memref<1x!tpu.dma_semaphore, #tpu.memory_space<semaphore_mem>>
      %dma_start3A_53 = tpu.memref_squeeze %dma_start3A_52 : memref<1x!tpu.dma_semaphore, #tpu.memory_space<semaphore_mem>> -> memref<!tpu.dma_semaphore, #tpu.memory_space<semaphore_mem>>
      tpu.enqueue_indirect_dma source(%dma_start3A_51 : memref<20000x32xf32, #tpu.memory_space<hbm>>) target(%dma_start3A_45 : memref<125x32xf32, #tpu.memory_space<vmem>>) offsets(%dma_start3A_48 : memref<125xi32, #tpu.memory_space<vmem>>) semaphore(%dma_start3A_53 : memref<!tpu.dma_semaphore, #tpu.memory_space<semaphore_mem>>)
      %dma_start3A_54 = arith.constant 2 : i32
      %dma_start3A_55 = arith.constant 2 : i32
      %dma_start3A_56 = arith.constant 2 : i32
      %dma_start3A_57 = arith.constant 0 : i32
      %dma_start3A_58 = arith.constant 0 : i32
      %dma_start3A_59 = tpu.memref_slice %arg12[%dma_start3A_55, %dma_start3A_57, %dma_start3A_58] : memref<10x125x32xf32, #tpu.memory_space<vmem>> -> memref<1x125x32xf32, #tpu.memory_space<vmem>>
      %dma_start3A_60 = tpu.memref_squeeze %dma_start3A_59 : memref<1x125x32xf32, #tpu.memory_space<vmem>> -> memref<125x32xf32, #tpu.memory_space<vmem>>
      %dma_start3A_61 = arith.constant 0 : i32
      %dma_start3A_62 = tpu.memref_slice %arg10[%dma_start3A_54, %dma_start3A_61] : memref<160x125xi32, #tpu.memory_space<vmem>> -> memref<1x125xi32, #tpu.memory_space<vmem>>
      %dma_start3A_63 = tpu.memref_squeeze %dma_start3A_62 : memref<1x125xi32, #tpu.memory_space<vmem>> -> memref<125xi32, #tpu.memory_space<vmem>>
      %dma_start3A_64 = arith.constant 0 : i32
      %dma_start3A_65 = arith.constant 0 : i32
      %dma_start3A_66 = tpu.memref_slice %arg8[%dma_start3A_64, %dma_start3A_65] : memref<20000x32xf32, #tpu.memory_space<hbm>> -> memref<20000x32xf32, #tpu.memory_space<hbm>>
      %dma_start3A_67 = tpu.memref_slice %arg15[%dma_start3A_56] : memref<10x!tpu.dma_semaphore, #tpu.memory_space<semaphore_mem>> -> memref<1x!tpu.dma_semaphore, #tpu.memory_space<semaphore_mem>>
      %dma_start3A_68 = tpu.memref_squeeze %dma_start3A_67 : memref<1x!tpu.dma_semaphore, #tpu.memory_space<semaphore_mem>> -> memref<!tpu.dma_semaphore, #tpu.memory_space<semaphore_mem>>
      tpu.enqueue_indirect_dma source(%dma_start3A_66 : memref<20000x32xf32, #tpu.memory_space<hbm>>) target(%dma_start3A_60 : memref<125x32xf32, #tpu.memory_space<vmem>>) offsets(%dma_start3A_63 : memref<125xi32, #tpu.memory_space<vmem>>) semaphore(%dma_start3A_68 : memref<!tpu.dma_semaphore, #tpu.memory_space<semaphore_mem>>)
      %dma_start3A_69 = arith.constant 3 : i32
      %dma_start3A_70 = arith.constant 3 : i32
      %dma_start3A_71 = arith.constant 3 : i32
      %dma_start3A_72 = arith.constant 0 : i32
      %dma_start3A_73 = arith.constant 0 : i32
      %dma_start3A_74 = tpu.memref_slice %arg12[%dma_start3A_70, %dma_start3A_72, %dma_start3A_73] : memref<10x125x32xf32, #tpu.memory_space<vmem>> -> memref<1x125x32xf32, #tpu.memory_space<vmem>>
      %dma_start3A_75 = tpu.memref_squeeze %dma_start3A_74 : memref<1x125x32xf32, #tpu.memory_space<vmem>> -> memref<125x32xf32, #tpu.memory_space<vmem>>
      %dma_start3A_76 = arith.constant 0 : i32
      %dma_start3A_77 = tpu.memref_slice %arg10[%dma_start3A_69, %dma_start3A_76] : memref<160x125xi32, #tpu.memory_space<vmem>> -> memref<1x125xi32, #tpu.memory_space<vmem>>
      %dma_start3A_78 = tpu.memref_squeeze %dma_start3A_77 : memref<1x125xi32, #tpu.memory_space<vmem>> -> memref<125xi32, #tpu.memory_space<vmem>>
      %dma_start3A_79 = arith.constant 0 : i32
      %dma_start3A_80 = arith.constant 0 : i32
      %dma_start3A_81 = tpu.memref_slice %arg8[%dma_start3A_79, %dma_start3A_80] : memref<20000x32xf32, #tpu.memory_space<hbm>> -> memref<20000x32xf32, #tpu.memory_space<hbm>>
      %dma_start3A_82 = tpu.memref_slice %arg15[%dma_start3A_71] : memref<10x!tpu.dma_semaphore, #tpu.memory_space<semaphore_mem>> -> memref<1x!tpu.dma_semaphore, #tpu.memory_space<semaphore_mem>>
      %dma_start3A_83 = tpu.memref_squeeze %dma_start3A_82 : memref<1x!tpu.dma_semaphore, #tpu.memory_space<semaphore_mem>> -> memref<!tpu.dma_semaphore, #tpu.memory_space<semaphore_mem>>
      tpu.enqueue_indirect_dma source(%dma_start3A_81 : memref<20000x32xf32, #tpu.memory_space<hbm>>) target(%dma_start3A_75 : memref<125x32xf32, #tpu.memory_space<vmem>>) offsets(%dma_start3A_78 : memref<125xi32, #tpu.memory_space<vmem>>) semaphore(%dma_start3A_83 : memref<!tpu.dma_semaphore, #tpu.memory_space<semaphore_mem>>)
      %dma_start3A_84 = arith.constant 4 : i32
      %dma_start3A_85 = arith.constant 4 : i32
      %dma_start3A_86 = arith.constant 4 : i32
      %dma_start3A_87 = arith.constant 0 : i32
      %dma_start3A_88 = arith.constant 0 : i32
      %dma_start3A_89 = tpu.memref_slice %arg12[%dma_start3A_85, %dma_start3A_87, %dma_start3A_88] : memref<10x125x32xf32, #tpu.memory_space<vmem>> -> memref<1x125x32xf32, #tpu.memory_space<vmem>>
      %dma_start3A_90 = tpu.memref_squeeze %dma_start3A_89 : memref<1x125x32xf32, #tpu.memory_space<vmem>> -> memref<125x32xf32, #tpu.memory_space<vmem>>
      %dma_start3A_91 = arith.constant 0 : i32
      %dma_start3A_92 = tpu.memref_slice %arg10[%dma_start3A_84, %dma_start3A_91] : memref<160x125xi32, #tpu.memory_space<vmem>> -> memref<1x125xi32, #tpu.memory_space<vmem>>
      %dma_start3A_93 = tpu.memref_squeeze %dma_start3A_92 : memref<1x125xi32, #tpu.memory_space<vmem>> -> memref<125xi32, #tpu.memory_space<vmem>>
      %dma_start3A_94 = arith.constant 0 : i32
      %dma_start3A_95 = arith.constant 0 : i32
      %dma_start3A_96 = tpu.memref_slice %arg8[%dma_start3A_94, %dma_start3A_95] : memref<20000x32xf32, #tpu.memory_space<hbm>> -> memref<20000x32xf32, #tpu.memory_space<hbm>>
      %dma_start3A_97 = tpu.memref_slice %arg15[%dma_start3A_86] : memref<10x!tpu.dma_semaphore, #tpu.memory_space<semaphore_mem>> -> memref<1x!tpu.dma_semaphore, #tpu.memory_space<semaphore_mem>>
      %dma_start3A_98 = tpu.memref_squeeze %dma_start3A_97 : memref<1x!tpu.dma_semaphore, #tpu.memory_space<semaphore_mem>> -> memref<!tpu.dma_semaphore, #tpu.memory_space<semaphore_mem>>
      tpu.enqueue_indirect_dma source(%dma_start3A_96 : memref<20000x32xf32, #tpu.memory_space<hbm>>) target(%dma_start3A_90 : memref<125x32xf32, #tpu.memory_space<vmem>>) offsets(%dma_start3A_93 : memref<125xi32, #tpu.memory_space<vmem>>) semaphore(%dma_start3A_98 : memref<!tpu.dma_semaphore, #tpu.memory_space<semaphore_mem>>)
      %dma_start3A_99 = arith.constant 5 : i32
      %dma_start3A_100 = arith.constant 5 : i32
      %dma_start3A_101 = arith.constant 5 : i32
      %dma_start3A_102 = arith.constant 0 : i32
      %dma_start3A_103 = arith.constant 0 : i32
      %dma_start3A_104 = tpu.memref_slice %arg12[%dma_start3A_100, %dma_start3A_102, %dma_start3A_103] : memref<10x125x32xf32, #tpu.memory_space<vmem>> -> memref<1x125x32xf32, #tpu.memory_space<vmem>>
      %dma_start3A_105 = tpu.memref_squeeze %dma_start3A_104 : memref<1x125x32xf32, #tpu.memory_space<vmem>> -> memref<125x32xf32, #tpu.memory_space<vmem>>
      %dma_start3A_106 = arith.constant 0 : i32
      %dma_start3A_107 = tpu.memref_slice %arg10[%dma_start3A_99, %dma_start3A_106] : memref<160x125xi32, #tpu.memory_space<vmem>> -> memref<1x125xi32, #tpu.memory_space<vmem>>
      %dma_start3A_108 = tpu.memref_squeeze %dma_start3A_107 : memref<1x125xi32, #tpu.memory_space<vmem>> -> memref<125xi32, #tpu.memory_space<vmem>>
      %dma_start3A_109 = arith.constant 0 : i32
      %dma_start3A_110 = arith.constant 0 : i32
      %dma_start3A_111 = tpu.memref_slice %arg8[%dma_start3A_109, %dma_start3A_110] : memref<20000x32xf32, #tpu.memory_space<hbm>> -> memref<20000x32xf32, #tpu.memory_space<hbm>>
      %dma_start3A_112 = tpu.memref_slice %arg15[%dma_start3A_101] : memref<10x!tpu.dma_semaphore, #tpu.memory_space<semaphore_mem>> -> memref<1x!tpu.dma_semaphore, #tpu.memory_space<semaphore_mem>>
      %dma_start3A_113 = tpu.memref_squeeze %dma_start3A_112 : memref<1x!tpu.dma_semaphore, #tpu.memory_space<semaphore_mem>> -> memref<!tpu.dma_semaphore, #tpu.memory_space<semaphore_mem>>
      tpu.enqueue_indirect_dma source(%dma_start3A_111 : memref<20000x32xf32, #tpu.memory_space<hbm>>) target(%dma_start3A_105 : memref<125x32xf32, #tpu.memory_space<vmem>>) offsets(%dma_start3A_108 : memref<125xi32, #tpu.memory_space<vmem>>) semaphore(%dma_start3A_113 : memref<!tpu.dma_semaphore, #tpu.memory_space<semaphore_mem>>)
      %dma_start3A_114 = arith.constant 6 : i32
      %dma_start3A_115 = arith.constant 6 : i32
      %dma_start3A_116 = arith.constant 6 : i32
      %dma_start3A_117 = arith.constant 0 : i32
      %dma_start3A_118 = arith.constant 0 : i32
      %dma_start3A_119 = tpu.memref_slice %arg12[%dma_start3A_115, %dma_start3A_117, %dma_start3A_118] : memref<10x125x32xf32, #tpu.memory_space<vmem>> -> memref<1x125x32xf32, #tpu.memory_space<vmem>>
      %dma_start3A_120 = tpu.memref_squeeze %dma_start3A_119 : memref<1x125x32xf32, #tpu.memory_space<vmem>> -> memref<125x32xf32, #tpu.memory_space<vmem>>
      %dma_start3A_121 = arith.constant 0 : i32
      %dma_start3A_122 = tpu.memref_slice %arg10[%dma_start3A_114, %dma_start3A_121] : memref<160x125xi32, #tpu.memory_space<vmem>> -> memref<1x125xi32, #tpu.memory_space<vmem>>
      %dma_start3A_123 = tpu.memref_squeeze %dma_start3A_122 : memref<1x125xi32, #tpu.memory_space<vmem>> -> memref<125xi32, #tpu.memory_space<vmem>>
      %dma_start3A_124 = arith.constant 0 : i32
      %dma_start3A_125 = arith.constant 0 : i32
      %dma_start3A_126 = tpu.memref_slice %arg8[%dma_start3A_124, %dma_start3A_125] : memref<20000x32xf32, #tpu.memory_space<hbm>> -> memref<20000x32xf32, #tpu.memory_space<hbm>>
      %dma_start3A_127 = tpu.memref_slice %arg15[%dma_start3A_116] : memref<10x!tpu.dma_semaphore, #tpu.memory_space<semaphore_mem>> -> memref<1x!tpu.dma_semaphore, #tpu.memory_space<semaphore_mem>>
      %dma_start3A_128 = tpu.memref_squeeze %dma_start3A_127 : memref<1x!tpu.dma_semaphore, #tpu.memory_space<semaphore_mem>> -> memref<!tpu.dma_semaphore, #tpu.memory_space<semaphore_mem>>
      tpu.enqueue_indirect_dma source(%dma_start3A_126 : memref<20000x32xf32, #tpu.memory_space<hbm>>) target(%dma_start3A_120 : memref<125x32xf32, #tpu.memory_space<vmem>>) offsets(%dma_start3A_123 : memref<125xi32, #tpu.memory_space<vmem>>) semaphore(%dma_start3A_128 : memref<!tpu.dma_semaphore, #tpu.memory_space<semaphore_mem>>)
      %dma_start3A_129 = arith.constant 7 : i32
      %dma_start3A_130 = arith.constant 7 : i32
      %dma_start3A_131 = arith.constant 7 : i32
      %dma_start3A_132 = arith.constant 0 : i32
      %dma_start3A_133 = arith.constant 0 : i32
      %dma_start3A_134 = tpu.memref_slice %arg12[%dma_start3A_130, %dma_start3A_132, %dma_start3A_133] : memref<10x125x32xf32, #tpu.memory_space<vmem>> -> memref<1x125x32xf32, #tpu.memory_space<vmem>>
      %dma_start3A_135 = tpu.memref_squeeze %dma_start3A_134 : memref<1x125x32xf32, #tpu.memory_space<vmem>> -> memref<125x32xf32, #tpu.memory_space<vmem>>
      %dma_start3A_136 = arith.constant 0 : i32
      %dma_start3A_137 = tpu.memref_slice %arg10[%dma_start3A_129, %dma_start3A_136] : memref<160x125xi32, #tpu.memory_space<vmem>> -> memref<1x125xi32, #tpu.memory_space<vmem>>
      %dma_start3A_138 = tpu.memref_squeeze %dma_start3A_137 : memref<1x125xi32, #tpu.memory_space<vmem>> -> memref<125xi32, #tpu.memory_space<vmem>>
      %dma_start3A_139 = arith.constant 0 : i32
      %dma_start3A_140 = arith.constant 0 : i32
      %dma_start3A_141 = tpu.memref_slice %arg8[%dma_start3A_139, %dma_start3A_140] : memref<20000x32xf32, #tpu.memory_space<hbm>> -> memref<20000x32xf32, #tpu.memory_space<hbm>>
      %dma_start3A_142 = tpu.memref_slice %arg15[%dma_start3A_131] : memref<10x!tpu.dma_semaphore, #tpu.memory_space<semaphore_mem>> -> memref<1x!tpu.dma_semaphore, #tpu.memory_space<semaphore_mem>>
      %dma_start3A_143 = tpu.memref_squeeze %dma_start3A_142 : memref<1x!tpu.dma_semaphore, #tpu.memory_space<semaphore_mem>> -> memref<!tpu.dma_semaphore, #tpu.memory_space<semaphore_mem>>
      tpu.enqueue_indirect_dma source(%dma_start3A_141 : memref<20000x32xf32, #tpu.memory_space<hbm>>) target(%dma_start3A_135 : memref<125x32xf32, #tpu.memory_space<vmem>>) offsets(%dma_start3A_138 : memref<125xi32, #tpu.memory_space<vmem>>) semaphore(%dma_start3A_143 : memref<!tpu.dma_semaphore, #tpu.memory_space<semaphore_mem>>)
      %dma_start3A_144 = arith.constant 8 : i32
      %dma_start3A_145 = arith.constant 8 : i32
      %dma_start3A_146 = arith.constant 8 : i32
      %dma_start3A_147 = arith.constant 0 : i32
      %dma_start3A_148 = arith.constant 0 : i32
      %dma_start3A_149 = tpu.memref_slice %arg12[%dma_start3A_145, %dma_start3A_147, %dma_start3A_148] : memref<10x125x32xf32, #tpu.memory_space<vmem>> -> memref<1x125x32xf32, #tpu.memory_space<vmem>>
      %dma_start3A_150 = tpu.memref_squeeze %dma_start3A_149 : memref<1x125x32xf32, #tpu.memory_space<vmem>> -> memref<125x32xf32, #tpu.memory_space<vmem>>
      %dma_start3A_151 = arith.constant 0 : i32
      %dma_start3A_152 = tpu.memref_slice %arg10[%dma_start3A_144, %dma_start3A_151] : memref<160x125xi32, #tpu.memory_space<vmem>> -> memref<1x125xi32, #tpu.memory_space<vmem>>
      %dma_start3A_153 = tpu.memref_squeeze %dma_start3A_152 : memref<1x125xi32, #tpu.memory_space<vmem>> -> memref<125xi32, #tpu.memory_space<vmem>>
      %dma_start3A_154 = arith.constant 0 : i32
      %dma_start3A_155 = arith.constant 0 : i32
      %dma_start3A_156 = tpu.memref_slice %arg8[%dma_start3A_154, %dma_start3A_155] : memref<20000x32xf32, #tpu.memory_space<hbm>> -> memref<20000x32xf32, #tpu.memory_space<hbm>>
      %dma_start3A_157 = tpu.memref_slice %arg15[%dma_start3A_146] : memref<10x!tpu.dma_semaphore, #tpu.memory_space<semaphore_mem>> -> memref<1x!tpu.dma_semaphore, #tpu.memory_space<semaphore_mem>>
      %dma_start3A_158 = tpu.memref_squeeze %dma_start3A_157 : memref<1x!tpu.dma_semaphore, #tpu.memory_space<semaphore_mem>> -> memref<!tpu.dma_semaphore, #tpu.memory_space<semaphore_mem>>
      tpu.enqueue_indirect_dma source(%dma_start3A_156 : memref<20000x32xf32, #tpu.memory_space<hbm>>) target(%dma_start3A_150 : memref<125x32xf32, #tpu.memory_space<vmem>>) offsets(%dma_start3A_153 : memref<125xi32, #tpu.memory_space<vmem>>) semaphore(%dma_start3A_158 : memref<!tpu.dma_semaphore, #tpu.memory_space<semaphore_mem>>)
      %scan3A_159 = arith.constant 0 : i32
      %scan3A_160 = arith.constant 0 : i32
      %scan3A_161 = arith.constant 160 : i32
      %scan3A_162 = arith.addi %scan3A_160, %scan3A_161 : i32
      %scan3A_163 = arith.constant 1 : i32
      %scan3A_164 = scf.for %scan3A_264 = %scan3A_160 to %scan3A_162 step %scan3A_163 iter_args(%scan3A_265 = %scan3A_159) -> (i32)  : i32 {
        %jit3A = arith.constant 10 : i32
        %eq3A_266 = arith.constant 0 : i32
        %eq3A_267 = arith.cmpi eq, %jit3A, %eq3A_266 : i32
        %jit3A_268 = arith.constant 1 : i32
        %select_n3A = arith.select %eq3A_267, %jit3A_268, %jit3A : i32
        %rem3A = arith.remsi %scan3A_264, %select_n3A : i32
        %ne3A = arith.constant 0 : i32
        %ne3A_269 = arith.cmpi ne, %rem3A, %ne3A : i32
        %lt3A = arith.constant 0 : i32
        %lt3A_270 = arith.cmpi slt, %rem3A, %lt3A : i32
        %lt3A_271 = arith.constant 0 : i32
        %lt3A_272 = arith.cmpi slt, %select_n3A, %lt3A_271 : i32
        %ne3A_273 = arith.xori %lt3A_270, %lt3A_272 : i1
        %and3A = arith.andi %ne3A_273, %ne3A_269 : i1
        %add3A_274 = arith.addi %rem3A, %select_n3A : i32
        %select_n3A_275 = arith.select %and3A, %add3A_274, %rem3A : i32
        %add3A_276 = arith.constant 10 : i32
        %add3A_277 = arith.addi %scan3A_264, %add3A_276 : i32
        %sub3A = arith.constant 1 : i32
        %sub3A_278 = arith.subi %add3A_277, %sub3A : i32
        %jit3A_279 = arith.constant 10 : i32
        %eq3A_280 = arith.constant 0 : i32
        %eq3A_281 = arith.cmpi eq, %jit3A_279, %eq3A_280 : i32
        %jit3A_282 = arith.constant 1 : i32
        %select_n3A_283 = arith.select %eq3A_281, %jit3A_282, %jit3A_279 : i32
        %rem3A_284 = arith.remsi %sub3A_278, %select_n3A_283 : i32
        %ne3A_285 = arith.constant 0 : i32
        %ne3A_286 = arith.cmpi ne, %rem3A_284, %ne3A_285 : i32
        %lt3A_287 = arith.constant 0 : i32
        %lt3A_288 = arith.cmpi slt, %rem3A_284, %lt3A_287 : i32
        %lt3A_289 = arith.constant 0 : i32
        %lt3A_290 = arith.cmpi slt, %select_n3A_283, %lt3A_289 : i32
        %ne3A_291 = arith.xori %lt3A_288, %lt3A_290 : i1
        %and3A_292 = arith.andi %ne3A_291, %ne3A_286 : i1
        %add3A_293 = arith.addi %rem3A_284, %select_n3A_283 : i32
        %select_n3A_294 = arith.select %and3A_292, %add3A_293, %rem3A_284 : i32
        %ge3A = arith.constant 1 : i32
        %ge3A_295 = arith.cmpi sge, %scan3A_264, %ge3A : i32
        %convert_element_type3A_296 = arith.extui %ge3A_295 : i1 to i32
        %cond3A_297 = arith.constant 0 : i32
        %cond3A_298 = arith.cmpi ne, %convert_element_type3A_296, %cond3A_297 : i32
        scf.if %cond3A_298 {
          %sub3A_333 = arith.constant 1 : i32
          %sub3A_334 = arith.subi %scan3A_264, %sub3A_333 : i32
          %dma_wait3A_335 = arith.constant 0 : i32
          %dma_wait3A_336 = arith.constant 0 : i32
          %dma_wait3A_337 = tpu.memref_slice %arg12[%select_n3A_294, %dma_wait3A_335, %dma_wait3A_336] : memref<10x125x32xf32, #tpu.memory_space<vmem>> -> memref<1x125x32xf32, #tpu.memory_space<vmem>>
          %dma_wait3A_338 = tpu.memref_squeeze %dma_wait3A_337 : memref<1x125x32xf32, #tpu.memory_space<vmem>> -> memref<125x32xf32, #tpu.memory_space<vmem>>
          %dma_wait3A_339 = arith.constant 0 : i32
          %dma_wait3A_340 = tpu.memref_slice %arg11[%sub3A_334, %dma_wait3A_339] : memref<160x125xi32, #tpu.memory_space<vmem>> -> memref<1x125xi32, #tpu.memory_space<vmem>>
          %dma_wait3A_341 = tpu.memref_squeeze %dma_wait3A_340 : memref<1x125xi32, #tpu.memory_space<vmem>> -> memref<125xi32, #tpu.memory_space<vmem>>
          %dma_wait3A_342 = arith.constant 0 : i32
          %dma_wait3A_343 = arith.constant 0 : i32
          %dma_wait3A_344 = tpu.memref_slice %arg14[%dma_wait3A_342, %dma_wait3A_343] : memref<10000x32xf32, #tpu.memory_space<vmem_shared>> -> memref<10000x32xf32, #tpu.memory_space<vmem_shared>>
          %dma_wait3A_345 = tpu.memref_slice %arg16[%select_n3A_294] : memref<10x!tpu.dma_semaphore, #tpu.memory_space<semaphore_mem>> -> memref<1x!tpu.dma_semaphore, #tpu.memory_space<semaphore_mem>>
          %dma_wait3A_346 = tpu.memref_squeeze %dma_wait3A_345 : memref<1x!tpu.dma_semaphore, #tpu.memory_space<semaphore_mem>> -> memref<!tpu.dma_semaphore, #tpu.memory_space<semaphore_mem>>
          tpu.wait_indirect_dma semaphore(%dma_wait3A_346 : memref<!tpu.dma_semaphore, #tpu.memory_space<semaphore_mem>>) src(%dma_wait3A_338 : memref<125x32xf32, #tpu.memory_space<vmem>>) dst(%dma_wait3A_344 : memref<10000x32xf32, #tpu.memory_space<vmem_shared>>)
        } else {
        }
        %add3A_299 = arith.constant 10 : i32
        %add3A_300 = arith.addi %scan3A_264, %add3A_299 : i32
        %sub3A_301 = arith.constant 1 : i32
        %sub3A_302 = arith.subi %add3A_300, %sub3A_301 : i32
        %lt3A_303 = arith.constant 160 : i32
        %lt3A_304 = arith.cmpi slt, %sub3A_302, %lt3A_303 : i32
        %convert_element_type3A_305 = arith.extui %lt3A_304 : i1 to i32
        %cond3A_306 = arith.constant 0 : i32
        %cond3A_307 = arith.cmpi ne, %convert_element_type3A_305, %cond3A_306 : i32
        scf.if %cond3A_307 {
          %add3A_333 = arith.constant 10 : i32
          %add3A_334 = arith.addi %scan3A_264, %add3A_333 : i32
          %sub3A_335 = arith.constant 1 : i32
          %sub3A_336 = arith.subi %add3A_334, %sub3A_335 : i32
          %dma_start3A_337 = arith.constant 0 : i32
          %dma_start3A_338 = arith.constant 0 : i32
          %dma_start3A_339 = tpu.memref_slice %arg12[%select_n3A_294, %dma_start3A_337, %dma_start3A_338] : memref<10x125x32xf32, #tpu.memory_space<vmem>> -> memref<1x125x32xf32, #tpu.memory_space<vmem>>
          %dma_start3A_340 = tpu.memref_squeeze %dma_start3A_339 : memref<1x125x32xf32, #tpu.memory_space<vmem>> -> memref<125x32xf32, #tpu.memory_space<vmem>>
          %dma_start3A_341 = arith.constant 0 : i32
          %dma_start3A_342 = tpu.memref_slice %arg10[%sub3A_336, %dma_start3A_341] : memref<160x125xi32, #tpu.memory_space<vmem>> -> memref<1x125xi32, #tpu.memory_space<vmem>>
          %dma_start3A_343 = tpu.memref_squeeze %dma_start3A_342 : memref<1x125xi32, #tpu.memory_space<vmem>> -> memref<125xi32, #tpu.memory_space<vmem>>
          %dma_start3A_344 = arith.constant 0 : i32
          %dma_start3A_345 = arith.constant 0 : i32
          %dma_start3A_346 = tpu.memref_slice %arg8[%dma_start3A_344, %dma_start3A_345] : memref<20000x32xf32, #tpu.memory_space<hbm>> -> memref<20000x32xf32, #tpu.memory_space<hbm>>
          %dma_start3A_347 = tpu.memref_slice %arg15[%select_n3A_294] : memref<10x!tpu.dma_semaphore, #tpu.memory_space<semaphore_mem>> -> memref<1x!tpu.dma_semaphore, #tpu.memory_space<semaphore_mem>>
          %dma_start3A_348 = tpu.memref_squeeze %dma_start3A_347 : memref<1x!tpu.dma_semaphore, #tpu.memory_space<semaphore_mem>> -> memref<!tpu.dma_semaphore, #tpu.memory_space<semaphore_mem>>
          tpu.enqueue_indirect_dma source(%dma_start3A_346 : memref<20000x32xf32, #tpu.memory_space<hbm>>) target(%dma_start3A_340 : memref<125x32xf32, #tpu.memory_space<vmem>>) offsets(%dma_start3A_343 : memref<125xi32, #tpu.memory_space<vmem>>) semaphore(%dma_start3A_348 : memref<!tpu.dma_semaphore, #tpu.memory_space<semaphore_mem>>)
        } else {
        }
        %dma_wait3A_308 = arith.constant 0 : i32
        %dma_wait3A_309 = arith.constant 0 : i32
        %dma_wait3A_310 = tpu.memref_slice %arg12[%select_n3A_275, %dma_wait3A_308, %dma_wait3A_309] : memref<10x125x32xf32, #tpu.memory_space<vmem>> -> memref<1x125x32xf32, #tpu.memory_space<vmem>>
        %dma_wait3A_311 = tpu.memref_squeeze %dma_wait3A_310 : memref<1x125x32xf32, #tpu.memory_space<vmem>> -> memref<125x32xf32, #tpu.memory_space<vmem>>
        %dma_wait3A_312 = arith.constant 0 : i32
        %dma_wait3A_313 = tpu.memref_slice %arg10[%scan3A_264, %dma_wait3A_312] : memref<160x125xi32, #tpu.memory_space<vmem>> -> memref<1x125xi32, #tpu.memory_space<vmem>>
        %dma_wait3A_314 = tpu.memref_squeeze %dma_wait3A_313 : memref<1x125xi32, #tpu.memory_space<vmem>> -> memref<125xi32, #tpu.memory_space<vmem>>
        %dma_wait3A_315 = arith.constant 0 : i32
        %dma_wait3A_316 = arith.constant 0 : i32
        %dma_wait3A_317 = tpu.memref_slice %arg8[%dma_wait3A_315, %dma_wait3A_316] : memref<20000x32xf32, #tpu.memory_space<hbm>> -> memref<20000x32xf32, #tpu.memory_space<hbm>>
        %dma_wait3A_318 = tpu.memref_slice %arg15[%select_n3A_275] : memref<10x!tpu.dma_semaphore, #tpu.memory_space<semaphore_mem>> -> memref<1x!tpu.dma_semaphore, #tpu.memory_space<semaphore_mem>>
        %dma_wait3A_319 = tpu.memref_squeeze %dma_wait3A_318 : memref<1x!tpu.dma_semaphore, #tpu.memory_space<semaphore_mem>> -> memref<!tpu.dma_semaphore, #tpu.memory_space<semaphore_mem>>
        tpu.wait_indirect_dma semaphore(%dma_wait3A_319 : memref<!tpu.dma_semaphore, #tpu.memory_space<semaphore_mem>>) src(%dma_wait3A_317 : memref<20000x32xf32, #tpu.memory_space<hbm>>) dst(%dma_wait3A_311 : memref<125x32xf32, #tpu.memory_space<vmem>>)
        %dma_start3A_320 = arith.constant 0 : i32
        %dma_start3A_321 = arith.constant 0 : i32
        %dma_start3A_322 = tpu.memref_slice %arg12[%select_n3A_275, %dma_start3A_320, %dma_start3A_321] : memref<10x125x32xf32, #tpu.memory_space<vmem>> -> memref<1x125x32xf32, #tpu.memory_space<vmem>>
        %dma_start3A_323 = tpu.memref_squeeze %dma_start3A_322 : memref<1x125x32xf32, #tpu.memory_space<vmem>> -> memref<125x32xf32, #tpu.memory_space<vmem>>
        %dma_start3A_324 = arith.constant 0 : i32
        %dma_start3A_325 = tpu.memref_slice %arg11[%scan3A_264, %dma_start3A_324] : memref<160x125xi32, #tpu.memory_space<vmem>> -> memref<1x125xi32, #tpu.memory_space<vmem>>
        %dma_start3A_326 = tpu.memref_squeeze %dma_start3A_325 : memref<1x125xi32, #tpu.memory_space<vmem>> -> memref<125xi32, #tpu.memory_space<vmem>>
        %dma_start3A_327 = arith.constant 0 : i32
        %dma_start3A_328 = arith.constant 0 : i32
        %dma_start3A_329 = tpu.memref_slice %arg14[%dma_start3A_327, %dma_start3A_328] : memref<10000x32xf32, #tpu.memory_space<vmem_shared>> -> memref<10000x32xf32, #tpu.memory_space<vmem_shared>>
        %dma_start3A_330 = tpu.memref_slice %arg16[%select_n3A_275] : memref<10x!tpu.dma_semaphore, #tpu.memory_space<semaphore_mem>> -> memref<1x!tpu.dma_semaphore, #tpu.memory_space<semaphore_mem>>
        %dma_start3A_331 = tpu.memref_squeeze %dma_start3A_330 : memref<1x!tpu.dma_semaphore, #tpu.memory_space<semaphore_mem>> -> memref<!tpu.dma_semaphore, #tpu.memory_space<semaphore_mem>>
        tpu.enqueue_indirect_dma source(%dma_start3A_323 : memref<125x32xf32, #tpu.memory_space<vmem>>) target(%dma_start3A_329 : memref<10000x32xf32, #tpu.memory_space<vmem_shared>>) offsets(%dma_start3A_326 : memref<125xi32, #tpu.memory_space<vmem>>) semaphore(%dma_start3A_331 : memref<!tpu.dma_semaphore, #tpu.memory_space<semaphore_mem>>) {add = true}
        %scan3A_332 = arith.constant 0 : i32
        scf.yield %scan3A_332 : i32
      }
      %scan3A_165 = arith.constant 160 : i32
      %dma_wait3A = arith.constant 9 : i32
      %dma_wait3A_166 = arith.constant 159 : i32
      %dma_wait3A_167 = arith.constant 9 : i32
      %dma_wait3A_168 = arith.constant 0 : i32
      %dma_wait3A_169 = arith.constant 0 : i32
      %dma_wait3A_170 = tpu.memref_slice %arg12[%dma_wait3A, %dma_wait3A_168, %dma_wait3A_169] : memref<10x125x32xf32, #tpu.memory_space<vmem>> -> memref<1x125x32xf32, #tpu.memory_space<vmem>>
      %dma_wait3A_171 = tpu.memref_squeeze %dma_wait3A_170 : memref<1x125x32xf32, #tpu.memory_space<vmem>> -> memref<125x32xf32, #tpu.memory_space<vmem>>
      %dma_wait3A_172 = arith.constant 0 : i32
      %dma_wait3A_173 = tpu.memref_slice %arg11[%dma_wait3A_166, %dma_wait3A_172] : memref<160x125xi32, #tpu.memory_space<vmem>> -> memref<1x125xi32, #tpu.memory_space<vmem>>
      %dma_wait3A_174 = tpu.memref_squeeze %dma_wait3A_173 : memref<1x125xi32, #tpu.memory_space<vmem>> -> memref<125xi32, #tpu.memory_space<vmem>>
      %dma_wait3A_175 = arith.constant 0 : i32
      %dma_wait3A_176 = arith.constant 0 : i32
      %dma_wait3A_177 = tpu.memref_slice %arg14[%dma_wait3A_175, %dma_wait3A_176] : memref<10000x32xf32, #tpu.memory_space<vmem_shared>> -> memref<10000x32xf32, #tpu.memory_space<vmem_shared>>
      %dma_wait3A_178 = tpu.memref_slice %arg16[%dma_wait3A_167] : memref<10x!tpu.dma_semaphore, #tpu.memory_space<semaphore_mem>> -> memref<1x!tpu.dma_semaphore, #tpu.memory_space<semaphore_mem>>
      %dma_wait3A_179 = tpu.memref_squeeze %dma_wait3A_178 : memref<1x!tpu.dma_semaphore, #tpu.memory_space<semaphore_mem>> -> memref<!tpu.dma_semaphore, #tpu.memory_space<semaphore_mem>>
      tpu.wait_indirect_dma semaphore(%dma_wait3A_179 : memref<!tpu.dma_semaphore, #tpu.memory_space<semaphore_mem>>) src(%dma_wait3A_171 : memref<125x32xf32, #tpu.memory_space<vmem>>) dst(%dma_wait3A_177 : memref<10000x32xf32, #tpu.memory_space<vmem_shared>>)
      %barrier3A_180 = arith.constant 0 : index
      tpu.barrier barrier_id(%barrier3A_180)
      %eq3A = arith.constant 9 : i32
      %eq3A_181 = arith.cmpi eq, %scan3A_23, %eq3A : i32
      %add3A = arith.constant 0 : i32
      %add3A_182 = arith.addi %mul3A_0, %add3A : i32
      %eq3A_183 = arith.constant 0 : i32
      %eq3A_184 = arith.cmpi eq, %arg0, %eq3A_183 : i32
      %convert_element_type3A = arith.extui %eq3A_184 : i1 to i32
      %cond3A = arith.constant 0 : i32
      %cond3A_185 = arith.cmpi ne, %convert_element_type3A, %cond3A : i32
      scf.if %cond3A_185 {
        %dma_start3A_264 = arith.constant 1 : i32
        %dma_start3A_265 = arith.constant 1 : i32
        %dma_start3A_266 = arith.constant 0 : i32
        %dma_start3A_267 = arith.constant 0 : i32
        %dma_start3A_268 = tpu.memref_slice %arg12[%dma_start3A_264, %dma_start3A_266, %dma_start3A_267] : memref<10x125x32xf32, #tpu.memory_space<vmem>> -> memref<1x125x32xf32, #tpu.memory_space<vmem>>
        %dma_start3A_269 = tpu.memref_squeeze %dma_start3A_268 : memref<1x125x32xf32, #tpu.memory_space<vmem>> -> memref<125x32xf32, #tpu.memory_space<vmem>>
        %dma_start3A_270 = arith.constant 0 : i32
        %dma_start3A_271 = tpu.memref_slice %arg2[%add3A_182, %dma_start3A_270] : memref<10000x32xf32, #tpu.memory_space<hbm>> -> memref<125x32xf32, #tpu.memory_space<hbm>>
        %dma_start3A_272 = tpu.memref_slice %arg15[%dma_start3A_265] : memref<10x!tpu.dma_semaphore, #tpu.memory_space<semaphore_mem>> -> memref<1x!tpu.dma_semaphore, #tpu.memory_space<semaphore_mem>>
        %dma_start3A_273 = tpu.memref_squeeze %dma_start3A_272 : memref<1x!tpu.dma_semaphore, #tpu.memory_space<semaphore_mem>> -> memref<!tpu.dma_semaphore, #tpu.memory_space<semaphore_mem>>
        %dma_start3A_274 = arith.constant 0 : i32
        %dma_start3A_275 = arith.constant 0 : i32
        %dma_start3A_276 = tpu.memref_slice %arg12[%dma_start3A_264, %dma_start3A_274, %dma_start3A_275] : memref<10x125x32xf32, #tpu.memory_space<vmem>> -> memref<1x125x32xf32, #tpu.memory_space<vmem>>
        %dma_start3A_277 = tpu.memref_squeeze %dma_start3A_276 : memref<1x125x32xf32, #tpu.memory_space<vmem>> -> memref<125x32xf32, #tpu.memory_space<vmem>>
        %dma_start3A_278 = arith.constant 0 : i32
        %dma_start3A_279 = tpu.memref_slice %arg2[%add3A_182, %dma_start3A_278] : memref<10000x32xf32, #tpu.memory_space<hbm>> -> memref<125x32xf32, #tpu.memory_space<hbm>>
        tpu.enqueue_dma source(%dma_start3A_279 : memref<125x32xf32, #tpu.memory_space<hbm>>) target(%dma_start3A_277 : memref<125x32xf32, #tpu.memory_space<vmem>>) target_semaphore(%dma_start3A_273 : memref<!tpu.dma_semaphore, #tpu.memory_space<semaphore_mem>>)
      } else {
      }
      %eq3A_186 = arith.constant 1 : i32
      %eq3A_187 = arith.cmpi eq, %arg0, %eq3A_186 : i32
      %convert_element_type3A_188 = arith.extui %eq3A_187 : i1 to i32
      %cond3A_189 = arith.constant 0 : i32
      %cond3A_190 = arith.cmpi ne, %convert_element_type3A_188, %cond3A_189 : i32
      scf.if %cond3A_190 {
        %dma_start3A_264 = arith.constant 1 : i32
        %dma_start3A_265 = arith.constant 1 : i32
        %dma_start3A_266 = arith.constant 0 : i32
        %dma_start3A_267 = arith.constant 0 : i32
        %dma_start3A_268 = tpu.memref_slice %arg12[%dma_start3A_264, %dma_start3A_266, %dma_start3A_267] : memref<10x125x32xf32, #tpu.memory_space<vmem>> -> memref<1x125x32xf32, #tpu.memory_space<vmem>>
        %dma_start3A_269 = tpu.memref_squeeze %dma_start3A_268 : memref<1x125x32xf32, #tpu.memory_space<vmem>> -> memref<125x32xf32, #tpu.memory_space<vmem>>
        %dma_start3A_270 = arith.constant 0 : i32
        %dma_start3A_271 = tpu.memref_slice %arg3[%add3A_182, %dma_start3A_270] : memref<10000x32xf32, #tpu.memory_space<hbm>> -> memref<125x32xf32, #tpu.memory_space<hbm>>
        %dma_start3A_272 = tpu.memref_slice %arg15[%dma_start3A_265] : memref<10x!tpu.dma_semaphore, #tpu.memory_space<semaphore_mem>> -> memref<1x!tpu.dma_semaphore, #tpu.memory_space<semaphore_mem>>
        %dma_start3A_273 = tpu.memref_squeeze %dma_start3A_272 : memref<1x!tpu.dma_semaphore, #tpu.memory_space<semaphore_mem>> -> memref<!tpu.dma_semaphore, #tpu.memory_space<semaphore_mem>>
        %dma_start3A_274 = arith.constant 0 : i32
        %dma_start3A_275 = arith.constant 0 : i32
        %dma_start3A_276 = tpu.memref_slice %arg12[%dma_start3A_264, %dma_start3A_274, %dma_start3A_275] : memref<10x125x32xf32, #tpu.memory_space<vmem>> -> memref<1x125x32xf32, #tpu.memory_space<vmem>>
        %dma_start3A_277 = tpu.memref_squeeze %dma_start3A_276 : memref<1x125x32xf32, #tpu.memory_space<vmem>> -> memref<125x32xf32, #tpu.memory_space<vmem>>
        %dma_start3A_278 = arith.constant 0 : i32
        %dma_start3A_279 = tpu.memref_slice %arg3[%add3A_182, %dma_start3A_278] : memref<10000x32xf32, #tpu.memory_space<hbm>> -> memref<125x32xf32, #tpu.memory_space<hbm>>
        tpu.enqueue_dma source(%dma_start3A_279 : memref<125x32xf32, #tpu.memory_space<hbm>>) target(%dma_start3A_277 : memref<125x32xf32, #tpu.memory_space<vmem>>) target_semaphore(%dma_start3A_273 : memref<!tpu.dma_semaphore, #tpu.memory_space<semaphore_mem>>)
      } else {
      }
      %dma_start3A_191 = arith.constant 0 : i32
      %dma_start3A_192 = arith.constant 0 : i32
      %dma_start3A_193 = arith.constant 0 : i32
      %dma_start3A_194 = arith.constant 0 : i32
      %dma_start3A_195 = tpu.memref_slice %arg12[%dma_start3A_191, %dma_start3A_193, %dma_start3A_194] : memref<10x125x32xf32, #tpu.memory_space<vmem>> -> memref<1x125x32xf32, #tpu.memory_space<vmem>>
      %dma_start3A_196 = tpu.memref_squeeze %dma_start3A_195 : memref<1x125x32xf32, #tpu.memory_space<vmem>> -> memref<125x32xf32, #tpu.memory_space<vmem>>
      %dma_start3A_197 = arith.constant 0 : i32
      %dma_start3A_198 = tpu.memref_slice %arg14[%add3A_182, %dma_start3A_197] : memref<10000x32xf32, #tpu.memory_space<vmem_shared>> -> memref<125x32xf32, #tpu.memory_space<vmem_shared>>
      %dma_start3A_199 = tpu.memref_slice %arg15[%dma_start3A_192] : memref<10x!tpu.dma_semaphore, #tpu.memory_space<semaphore_mem>> -> memref<1x!tpu.dma_semaphore, #tpu.memory_space<semaphore_mem>>
      %dma_start3A_200 = tpu.memref_squeeze %dma_start3A_199 : memref<1x!tpu.dma_semaphore, #tpu.memory_space<semaphore_mem>> -> memref<!tpu.dma_semaphore, #tpu.memory_space<semaphore_mem>>
      %dma_start3A_201 = arith.constant 0 : i32
      %dma_start3A_202 = arith.constant 0 : i32
      %dma_start3A_203 = tpu.memref_slice %arg12[%dma_start3A_191, %dma_start3A_201, %dma_start3A_202] : memref<10x125x32xf32, #tpu.memory_space<vmem>> -> memref<1x125x32xf32, #tpu.memory_space<vmem>>
      %dma_start3A_204 = tpu.memref_squeeze %dma_start3A_203 : memref<1x125x32xf32, #tpu.memory_space<vmem>> -> memref<125x32xf32, #tpu.memory_space<vmem>>
      %dma_start3A_205 = arith.constant 0 : i32
      %dma_start3A_206 = tpu.memref_slice %arg14[%add3A_182, %dma_start3A_205] : memref<10000x32xf32, #tpu.memory_space<vmem_shared>> -> memref<125x32xf32, #tpu.memory_space<vmem_shared>>
      tpu.enqueue_dma source(%dma_start3A_206 : memref<125x32xf32, #tpu.memory_space<vmem_shared>>) target(%dma_start3A_204 : memref<125x32xf32, #tpu.memory_space<vmem>>) target_semaphore(%dma_start3A_200 : memref<!tpu.dma_semaphore, #tpu.memory_space<semaphore_mem>>)
      %dma_start3A_207 = arith.constant 2 : i32
      %dma_start3A_208 = arith.constant 2 : i32
      %dma_start3A_209 = arith.constant 0 : i32
      %dma_start3A_210 = arith.constant 0 : i32
      %dma_start3A_211 = tpu.memref_slice %arg12[%dma_start3A_207, %dma_start3A_209, %dma_start3A_210] : memref<10x125x32xf32, #tpu.memory_space<vmem>> -> memref<1x125x32xf32, #tpu.memory_space<vmem>>
      %dma_start3A_212 = tpu.memref_squeeze %dma_start3A_211 : memref<1x125x32xf32, #tpu.memory_space<vmem>> -> memref<125x32xf32, #tpu.memory_space<vmem>>
      %dma_start3A_213 = arith.constant 0 : i32
      %dma_start3A_214 = tpu.memref_slice %arg4[%add3A_182, %dma_start3A_213] : memref<10000x32xf32, #tpu.memory_space<hbm>> -> memref<125x32xf32, #tpu.memory_space<hbm>>
      %dma_start3A_215 = tpu.memref_slice %arg15[%dma_start3A_208] : memref<10x!tpu.dma_semaphore, #tpu.memory_space<semaphore_mem>> -> memref<1x!tpu.dma_semaphore, #tpu.memory_space<semaphore_mem>>
      %dma_start3A_216 = tpu.memref_squeeze %dma_start3A_215 : memref<1x!tpu.dma_semaphore, #tpu.memory_space<semaphore_mem>> -> memref<!tpu.dma_semaphore, #tpu.memory_space<semaphore_mem>>
      %dma_start3A_217 = arith.constant 0 : i32
      %dma_start3A_218 = arith.constant 0 : i32
      %dma_start3A_219 = tpu.memref_slice %arg12[%dma_start3A_207, %dma_start3A_217, %dma_start3A_218] : memref<10x125x32xf32, #tpu.memory_space<vmem>> -> memref<1x125x32xf32, #tpu.memory_space<vmem>>
      %dma_start3A_220 = tpu.memref_squeeze %dma_start3A_219 : memref<1x125x32xf32, #tpu.memory_space<vmem>> -> memref<125x32xf32, #tpu.memory_space<vmem>>
      %dma_start3A_221 = arith.constant 0 : i32
      %dma_start3A_222 = tpu.memref_slice %arg4[%add3A_182, %dma_start3A_221] : memref<10000x32xf32, #tpu.memory_space<hbm>> -> memref<125x32xf32, #tpu.memory_space<hbm>>
      tpu.enqueue_dma source(%dma_start3A_222 : memref<125x32xf32, #tpu.memory_space<hbm>>) target(%dma_start3A_220 : memref<125x32xf32, #tpu.memory_space<vmem>>) target_semaphore(%dma_start3A_216 : memref<!tpu.dma_semaphore, #tpu.memory_space<semaphore_mem>>)
      %dma_start3A_223 = arith.constant 3 : i32
      %dma_start3A_224 = arith.constant 3 : i32
      %dma_start3A_225 = arith.constant 0 : i32
      %dma_start3A_226 = arith.constant 0 : i32
      %dma_start3A_227 = tpu.memref_slice %arg12[%dma_start3A_223, %dma_start3A_225, %dma_start3A_226] : memref<10x125x32xf32, #tpu.memory_space<vmem>> -> memref<1x125x32xf32, #tpu.memory_space<vmem>>
      %dma_start3A_228 = tpu.memref_squeeze %dma_start3A_227 : memref<1x125x32xf32, #tpu.memory_space<vmem>> -> memref<125x32xf32, #tpu.memory_space<vmem>>
      %dma_start3A_229 = arith.constant 0 : i32
      %dma_start3A_230 = tpu.memref_slice %arg5[%add3A_182, %dma_start3A_229] : memref<10000x32xf32, #tpu.memory_space<hbm>> -> memref<125x32xf32, #tpu.memory_space<hbm>>
      %dma_start3A_231 = tpu.memref_slice %arg15[%dma_start3A_224] : memref<10x!tpu.dma_semaphore, #tpu.memory_space<semaphore_mem>> -> memref<1x!tpu.dma_semaphore, #tpu.memory_space<semaphore_mem>>
      %dma_start3A_232 = tpu.memref_squeeze %dma_start3A_231 : memref<1x!tpu.dma_semaphore, #tpu.memory_space<semaphore_mem>> -> memref<!tpu.dma_semaphore, #tpu.memory_space<semaphore_mem>>
      %dma_start3A_233 = arith.constant 0 : i32
      %dma_start3A_234 = arith.constant 0 : i32
      %dma_start3A_235 = tpu.memref_slice %arg12[%dma_start3A_223, %dma_start3A_233, %dma_start3A_234] : memref<10x125x32xf32, #tpu.memory_space<vmem>> -> memref<1x125x32xf32, #tpu.memory_space<vmem>>
      %dma_start3A_236 = tpu.memref_squeeze %dma_start3A_235 : memref<1x125x32xf32, #tpu.memory_space<vmem>> -> memref<125x32xf32, #tpu.memory_space<vmem>>
      %dma_start3A_237 = arith.constant 0 : i32
      %dma_start3A_238 = tpu.memref_slice %arg5[%add3A_182, %dma_start3A_237] : memref<10000x32xf32, #tpu.memory_space<hbm>> -> memref<125x32xf32, #tpu.memory_space<hbm>>
      tpu.enqueue_dma source(%dma_start3A_238 : memref<125x32xf32, #tpu.memory_space<hbm>>) target(%dma_start3A_236 : memref<125x32xf32, #tpu.memory_space<vmem>>) target_semaphore(%dma_start3A_232 : memref<!tpu.dma_semaphore, #tpu.memory_space<semaphore_mem>>)
      %scan3A_239 = arith.constant 0 : i32
      %scan3A_240 = arith.constant 0 : i32
      %scan3A_241 = arith.constant 5 : i32
      %scan3A_242 = arith.addi %scan3A_240, %scan3A_241 : i32
      %scan3A_243 = arith.constant 1 : i32
      %scan3A_244 = scf.for %scan3A_264 = %scan3A_240 to %scan3A_242 step %scan3A_243 iter_args(%scan3A_265 = %scan3A_239) -> (i32)  : i32 {
        %jit3A = arith.constant 2 : i32
        %eq3A_266 = arith.constant 0 : i32
        %eq3A_267 = arith.cmpi eq, %jit3A, %eq3A_266 : i32
        %jit3A_268 = arith.constant 1 : i32
        %select_n3A = arith.select %eq3A_267, %jit3A_268, %jit3A : i32
        %rem3A = arith.remsi %scan3A_264, %select_n3A : i32
        %ne3A = arith.constant 0 : i32
        %ne3A_269 = arith.cmpi ne, %rem3A, %ne3A : i32
        %lt3A = arith.constant 0 : i32
        %lt3A_270 = arith.cmpi slt, %rem3A, %lt3A : i32
        %lt3A_271 = arith.constant 0 : i32
        %lt3A_272 = arith.cmpi slt, %select_n3A, %lt3A_271 : i32
        %ne3A_273 = arith.xori %lt3A_270, %lt3A_272 : i1
        %and3A = arith.andi %ne3A_273, %ne3A_269 : i1
        %add3A_274 = arith.addi %rem3A, %select_n3A : i32
        %select_n3A_275 = arith.select %and3A, %add3A_274, %rem3A : i32
        %mul3A_276 = arith.constant 4 : i32
        %mul3A_277 = arith.muli %select_n3A_275, %mul3A_276 : i32
        %add3A_278 = arith.constant 1 : i32
        %add3A_279 = arith.addi %scan3A_264, %add3A_278 : i32
        %jit3A_280 = arith.constant 2 : i32
        %eq3A_281 = arith.constant 0 : i32
        %eq3A_282 = arith.cmpi eq, %jit3A_280, %eq3A_281 : i32
        %jit3A_283 = arith.constant 1 : i32
        %select_n3A_284 = arith.select %eq3A_282, %jit3A_283, %jit3A_280 : i32
        %rem3A_285 = arith.remsi %add3A_279, %select_n3A_284 : i32
        %ne3A_286 = arith.constant 0 : i32
        %ne3A_287 = arith.cmpi ne, %rem3A_285, %ne3A_286 : i32
        %lt3A_288 = arith.constant 0 : i32
        %lt3A_289 = arith.cmpi slt, %rem3A_285, %lt3A_288 : i32
        %lt3A_290 = arith.constant 0 : i32
        %lt3A_291 = arith.cmpi slt, %select_n3A_284, %lt3A_290 : i32
        %ne3A_292 = arith.xori %lt3A_289, %lt3A_291 : i1
        %and3A_293 = arith.andi %ne3A_292, %ne3A_287 : i1
        %add3A_294 = arith.addi %rem3A_285, %select_n3A_284 : i32
        %select_n3A_295 = arith.select %and3A_293, %add3A_294, %rem3A_285 : i32
        %mul3A_296 = arith.constant 4 : i32
        %mul3A_297 = arith.muli %select_n3A_295, %mul3A_296 : i32
        %mul3A_298 = arith.constant 125 : i32
        %mul3A_299 = arith.muli %scan3A_264, %mul3A_298 : i32
        %add3A_300 = arith.addi %mul3A_0, %mul3A_299 : i32
        %ge3A = arith.constant 1 : i32
        %ge3A_301 = arith.cmpi sge, %scan3A_264, %ge3A : i32
        %not3A_302 = arith.constant true
        %not3A_303 = arith.xori %eq3A_181, %not3A_302 : i1
        %and3A_304 = arith.andi %ge3A_301, %not3A_303 : i1
        %convert_element_type3A_305 = arith.extui %and3A_304 : i1 to i32
        %cond3A_306 = arith.constant 0 : i32
        %cond3A_307 = arith.cmpi ne, %convert_element_type3A_305, %cond3A_306 : i32
        scf.if %cond3A_307 {
          %add3A_439 = arith.addi %mul3A_2, %add3A_300 : i32
          %sub3A = arith.constant 125 : i32
          %sub3A_440 = arith.subi %add3A_439, %sub3A : i32
          %dma_wait3A_441 = arith.constant 0 : i32
          %dma_wait3A_442 = arith.constant 0 : i32
          %dma_wait3A_443 = tpu.memref_slice %arg12[%mul3A_297, %dma_wait3A_441, %dma_wait3A_442] : memref<10x125x32xf32, #tpu.memory_space<vmem>> -> memref<1x125x32xf32, #tpu.memory_space<vmem>>
          %dma_wait3A_444 = tpu.memref_squeeze %dma_wait3A_443 : memref<1x125x32xf32, #tpu.memory_space<vmem>> -> memref<125x32xf32, #tpu.memory_space<vmem>>
          %dma_wait3A_445 = arith.constant 0 : i32
          %dma_wait3A_446 = tpu.memref_slice %arg8[%sub3A_440, %dma_wait3A_445] : memref<20000x32xf32, #tpu.memory_space<hbm>> -> memref<125x32xf32, #tpu.memory_space<hbm>>
          %dma_wait3A_447 = tpu.memref_slice %arg16[%mul3A_297] : memref<10x!tpu.dma_semaphore, #tpu.memory_space<semaphore_mem>> -> memref<1x!tpu.dma_semaphore, #tpu.memory_space<semaphore_mem>>
          %dma_wait3A_448 = tpu.memref_squeeze %dma_wait3A_447 : memref<1x!tpu.dma_semaphore, #tpu.memory_space<semaphore_mem>> -> memref<!tpu.dma_semaphore, #tpu.memory_space<semaphore_mem>>
          %dma_wait3A_449 = arith.constant 0 : i32
          %dma_wait3A_450 = tpu.memref_slice %arg8[%sub3A_440, %dma_wait3A_449] : memref<20000x32xf32, #tpu.memory_space<hbm>> -> memref<125x32xf32, #tpu.memory_space<hbm>>
          %dma_wait3A_451 = arith.constant 0 : i32
          %dma_wait3A_452 = arith.constant 0 : i32
          %dma_wait3A_453 = tpu.memref_slice %arg12[%mul3A_297, %dma_wait3A_451, %dma_wait3A_452] : memref<10x125x32xf32, #tpu.memory_space<vmem>> -> memref<1x125x32xf32, #tpu.memory_space<vmem>>
          %dma_wait3A_454 = tpu.memref_squeeze %dma_wait3A_453 : memref<1x125x32xf32, #tpu.memory_space<vmem>> -> memref<125x32xf32, #tpu.memory_space<vmem>>
          tpu.wait_dma2 semaphore(%dma_wait3A_448 : memref<!tpu.dma_semaphore, #tpu.memory_space<semaphore_mem>>) src(%dma_wait3A_454 : memref<125x32xf32, #tpu.memory_space<vmem>>) dst(%dma_wait3A_450 : memref<125x32xf32, #tpu.memory_space<hbm>>)
        } else {
        }
        %ge3A_308 = arith.constant 1 : i32
        %ge3A_309 = arith.cmpi sge, %scan3A_264, %ge3A_308 : i32
        %and3A_310 = arith.andi %ge3A_309, %eq3A_181 : i1
        %convert_element_type3A_311 = arith.extui %and3A_310 : i1 to i32
        %cond3A_312 = arith.constant 0 : i32
        %cond3A_313 = arith.cmpi ne, %convert_element_type3A_311, %cond3A_312 : i32
        scf.if %cond3A_313 {
          %sub3A = arith.constant 125 : i32
          %sub3A_439 = arith.subi %add3A_300, %sub3A : i32
          %mul3A_440 = arith.constant 32 : i32
          %mul3A_441 = arith.muli %arg0, %mul3A_440 : i32
          %dma_wait3A_442 = arith.constant 0 : i32
          %dma_wait3A_443 = arith.constant 0 : i32
          %dma_wait3A_444 = tpu.memref_slice %arg12[%mul3A_297, %dma_wait3A_442, %dma_wait3A_443] : memref<10x125x32xf32, #tpu.memory_space<vmem>> -> memref<1x125x32xf32, #tpu.memory_space<vmem>>
          %dma_wait3A_445 = tpu.memref_squeeze %dma_wait3A_444 : memref<1x125x32xf32, #tpu.memory_space<vmem>> -> memref<125x32xf32, #tpu.memory_space<vmem>>
          %dma_wait3A_446 = tpu.memref_slice %arg9[%sub3A_439, %mul3A_441] : memref<10000x64xf32, #tpu.memory_space<hbm>> -> memref<125x32xf32, #tpu.memory_space<hbm>>
          %dma_wait3A_447 = tpu.memref_slice %arg16[%mul3A_297] : memref<10x!tpu.dma_semaphore, #tpu.memory_space<semaphore_mem>> -> memref<1x!tpu.dma_semaphore, #tpu.memory_space<semaphore_mem>>
          %dma_wait3A_448 = tpu.memref_squeeze %dma_wait3A_447 : memref<1x!tpu.dma_semaphore, #tpu.memory_space<semaphore_mem>> -> memref<!tpu.dma_semaphore, #tpu.memory_space<semaphore_mem>>
          %dma_wait3A_449 = tpu.memref_slice %arg9[%sub3A_439, %mul3A_441] : memref<10000x64xf32, #tpu.memory_space<hbm>> -> memref<125x32xf32, #tpu.memory_space<hbm>>
          %dma_wait3A_450 = arith.constant 0 : i32
          %dma_wait3A_451 = arith.constant 0 : i32
          %dma_wait3A_452 = tpu.memref_slice %arg12[%mul3A_297, %dma_wait3A_450, %dma_wait3A_451] : memref<10x125x32xf32, #tpu.memory_space<vmem>> -> memref<1x125x32xf32, #tpu.memory_space<vmem>>
          %dma_wait3A_453 = tpu.memref_squeeze %dma_wait3A_452 : memref<1x125x32xf32, #tpu.memory_space<vmem>> -> memref<125x32xf32, #tpu.memory_space<vmem>>
          tpu.wait_dma2 semaphore(%dma_wait3A_448 : memref<!tpu.dma_semaphore, #tpu.memory_space<semaphore_mem>>) src(%dma_wait3A_453 : memref<125x32xf32, #tpu.memory_space<vmem>>) dst(%dma_wait3A_449 : memref<125x32xf32, #tpu.memory_space<hbm>>)
        } else {
        }
        %add3A_314 = arith.constant 1 : i32
        %add3A_315 = arith.addi %scan3A_264, %add3A_314 : i32
        %lt3A_316 = arith.constant 5 : i32
        %lt3A_317 = arith.cmpi slt, %add3A_315, %lt3A_316 : i32
        %convert_element_type3A_318 = arith.extui %lt3A_317 : i1 to i32
        %cond3A_319 = arith.constant 0 : i32
        %cond3A_320 = arith.cmpi ne, %convert_element_type3A_318, %cond3A_319 : i32
        scf.if %cond3A_320 {
          %add3A_439 = arith.constant 1 : i32
          %add3A_440 = arith.addi %scan3A_264, %add3A_439 : i32
          %mul3A_441 = arith.constant 125 : i32
          %mul3A_442 = arith.muli %add3A_440, %mul3A_441 : i32
          %add3A_443 = arith.addi %mul3A_0, %mul3A_442 : i32
          %eq3A_444 = arith.constant 0 : i32
          %eq3A_445 = arith.cmpi eq, %arg0, %eq3A_444 : i32
          %convert_element_type3A_446 = arith.extui %eq3A_445 : i1 to i32
          %cond3A_447 = arith.constant 0 : i32
          %cond3A_448 = arith.cmpi ne, %convert_element_type3A_446, %cond3A_447 : i32
          scf.if %cond3A_448 {
            %add3A_508 = arith.constant 1 : i32
            %add3A_509 = arith.addi %mul3A_297, %add3A_508 : i32
            %add3A_510 = arith.constant 1 : i32
            %add3A_511 = arith.addi %mul3A_297, %add3A_510 : i32
            %dma_start3A_512 = arith.constant 0 : i32
            %dma_start3A_513 = arith.constant 0 : i32
            %dma_start3A_514 = tpu.memref_slice %arg12[%add3A_509, %dma_start3A_512, %dma_start3A_513] : memref<10x125x32xf32, #tpu.memory_space<vmem>> -> memref<1x125x32xf32, #tpu.memory_space<vmem>>
            %dma_start3A_515 = tpu.memref_squeeze %dma_start3A_514 : memref<1x125x32xf32, #tpu.memory_space<vmem>> -> memref<125x32xf32, #tpu.memory_space<vmem>>
            %dma_start3A_516 = arith.constant 0 : i32
            %dma_start3A_517 = tpu.memref_slice %arg2[%add3A_443, %dma_start3A_516] : memref<10000x32xf32, #tpu.memory_space<hbm>> -> memref<125x32xf32, #tpu.memory_space<hbm>>
            %dma_start3A_518 = tpu.memref_slice %arg15[%add3A_511] : memref<10x!tpu.dma_semaphore, #tpu.memory_space<semaphore_mem>> -> memref<1x!tpu.dma_semaphore, #tpu.memory_space<semaphore_mem>>
            %dma_start3A_519 = tpu.memref_squeeze %dma_start3A_518 : memref<1x!tpu.dma_semaphore, #tpu.memory_space<semaphore_mem>> -> memref<!tpu.dma_semaphore, #tpu.memory_space<semaphore_mem>>
            %dma_start3A_520 = arith.constant 0 : i32
            %dma_start3A_521 = arith.constant 0 : i32
            %dma_start3A_522 = tpu.memref_slice %arg12[%add3A_509, %dma_start3A_520, %dma_start3A_521] : memref<10x125x32xf32, #tpu.memory_space<vmem>> -> memref<1x125x32xf32, #tpu.memory_space<vmem>>
            %dma_start3A_523 = tpu.memref_squeeze %dma_start3A_522 : memref<1x125x32xf32, #tpu.memory_space<vmem>> -> memref<125x32xf32, #tpu.memory_space<vmem>>
            %dma_start3A_524 = arith.constant 0 : i32
            %dma_start3A_525 = tpu.memref_slice %arg2[%add3A_443, %dma_start3A_524] : memref<10000x32xf32, #tpu.memory_space<hbm>> -> memref<125x32xf32, #tpu.memory_space<hbm>>
            tpu.enqueue_dma source(%dma_start3A_525 : memref<125x32xf32, #tpu.memory_space<hbm>>) target(%dma_start3A_523 : memref<125x32xf32, #tpu.memory_space<vmem>>) target_semaphore(%dma_start3A_519 : memref<!tpu.dma_semaphore, #tpu.memory_space<semaphore_mem>>)
          } else {
          }
          %eq3A_449 = arith.constant 1 : i32
          %eq3A_450 = arith.cmpi eq, %arg0, %eq3A_449 : i32
          %convert_element_type3A_451 = arith.extui %eq3A_450 : i1 to i32
          %cond3A_452 = arith.constant 0 : i32
          %cond3A_453 = arith.cmpi ne, %convert_element_type3A_451, %cond3A_452 : i32
          scf.if %cond3A_453 {
            %add3A_508 = arith.constant 1 : i32
            %add3A_509 = arith.addi %mul3A_297, %add3A_508 : i32
            %add3A_510 = arith.constant 1 : i32
            %add3A_511 = arith.addi %mul3A_297, %add3A_510 : i32
            %dma_start3A_512 = arith.constant 0 : i32
            %dma_start3A_513 = arith.constant 0 : i32
            %dma_start3A_514 = tpu.memref_slice %arg12[%add3A_509, %dma_start3A_512, %dma_start3A_513] : memref<10x125x32xf32, #tpu.memory_space<vmem>> -> memref<1x125x32xf32, #tpu.memory_space<vmem>>
            %dma_start3A_515 = tpu.memref_squeeze %dma_start3A_514 : memref<1x125x32xf32, #tpu.memory_space<vmem>> -> memref<125x32xf32, #tpu.memory_space<vmem>>
            %dma_start3A_516 = arith.constant 0 : i32
            %dma_start3A_517 = tpu.memref_slice %arg3[%add3A_443, %dma_start3A_516] : memref<10000x32xf32, #tpu.memory_space<hbm>> -> memref<125x32xf32, #tpu.memory_space<hbm>>
            %dma_start3A_518 = tpu.memref_slice %arg15[%add3A_511] : memref<10x!tpu.dma_semaphore, #tpu.memory_space<semaphore_mem>> -> memref<1x!tpu.dma_semaphore, #tpu.memory_space<semaphore_mem>>
            %dma_start3A_519 = tpu.memref_squeeze %dma_start3A_518 : memref<1x!tpu.dma_semaphore, #tpu.memory_space<semaphore_mem>> -> memref<!tpu.dma_semaphore, #tpu.memory_space<semaphore_mem>>
            %dma_start3A_520 = arith.constant 0 : i32
            %dma_start3A_521 = arith.constant 0 : i32
            %dma_start3A_522 = tpu.memref_slice %arg12[%add3A_509, %dma_start3A_520, %dma_start3A_521] : memref<10x125x32xf32, #tpu.memory_space<vmem>> -> memref<1x125x32xf32, #tpu.memory_space<vmem>>
            %dma_start3A_523 = tpu.memref_squeeze %dma_start3A_522 : memref<1x125x32xf32, #tpu.memory_space<vmem>> -> memref<125x32xf32, #tpu.memory_space<vmem>>
            %dma_start3A_524 = arith.constant 0 : i32
            %dma_start3A_525 = tpu.memref_slice %arg3[%add3A_443, %dma_start3A_524] : memref<10000x32xf32, #tpu.memory_space<hbm>> -> memref<125x32xf32, #tpu.memory_space<hbm>>
            tpu.enqueue_dma source(%dma_start3A_525 : memref<125x32xf32, #tpu.memory_space<hbm>>) target(%dma_start3A_523 : memref<125x32xf32, #tpu.memory_space<vmem>>) target_semaphore(%dma_start3A_519 : memref<!tpu.dma_semaphore, #tpu.memory_space<semaphore_mem>>)
          } else {
          }
          %add3A_454 = arith.constant 0 : i32
          %add3A_455 = arith.addi %mul3A_297, %add3A_454 : i32
          %add3A_456 = arith.constant 0 : i32
          %add3A_457 = arith.addi %mul3A_297, %add3A_456 : i32
          %dma_start3A_458 = arith.constant 0 : i32
          %dma_start3A_459 = arith.constant 0 : i32
          %dma_start3A_460 = tpu.memref_slice %arg12[%add3A_455, %dma_start3A_458, %dma_start3A_459] : memref<10x125x32xf32, #tpu.memory_space<vmem>> -> memref<1x125x32xf32, #tpu.memory_space<vmem>>
          %dma_start3A_461 = tpu.memref_squeeze %dma_start3A_460 : memref<1x125x32xf32, #tpu.memory_space<vmem>> -> memref<125x32xf32, #tpu.memory_space<vmem>>
          %dma_start3A_462 = arith.constant 0 : i32
          %dma_start3A_463 = tpu.memref_slice %arg14[%add3A_443, %dma_start3A_462] : memref<10000x32xf32, #tpu.memory_space<vmem_shared>> -> memref<125x32xf32, #tpu.memory_space<vmem_shared>>
          %dma_start3A_464 = tpu.memref_slice %arg15[%add3A_457] : memref<10x!tpu.dma_semaphore, #tpu.memory_space<semaphore_mem>> -> memref<1x!tpu.dma_semaphore, #tpu.memory_space<semaphore_mem>>
          %dma_start3A_465 = tpu.memref_squeeze %dma_start3A_464 : memref<1x!tpu.dma_semaphore, #tpu.memory_space<semaphore_mem>> -> memref<!tpu.dma_semaphore, #tpu.memory_space<semaphore_mem>>
          %dma_start3A_466 = arith.constant 0 : i32
          %dma_start3A_467 = arith.constant 0 : i32
          %dma_start3A_468 = tpu.memref_slice %arg12[%add3A_455, %dma_start3A_466, %dma_start3A_467] : memref<10x125x32xf32, #tpu.memory_space<vmem>> -> memref<1x125x32xf32, #tpu.memory_space<vmem>>
          %dma_start3A_469 = tpu.memref_squeeze %dma_start3A_468 : memref<1x125x32xf32, #tpu.memory_space<vmem>> -> memref<125x32xf32, #tpu.memory_space<vmem>>
          %dma_start3A_470 = arith.constant 0 : i32
          %dma_start3A_471 = tpu.memref_slice %arg14[%add3A_443, %dma_start3A_470] : memref<10000x32xf32, #tpu.memory_space<vmem_shared>> -> memref<125x32xf32, #tpu.memory_space<vmem_shared>>
          tpu.enqueue_dma source(%dma_start3A_471 : memref<125x32xf32, #tpu.memory_space<vmem_shared>>) target(%dma_start3A_469 : memref<125x32xf32, #tpu.memory_space<vmem>>) target_semaphore(%dma_start3A_465 : memref<!tpu.dma_semaphore, #tpu.memory_space<semaphore_mem>>)
          %add3A_472 = arith.constant 2 : i32
          %add3A_473 = arith.addi %mul3A_297, %add3A_472 : i32
          %add3A_474 = arith.constant 2 : i32
          %add3A_475 = arith.addi %mul3A_297, %add3A_474 : i32
          %dma_start3A_476 = arith.constant 0 : i32
          %dma_start3A_477 = arith.constant 0 : i32
          %dma_start3A_478 = tpu.memref_slice %arg12[%add3A_473, %dma_start3A_476, %dma_start3A_477] : memref<10x125x32xf32, #tpu.memory_space<vmem>> -> memref<1x125x32xf32, #tpu.memory_space<vmem>>
          %dma_start3A_479 = tpu.memref_squeeze %dma_start3A_478 : memref<1x125x32xf32, #tpu.memory_space<vmem>> -> memref<125x32xf32, #tpu.memory_space<vmem>>
          %dma_start3A_480 = arith.constant 0 : i32
          %dma_start3A_481 = tpu.memref_slice %arg4[%add3A_443, %dma_start3A_480] : memref<10000x32xf32, #tpu.memory_space<hbm>> -> memref<125x32xf32, #tpu.memory_space<hbm>>
          %dma_start3A_482 = tpu.memref_slice %arg15[%add3A_475] : memref<10x!tpu.dma_semaphore, #tpu.memory_space<semaphore_mem>> -> memref<1x!tpu.dma_semaphore, #tpu.memory_space<semaphore_mem>>
          %dma_start3A_483 = tpu.memref_squeeze %dma_start3A_482 : memref<1x!tpu.dma_semaphore, #tpu.memory_space<semaphore_mem>> -> memref<!tpu.dma_semaphore, #tpu.memory_space<semaphore_mem>>
          %dma_start3A_484 = arith.constant 0 : i32
          %dma_start3A_485 = arith.constant 0 : i32
          %dma_start3A_486 = tpu.memref_slice %arg12[%add3A_473, %dma_start3A_484, %dma_start3A_485] : memref<10x125x32xf32, #tpu.memory_space<vmem>> -> memref<1x125x32xf32, #tpu.memory_space<vmem>>
          %dma_start3A_487 = tpu.memref_squeeze %dma_start3A_486 : memref<1x125x32xf32, #tpu.memory_space<vmem>> -> memref<125x32xf32, #tpu.memory_space<vmem>>
          %dma_start3A_488 = arith.constant 0 : i32
          %dma_start3A_489 = tpu.memref_slice %arg4[%add3A_443, %dma_start3A_488] : memref<10000x32xf32, #tpu.memory_space<hbm>> -> memref<125x32xf32, #tpu.memory_space<hbm>>
          tpu.enqueue_dma source(%dma_start3A_489 : memref<125x32xf32, #tpu.memory_space<hbm>>) target(%dma_start3A_487 : memref<125x32xf32, #tpu.memory_space<vmem>>) target_semaphore(%dma_start3A_483 : memref<!tpu.dma_semaphore, #tpu.memory_space<semaphore_mem>>)
          %add3A_490 = arith.constant 3 : i32
          %add3A_491 = arith.addi %mul3A_297, %add3A_490 : i32
          %add3A_492 = arith.constant 3 : i32
          %add3A_493 = arith.addi %mul3A_297, %add3A_492 : i32
          %dma_start3A_494 = arith.constant 0 : i32
          %dma_start3A_495 = arith.constant 0 : i32
          %dma_start3A_496 = tpu.memref_slice %arg12[%add3A_491, %dma_start3A_494, %dma_start3A_495] : memref<10x125x32xf32, #tpu.memory_space<vmem>> -> memref<1x125x32xf32, #tpu.memory_space<vmem>>
          %dma_start3A_497 = tpu.memref_squeeze %dma_start3A_496 : memref<1x125x32xf32, #tpu.memory_space<vmem>> -> memref<125x32xf32, #tpu.memory_space<vmem>>
          %dma_start3A_498 = arith.constant 0 : i32
          %dma_start3A_499 = tpu.memref_slice %arg5[%add3A_443, %dma_start3A_498] : memref<10000x32xf32, #tpu.memory_space<hbm>> -> memref<125x32xf32, #tpu.memory_space<hbm>>
          %dma_start3A_500 = tpu.memref_slice %arg15[%add3A_493] : memref<10x!tpu.dma_semaphore, #tpu.memory_space<semaphore_mem>> -> memref<1x!tpu.dma_semaphore, #tpu.memory_space<semaphore_mem>>
          %dma_start3A_501 = tpu.memref_squeeze %dma_start3A_500 : memref<1x!tpu.dma_semaphore, #tpu.memory_space<semaphore_mem>> -> memref<!tpu.dma_semaphore, #tpu.memory_space<semaphore_mem>>
          %dma_start3A_502 = arith.constant 0 : i32
          %dma_start3A_503 = arith.constant 0 : i32
          %dma_start3A_504 = tpu.memref_slice %arg12[%add3A_491, %dma_start3A_502, %dma_start3A_503] : memref<10x125x32xf32, #tpu.memory_space<vmem>> -> memref<1x125x32xf32, #tpu.memory_space<vmem>>
          %dma_start3A_505 = tpu.memref_squeeze %dma_start3A_504 : memref<1x125x32xf32, #tpu.memory_space<vmem>> -> memref<125x32xf32, #tpu.memory_space<vmem>>
          %dma_start3A_506 = arith.constant 0 : i32
          %dma_start3A_507 = tpu.memref_slice %arg5[%add3A_443, %dma_start3A_506] : memref<10000x32xf32, #tpu.memory_space<hbm>> -> memref<125x32xf32, #tpu.memory_space<hbm>>
          tpu.enqueue_dma source(%dma_start3A_507 : memref<125x32xf32, #tpu.memory_space<hbm>>) target(%dma_start3A_505 : memref<125x32xf32, #tpu.memory_space<vmem>>) target_semaphore(%dma_start3A_501 : memref<!tpu.dma_semaphore, #tpu.memory_space<semaphore_mem>>)
        } else {
        }
        %add3A_321 = arith.constant 0 : i32
        %add3A_322 = arith.addi %mul3A_277, %add3A_321 : i32
        %add3A_323 = arith.constant 0 : i32
        %add3A_324 = arith.addi %mul3A_277, %add3A_323 : i32
        %dma_wait3A_325 = arith.constant 0 : i32
        %dma_wait3A_326 = arith.constant 0 : i32
        %dma_wait3A_327 = tpu.memref_slice %arg12[%add3A_322, %dma_wait3A_325, %dma_wait3A_326] : memref<10x125x32xf32, #tpu.memory_space<vmem>> -> memref<1x125x32xf32, #tpu.memory_space<vmem>>
        %dma_wait3A_328 = tpu.memref_squeeze %dma_wait3A_327 : memref<1x125x32xf32, #tpu.memory_space<vmem>> -> memref<125x32xf32, #tpu.memory_space<vmem>>
        %dma_wait3A_329 = arith.constant 0 : i32
        %dma_wait3A_330 = tpu.memref_slice %arg14[%add3A_300, %dma_wait3A_329] : memref<10000x32xf32, #tpu.memory_space<vmem_shared>> -> memref<125x32xf32, #tpu.memory_space<vmem_shared>>
        %dma_wait3A_331 = tpu.memref_slice %arg15[%add3A_324] : memref<10x!tpu.dma_semaphore, #tpu.memory_space<semaphore_mem>> -> memref<1x!tpu.dma_semaphore, #tpu.memory_space<semaphore_mem>>
        %dma_wait3A_332 = tpu.memref_squeeze %dma_wait3A_331 : memref<1x!tpu.dma_semaphore, #tpu.memory_space<semaphore_mem>> -> memref<!tpu.dma_semaphore, #tpu.memory_space<semaphore_mem>>
        %dma_wait3A_333 = arith.constant 0 : i32
        %dma_wait3A_334 = arith.constant 0 : i32
        %dma_wait3A_335 = tpu.memref_slice %arg12[%add3A_322, %dma_wait3A_333, %dma_wait3A_334] : memref<10x125x32xf32, #tpu.memory_space<vmem>> -> memref<1x125x32xf32, #tpu.memory_space<vmem>>
        %dma_wait3A_336 = tpu.memref_squeeze %dma_wait3A_335 : memref<1x125x32xf32, #tpu.memory_space<vmem>> -> memref<125x32xf32, #tpu.memory_space<vmem>>
        %dma_wait3A_337 = arith.constant 0 : i32
        %dma_wait3A_338 = tpu.memref_slice %arg14[%add3A_300, %dma_wait3A_337] : memref<10000x32xf32, #tpu.memory_space<vmem_shared>> -> memref<125x32xf32, #tpu.memory_space<vmem_shared>>
        tpu.wait_dma2 semaphore(%dma_wait3A_332 : memref<!tpu.dma_semaphore, #tpu.memory_space<semaphore_mem>>) src(%dma_wait3A_338 : memref<125x32xf32, #tpu.memory_space<vmem_shared>>) dst(%dma_wait3A_336 : memref<125x32xf32, #tpu.memory_space<vmem>>)
        %add3A_339 = arith.constant 1 : i32
        %add3A_340 = arith.addi %mul3A_277, %add3A_339 : i32
        %add3A_341 = arith.constant 1 : i32
        %add3A_342 = arith.addi %mul3A_277, %add3A_341 : i32
        %dma_wait3A_343 = arith.constant 0 : i32
        %dma_wait3A_344 = arith.constant 0 : i32
        %dma_wait3A_345 = tpu.memref_slice %arg12[%add3A_340, %dma_wait3A_343, %dma_wait3A_344] : memref<10x125x32xf32, #tpu.memory_space<vmem>> -> memref<1x125x32xf32, #tpu.memory_space<vmem>>
        %dma_wait3A_346 = tpu.memref_squeeze %dma_wait3A_345 : memref<1x125x32xf32, #tpu.memory_space<vmem>> -> memref<125x32xf32, #tpu.memory_space<vmem>>
        %dma_wait3A_347 = arith.constant 0 : i32
        %dma_wait3A_348 = tpu.memref_slice %arg14[%add3A_300, %dma_wait3A_347] : memref<10000x32xf32, #tpu.memory_space<vmem_shared>> -> memref<125x32xf32, #tpu.memory_space<vmem_shared>>
        %dma_wait3A_349 = tpu.memref_slice %arg15[%add3A_342] : memref<10x!tpu.dma_semaphore, #tpu.memory_space<semaphore_mem>> -> memref<1x!tpu.dma_semaphore, #tpu.memory_space<semaphore_mem>>
        %dma_wait3A_350 = tpu.memref_squeeze %dma_wait3A_349 : memref<1x!tpu.dma_semaphore, #tpu.memory_space<semaphore_mem>> -> memref<!tpu.dma_semaphore, #tpu.memory_space<semaphore_mem>>
        %dma_wait3A_351 = arith.constant 0 : i32
        %dma_wait3A_352 = arith.constant 0 : i32
        %dma_wait3A_353 = tpu.memref_slice %arg12[%add3A_340, %dma_wait3A_351, %dma_wait3A_352] : memref<10x125x32xf32, #tpu.memory_space<vmem>> -> memref<1x125x32xf32, #tpu.memory_space<vmem>>
        %dma_wait3A_354 = tpu.memref_squeeze %dma_wait3A_353 : memref<1x125x32xf32, #tpu.memory_space<vmem>> -> memref<125x32xf32, #tpu.memory_space<vmem>>
        %dma_wait3A_355 = arith.constant 0 : i32
        %dma_wait3A_356 = tpu.memref_slice %arg14[%add3A_300, %dma_wait3A_355] : memref<10000x32xf32, #tpu.memory_space<vmem_shared>> -> memref<125x32xf32, #tpu.memory_space<vmem_shared>>
        tpu.wait_dma2 semaphore(%dma_wait3A_350 : memref<!tpu.dma_semaphore, #tpu.memory_space<semaphore_mem>>) src(%dma_wait3A_356 : memref<125x32xf32, #tpu.memory_space<vmem_shared>>) dst(%dma_wait3A_354 : memref<125x32xf32, #tpu.memory_space<vmem>>)
        %add3A_357 = arith.constant 2 : i32
        %add3A_358 = arith.addi %mul3A_277, %add3A_357 : i32
        %add3A_359 = arith.constant 2 : i32
        %add3A_360 = arith.addi %mul3A_277, %add3A_359 : i32
        %dma_wait3A_361 = arith.constant 0 : i32
        %dma_wait3A_362 = arith.constant 0 : i32
        %dma_wait3A_363 = tpu.memref_slice %arg12[%add3A_358, %dma_wait3A_361, %dma_wait3A_362] : memref<10x125x32xf32, #tpu.memory_space<vmem>> -> memref<1x125x32xf32, #tpu.memory_space<vmem>>
        %dma_wait3A_364 = tpu.memref_squeeze %dma_wait3A_363 : memref<1x125x32xf32, #tpu.memory_space<vmem>> -> memref<125x32xf32, #tpu.memory_space<vmem>>
        %dma_wait3A_365 = arith.constant 0 : i32
        %dma_wait3A_366 = tpu.memref_slice %arg14[%add3A_300, %dma_wait3A_365] : memref<10000x32xf32, #tpu.memory_space<vmem_shared>> -> memref<125x32xf32, #tpu.memory_space<vmem_shared>>
        %dma_wait3A_367 = tpu.memref_slice %arg15[%add3A_360] : memref<10x!tpu.dma_semaphore, #tpu.memory_space<semaphore_mem>> -> memref<1x!tpu.dma_semaphore, #tpu.memory_space<semaphore_mem>>
        %dma_wait3A_368 = tpu.memref_squeeze %dma_wait3A_367 : memref<1x!tpu.dma_semaphore, #tpu.memory_space<semaphore_mem>> -> memref<!tpu.dma_semaphore, #tpu.memory_space<semaphore_mem>>
        %dma_wait3A_369 = arith.constant 0 : i32
        %dma_wait3A_370 = arith.constant 0 : i32
        %dma_wait3A_371 = tpu.memref_slice %arg12[%add3A_358, %dma_wait3A_369, %dma_wait3A_370] : memref<10x125x32xf32, #tpu.memory_space<vmem>> -> memref<1x125x32xf32, #tpu.memory_space<vmem>>
        %dma_wait3A_372 = tpu.memref_squeeze %dma_wait3A_371 : memref<1x125x32xf32, #tpu.memory_space<vmem>> -> memref<125x32xf32, #tpu.memory_space<vmem>>
        %dma_wait3A_373 = arith.constant 0 : i32
        %dma_wait3A_374 = tpu.memref_slice %arg14[%add3A_300, %dma_wait3A_373] : memref<10000x32xf32, #tpu.memory_space<vmem_shared>> -> memref<125x32xf32, #tpu.memory_space<vmem_shared>>
        tpu.wait_dma2 semaphore(%dma_wait3A_368 : memref<!tpu.dma_semaphore, #tpu.memory_space<semaphore_mem>>) src(%dma_wait3A_374 : memref<125x32xf32, #tpu.memory_space<vmem_shared>>) dst(%dma_wait3A_372 : memref<125x32xf32, #tpu.memory_space<vmem>>)
        %add3A_375 = arith.constant 3 : i32
        %add3A_376 = arith.addi %mul3A_277, %add3A_375 : i32
        %add3A_377 = arith.constant 3 : i32
        %add3A_378 = arith.addi %mul3A_277, %add3A_377 : i32
        %dma_wait3A_379 = arith.constant 0 : i32
        %dma_wait3A_380 = arith.constant 0 : i32
        %dma_wait3A_381 = tpu.memref_slice %arg12[%add3A_376, %dma_wait3A_379, %dma_wait3A_380] : memref<10x125x32xf32, #tpu.memory_space<vmem>> -> memref<1x125x32xf32, #tpu.memory_space<vmem>>
        %dma_wait3A_382 = tpu.memref_squeeze %dma_wait3A_381 : memref<1x125x32xf32, #tpu.memory_space<vmem>> -> memref<125x32xf32, #tpu.memory_space<vmem>>
        %dma_wait3A_383 = arith.constant 0 : i32
        %dma_wait3A_384 = tpu.memref_slice %arg14[%add3A_300, %dma_wait3A_383] : memref<10000x32xf32, #tpu.memory_space<vmem_shared>> -> memref<125x32xf32, #tpu.memory_space<vmem_shared>>
        %dma_wait3A_385 = tpu.memref_slice %arg15[%add3A_378] : memref<10x!tpu.dma_semaphore, #tpu.memory_space<semaphore_mem>> -> memref<1x!tpu.dma_semaphore, #tpu.memory_space<semaphore_mem>>
        %dma_wait3A_386 = tpu.memref_squeeze %dma_wait3A_385 : memref<1x!tpu.dma_semaphore, #tpu.memory_space<semaphore_mem>> -> memref<!tpu.dma_semaphore, #tpu.memory_space<semaphore_mem>>
        %dma_wait3A_387 = arith.constant 0 : i32
        %dma_wait3A_388 = arith.constant 0 : i32
        %dma_wait3A_389 = tpu.memref_slice %arg12[%add3A_376, %dma_wait3A_387, %dma_wait3A_388] : memref<10x125x32xf32, #tpu.memory_space<vmem>> -> memref<1x125x32xf32, #tpu.memory_space<vmem>>
        %dma_wait3A_390 = tpu.memref_squeeze %dma_wait3A_389 : memref<1x125x32xf32, #tpu.memory_space<vmem>> -> memref<125x32xf32, #tpu.memory_space<vmem>>
        %dma_wait3A_391 = arith.constant 0 : i32
        %dma_wait3A_392 = tpu.memref_slice %arg14[%add3A_300, %dma_wait3A_391] : memref<10000x32xf32, #tpu.memory_space<vmem_shared>> -> memref<125x32xf32, #tpu.memory_space<vmem_shared>>
        tpu.wait_dma2 semaphore(%dma_wait3A_386 : memref<!tpu.dma_semaphore, #tpu.memory_space<semaphore_mem>>) src(%dma_wait3A_392 : memref<125x32xf32, #tpu.memory_space<vmem_shared>>) dst(%dma_wait3A_390 : memref<125x32xf32, #tpu.memory_space<vmem>>)
        %ge3A_393 = arith.constant 2 : i32
        %ge3A_394 = arith.cmpi sge, %scan3A_264, %ge3A_393 : i32
        %convert_element_type3A_395 = arith.extui %ge3A_394 : i1 to i32
        %cond3A_396 = arith.constant 0 : i32
        %cond3A_397 = arith.cmpi ne, %convert_element_type3A_395, %cond3A_396 : i32
        scf.if %cond3A_397 {
          %sub3A = arith.constant 250 : i32
          %sub3A_439 = arith.subi %add3A_300, %sub3A : i32
          %jit3A_440 = arith.constant 2 : i32
          %eq3A_441 = arith.constant 0 : i32
          %eq3A_442 = arith.cmpi eq, %jit3A_440, %eq3A_441 : i32
          %jit3A_443 = arith.constant 1 : i32
          %select_n3A_444 = arith.select %eq3A_442, %jit3A_443, %jit3A_440 : i32
          %rem3A_445 = arith.remsi %scan3A_264, %select_n3A_444 : i32
          %ne3A_446 = arith.constant 0 : i32
          %ne3A_447 = arith.cmpi ne, %rem3A_445, %ne3A_446 : i32
          %lt3A_448 = arith.constant 0 : i32
          %lt3A_449 = arith.cmpi slt, %rem3A_445, %lt3A_448 : i32
          %lt3A_450 = arith.constant 0 : i32
          %lt3A_451 = arith.cmpi slt, %select_n3A_444, %lt3A_450 : i32
          %ne3A_452 = arith.xori %lt3A_449, %lt3A_451 : i1
          %and3A_453 = arith.andi %ne3A_452, %ne3A_447 : i1
          %add3A_454 = arith.addi %rem3A_445, %select_n3A_444 : i32
          %select_n3A_455 = arith.select %and3A_453, %add3A_454, %rem3A_445 : i32
          %add3A_456 = arith.constant 8 : i32
          %add3A_457 = arith.addi %add3A_456, %select_n3A_455 : i32
          %dma_wait3A_458 = arith.constant 0 : i32
          %dma_wait3A_459 = tpu.memref_slice %arg14[%sub3A_439, %dma_wait3A_458] : memref<10000x32xf32, #tpu.memory_space<vmem_shared>> -> memref<125x32xf32, #tpu.memory_space<vmem_shared>>
          %dma_wait3A_460 = tpu.memref_slice %arg16[%add3A_457] : memref<10x!tpu.dma_semaphore, #tpu.memory_space<semaphore_mem>> -> memref<1x!tpu.dma_semaphore, #tpu.memory_space<semaphore_mem>>
          %dma_wait3A_461 = tpu.memref_squeeze %dma_wait3A_460 : memref<1x!tpu.dma_semaphore, #tpu.memory_space<semaphore_mem>> -> memref<!tpu.dma_semaphore, #tpu.memory_space<semaphore_mem>>
          %dma_wait3A_462 = arith.constant 0 : i32
          %dma_wait3A_463 = tpu.memref_slice %arg14[%sub3A_439, %dma_wait3A_462] : memref<10000x32xf32, #tpu.memory_space<vmem_shared>> -> memref<125x32xf32, #tpu.memory_space<vmem_shared>>
          tpu.wait_dma2 semaphore(%dma_wait3A_461 : memref<!tpu.dma_semaphore, #tpu.memory_space<semaphore_mem>>) src(%arg13 : memref<125x32xf32, #tpu.memory_space<vmem>>) dst(%dma_wait3A_463 : memref<125x32xf32, #tpu.memory_space<vmem_shared>>)
        } else {
        }
        %jit3A_398 = arith.constant 2 : i32
        %eq3A_399 = arith.constant 0 : i32
        %eq3A_400 = arith.cmpi eq, %jit3A_398, %eq3A_399 : i32
        %jit3A_401 = arith.constant 1 : i32
        %select_n3A_402 = arith.select %eq3A_400, %jit3A_401, %jit3A_398 : i32
        %rem3A_403 = arith.remsi %scan3A_264, %select_n3A_402 : i32
        %ne3A_404 = arith.constant 0 : i32
        %ne3A_405 = arith.cmpi ne, %rem3A_403, %ne3A_404 : i32
        %lt3A_406 = arith.constant 0 : i32
        %lt3A_407 = arith.cmpi slt, %rem3A_403, %lt3A_406 : i32
        %lt3A_408 = arith.constant 0 : i32
        %lt3A_409 = arith.cmpi slt, %select_n3A_402, %lt3A_408 : i32
        %ne3A_410 = arith.xori %lt3A_407, %lt3A_409 : i1
        %and3A_411 = arith.andi %ne3A_410, %ne3A_405 : i1
        %add3A_412 = arith.addi %rem3A_403, %select_n3A_402 : i32
        %select_n3A_413 = arith.select %and3A_411, %add3A_412, %rem3A_403 : i32
        %add3A_414 = arith.constant 8 : i32
        %add3A_415 = arith.addi %add3A_414, %select_n3A_413 : i32
        %dma_start3A_416 = arith.constant 0 : i32
        %dma_start3A_417 = tpu.memref_slice %arg14[%add3A_300, %dma_start3A_416] : memref<10000x32xf32, #tpu.memory_space<vmem_shared>> -> memref<125x32xf32, #tpu.memory_space<vmem_shared>>
        %dma_start3A_418 = tpu.memref_slice %arg16[%add3A_415] : memref<10x!tpu.dma_semaphore, #tpu.memory_space<semaphore_mem>> -> memref<1x!tpu.dma_semaphore, #tpu.memory_space<semaphore_mem>>
        %dma_start3A_419 = tpu.memref_squeeze %dma_start3A_418 : memref<1x!tpu.dma_semaphore, #tpu.memory_space<semaphore_mem>> -> memref<!tpu.dma_semaphore, #tpu.memory_space<semaphore_mem>>
        %dma_start3A_420 = arith.constant 0 : i32
        %dma_start3A_421 = tpu.memref_slice %arg14[%add3A_300, %dma_start3A_420] : memref<10000x32xf32, #tpu.memory_space<vmem_shared>> -> memref<125x32xf32, #tpu.memory_space<vmem_shared>>
        tpu.enqueue_dma source(%arg13 : memref<125x32xf32, #tpu.memory_space<vmem>>) target(%dma_start3A_421 : memref<125x32xf32, #tpu.memory_space<vmem_shared>>) target_semaphore(%dma_start3A_419 : memref<!tpu.dma_semaphore, #tpu.memory_space<semaphore_mem>>)
        %not3A_422 = arith.constant true
        %not3A_423 = arith.xori %eq3A_181, %not3A_422 : i1
        %convert_element_type3A_424 = arith.extui %not3A_423 : i1 to i32
        %cond3A_425 = arith.constant 0 : i32
        %cond3A_426 = arith.cmpi ne, %convert_element_type3A_424, %cond3A_425 : i32
        scf.if %cond3A_426 {
          %scan3A_439 = arith.constant 0 : i32
          %scan3A_440 = arith.constant 0 : i32
          %scan3A_441 = arith.constant 125 : i32
          %scan3A_442 = arith.addi %scan3A_440, %scan3A_441 : i32
          %scan3A_443 = arith.constant 1 : i32
          %scan3A_444 = scf.for %scan3A_446 = %scan3A_440 to %scan3A_442 step %scan3A_443 iter_args(%scan3A_447 = %scan3A_439) -> (i32)  : i32 {
            %get3A = arith.index_cast %mul3A_277 : i32 to index
            %get3A_448 = arith.index_cast %scan3A_446 : i32 to index
            %get3A_449 = arith.constant 0 : index
            %get3A_450 = tpu.vector_load %arg12[%get3A, %get3A_448, %get3A_449] {strides = array<i32>} : memref<10x125x32xf32, #tpu.memory_space<vmem>>, vector<1x1x16xf32>,
            %get3A_451 = vector.shape_cast %get3A_450 : vector<1x1x16xf32> to vector<16xf32>
            %add3A_452 = arith.constant 2 : i32
            %add3A_453 = arith.addi %mul3A_277, %add3A_452 : i32
            %get3A_454 = arith.index_cast %add3A_453 : i32 to index
            %get3A_455 = arith.index_cast %scan3A_446 : i32 to index
            %get3A_456 = arith.constant 0 : index
            %get3A_457 = tpu.vector_load %arg12[%get3A_454, %get3A_455, %get3A_456] {strides = array<i32>} : memref<10x125x32xf32, #tpu.memory_space<vmem>>, vector<1x1x16xf32>,
            %get3A_458 = vector.shape_cast %get3A_457 : vector<1x1x16xf32> to vector<16xf32>
            %mul3A_459 = arith.mulf %get3A_451, %get3A_458 : vector<16xf32>
            %add3A_460 = arith.constant 1 : i32
            %add3A_461 = arith.addi %mul3A_277, %add3A_460 : i32
            %get3A_462 = arith.index_cast %add3A_461 : i32 to index
            %get3A_463 = arith.index_cast %scan3A_446 : i32 to index
            %get3A_464 = arith.constant 0 : index
            %get3A_465 = tpu.vector_load %arg12[%get3A_462, %get3A_463, %get3A_464] {strides = array<i32>} : memref<10x125x32xf32, #tpu.memory_space<vmem>>, vector<1x1x16xf32>,
            %get3A_466 = vector.shape_cast %get3A_465 : vector<1x1x16xf32> to vector<16xf32>
            %mul3A_467 = arith.constant 1.000000e-01 : f32
            %mul3A_468 = vector.broadcast %mul3A_467 : f32 to vector<16xf32>
            %mul3A_469 = arith.mulf %mul3A_468, %get3A_466 : vector<16xf32>
            %add3A_470 = arith.addf %mul3A_459, %mul3A_469 : vector<16xf32>
            %add3A_471 = arith.constant 3 : i32
            %add3A_472 = arith.addi %mul3A_277, %add3A_471 : i32
            %get3A_473 = arith.index_cast %add3A_472 : i32 to index
            %get3A_474 = arith.index_cast %scan3A_446 : i32 to index
            %get3A_475 = arith.constant 0 : index
            %get3A_476 = tpu.vector_load %arg12[%get3A_473, %get3A_474, %get3A_475] {strides = array<i32>} : memref<10x125x32xf32, #tpu.memory_space<vmem>>, vector<1x1x16xf32>,
            %get3A_477 = vector.shape_cast %get3A_476 : vector<1x1x16xf32> to vector<16xf32>
            %mul3A_478 = arith.mulf %add3A_470, %get3A_477 : vector<16xf32>
            %swap3A = arith.index_cast %mul3A_277 : i32 to index
            %swap3A_479 = arith.index_cast %scan3A_446 : i32 to index
            %swap3A_480 = arith.constant 0 : index
            %swap3A_481 = tpu.vector_load %arg12[%swap3A, %swap3A_479, %swap3A_480] {strides = array<i32>} : memref<10x125x32xf32, #tpu.memory_space<vmem>>, vector<1x1x16xf32>,
            %swap3A_482 = vector.shape_cast %swap3A_481 : vector<1x1x16xf32> to vector<16xf32>
            %swap3A_483 = vector.shape_cast %mul3A_478 : vector<16xf32> to vector<1x1x16xf32>
            tpu.vector_store %arg12[%swap3A, %swap3A_479, %swap3A_480], %swap3A_483 {strides = array<i32>} : memref<10x125x32xf32, #tpu.memory_space<vmem>>, vector<1x1x16xf32>,
            %get3A_484 = arith.index_cast %mul3A_277 : i32 to index
            %get3A_485 = arith.index_cast %scan3A_446 : i32 to index
            %get3A_486 = arith.constant 16 : index
            %get3A_487 = tpu.vector_load %arg12[%get3A_484, %get3A_485, %get3A_486] {strides = array<i32>} : memref<10x125x32xf32, #tpu.memory_space<vmem>>, vector<1x1x16xf32>,
            %get3A_488 = vector.shape_cast %get3A_487 : vector<1x1x16xf32> to vector<16xf32>
            %add3A_489 = arith.constant 2 : i32
            %add3A_490 = arith.addi %mul3A_277, %add3A_489 : i32
            %get3A_491 = arith.index_cast %add3A_490 : i32 to index
            %get3A_492 = arith.index_cast %scan3A_446 : i32 to index
            %get3A_493 = arith.constant 16 : index
            %get3A_494 = tpu.vector_load %arg12[%get3A_491, %get3A_492, %get3A_493] {strides = array<i32>} : memref<10x125x32xf32, #tpu.memory_space<vmem>>, vector<1x1x16xf32>,
            %get3A_495 = vector.shape_cast %get3A_494 : vector<1x1x16xf32> to vector<16xf32>
            %mul3A_496 = arith.mulf %get3A_488, %get3A_495 : vector<16xf32>
            %add3A_497 = arith.constant 1 : i32
            %add3A_498 = arith.addi %mul3A_277, %add3A_497 : i32
            %get3A_499 = arith.index_cast %add3A_498 : i32 to index
            %get3A_500 = arith.index_cast %scan3A_446 : i32 to index
            %get3A_501 = arith.constant 16 : index
            %get3A_502 = tpu.vector_load %arg12[%get3A_499, %get3A_500, %get3A_501] {strides = array<i32>} : memref<10x125x32xf32, #tpu.memory_space<vmem>>, vector<1x1x16xf32>,
            %get3A_503 = vector.shape_cast %get3A_502 : vector<1x1x16xf32> to vector<16xf32>
            %mul3A_504 = arith.constant 1.000000e-01 : f32
            %mul3A_505 = vector.broadcast %mul3A_504 : f32 to vector<16xf32>
            %mul3A_506 = arith.mulf %mul3A_505, %get3A_503 : vector<16xf32>
            %add3A_507 = arith.addf %mul3A_496, %mul3A_506 : vector<16xf32>
            %add3A_508 = arith.constant 3 : i32
            %add3A_509 = arith.addi %mul3A_277, %add3A_508 : i32
            %get3A_510 = arith.index_cast %add3A_509 : i32 to index
            %get3A_511 = arith.index_cast %scan3A_446 : i32 to index
            %get3A_512 = arith.constant 16 : index
            %get3A_513 = tpu.vector_load %arg12[%get3A_510, %get3A_511, %get3A_512] {strides = array<i32>} : memref<10x125x32xf32, #tpu.memory_space<vmem>>, vector<1x1x16xf32>,
            %get3A_514 = vector.shape_cast %get3A_513 : vector<1x1x16xf32> to vector<16xf32>
            %mul3A_515 = arith.mulf %add3A_507, %get3A_514 : vector<16xf32>
            %swap3A_516 = arith.index_cast %mul3A_277 : i32 to index
            %swap3A_517 = arith.index_cast %scan3A_446 : i32 to index
            %swap3A_518 = arith.constant 16 : index
            %swap3A_519 = tpu.vector_load %arg12[%swap3A_516, %swap3A_517, %swap3A_518] {strides = array<i32>} : memref<10x125x32xf32, #tpu.memory_space<vmem>>, vector<1x1x16xf32>,
            %swap3A_520 = vector.shape_cast %swap3A_519 : vector<1x1x16xf32> to vector<16xf32>
            %swap3A_521 = vector.shape_cast %mul3A_515 : vector<16xf32> to vector<1x1x16xf32>
            tpu.vector_store %arg12[%swap3A_516, %swap3A_517, %swap3A_518], %swap3A_521 {strides = array<i32>} : memref<10x125x32xf32, #tpu.memory_space<vmem>>, vector<1x1x16xf32>,
            %scan3A_522 = arith.constant 0 : i32
            scf.yield %scan3A_522 : i32
          }
          %scan3A_445 = arith.constant 125 : i32
        } else {
        }
        %convert_element_type3A_427 = arith.extui %eq3A_181 : i1 to i32
        %cond3A_428 = arith.constant 0 : i32
        %cond3A_429 = arith.cmpi ne, %convert_element_type3A_427, %cond3A_428 : i32
        scf.if %cond3A_429 {
          %scan3A_439 = arith.constant 0 : i32
          %scan3A_440 = arith.constant 0 : i32
          %scan3A_441 = arith.constant 125 : i32
          %scan3A_442 = arith.addi %scan3A_440, %scan3A_441 : i32
          %scan3A_443 = arith.constant 1 : i32
          %scan3A_444 = scf.for %scan3A_446 = %scan3A_440 to %scan3A_442 step %scan3A_443 iter_args(%scan3A_447 = %scan3A_439) -> (i32)  : i32 {
            %get3A = arith.index_cast %mul3A_277 : i32 to index
            %get3A_448 = arith.index_cast %scan3A_446 : i32 to index
            %get3A_449 = arith.constant 0 : index
            %get3A_450 = tpu.vector_load %arg12[%get3A, %get3A_448, %get3A_449] {strides = array<i32>} : memref<10x125x32xf32, #tpu.memory_space<vmem>>, vector<1x1x16xf32>,
            %get3A_451 = vector.shape_cast %get3A_450 : vector<1x1x16xf32> to vector<16xf32>
            %add3A_452 = arith.constant 2 : i32
            %add3A_453 = arith.addi %mul3A_277, %add3A_452 : i32
            %get3A_454 = arith.index_cast %add3A_453 : i32 to index
            %get3A_455 = arith.index_cast %scan3A_446 : i32 to index
            %get3A_456 = arith.constant 0 : index
            %get3A_457 = tpu.vector_load %arg12[%get3A_454, %get3A_455, %get3A_456] {strides = array<i32>} : memref<10x125x32xf32, #tpu.memory_space<vmem>>, vector<1x1x16xf32>,
            %get3A_458 = vector.shape_cast %get3A_457 : vector<1x1x16xf32> to vector<16xf32>
            %mul3A_459 = arith.mulf %get3A_451, %get3A_458 : vector<16xf32>
            %add3A_460 = arith.constant 1 : i32
            %add3A_461 = arith.addi %mul3A_277, %add3A_460 : i32
            %get3A_462 = arith.index_cast %add3A_461 : i32 to index
            %get3A_463 = arith.index_cast %scan3A_446 : i32 to index
            %get3A_464 = arith.constant 0 : index
            %get3A_465 = tpu.vector_load %arg12[%get3A_462, %get3A_463, %get3A_464] {strides = array<i32>} : memref<10x125x32xf32, #tpu.memory_space<vmem>>, vector<1x1x16xf32>,
            %get3A_466 = vector.shape_cast %get3A_465 : vector<1x1x16xf32> to vector<16xf32>
            %mul3A_467 = arith.constant 1.000000e-01 : f32
            %mul3A_468 = vector.broadcast %mul3A_467 : f32 to vector<16xf32>
            %mul3A_469 = arith.mulf %mul3A_468, %get3A_466 : vector<16xf32>
            %add3A_470 = arith.addf %mul3A_459, %mul3A_469 : vector<16xf32>
            %swap3A = arith.index_cast %mul3A_277 : i32 to index
            %swap3A_471 = arith.index_cast %scan3A_446 : i32 to index
            %swap3A_472 = arith.constant 0 : index
            %swap3A_473 = tpu.vector_load %arg12[%swap3A, %swap3A_471, %swap3A_472] {strides = array<i32>} : memref<10x125x32xf32, #tpu.memory_space<vmem>>, vector<1x1x16xf32>,
            %swap3A_474 = vector.shape_cast %swap3A_473 : vector<1x1x16xf32> to vector<16xf32>
            %swap3A_475 = vector.shape_cast %add3A_470 : vector<16xf32> to vector<1x1x16xf32>
            tpu.vector_store %arg12[%swap3A, %swap3A_471, %swap3A_472], %swap3A_475 {strides = array<i32>} : memref<10x125x32xf32, #tpu.memory_space<vmem>>, vector<1x1x16xf32>,
            %get3A_476 = arith.index_cast %mul3A_277 : i32 to index
            %get3A_477 = arith.index_cast %scan3A_446 : i32 to index
            %get3A_478 = arith.constant 16 : index
            %get3A_479 = tpu.vector_load %arg12[%get3A_476, %get3A_477, %get3A_478] {strides = array<i32>} : memref<10x125x32xf32, #tpu.memory_space<vmem>>, vector<1x1x16xf32>,
            %get3A_480 = vector.shape_cast %get3A_479 : vector<1x1x16xf32> to vector<16xf32>
            %add3A_481 = arith.constant 2 : i32
            %add3A_482 = arith.addi %mul3A_277, %add3A_481 : i32
            %get3A_483 = arith.index_cast %add3A_482 : i32 to index
            %get3A_484 = arith.index_cast %scan3A_446 : i32 to index
            %get3A_485 = arith.constant 16 : index
            %get3A_486 = tpu.vector_load %arg12[%get3A_483, %get3A_484, %get3A_485] {strides = array<i32>} : memref<10x125x32xf32, #tpu.memory_space<vmem>>, vector<1x1x16xf32>,
            %get3A_487 = vector.shape_cast %get3A_486 : vector<1x1x16xf32> to vector<16xf32>
            %mul3A_488 = arith.mulf %get3A_480, %get3A_487 : vector<16xf32>
            %add3A_489 = arith.constant 1 : i32
            %add3A_490 = arith.addi %mul3A_277, %add3A_489 : i32
            %get3A_491 = arith.index_cast %add3A_490 : i32 to index
            %get3A_492 = arith.index_cast %scan3A_446 : i32 to index
            %get3A_493 = arith.constant 16 : index
            %get3A_494 = tpu.vector_load %arg12[%get3A_491, %get3A_492, %get3A_493] {strides = array<i32>} : memref<10x125x32xf32, #tpu.memory_space<vmem>>, vector<1x1x16xf32>,
            %get3A_495 = vector.shape_cast %get3A_494 : vector<1x1x16xf32> to vector<16xf32>
            %mul3A_496 = arith.constant 1.000000e-01 : f32
            %mul3A_497 = vector.broadcast %mul3A_496 : f32 to vector<16xf32>
            %mul3A_498 = arith.mulf %mul3A_497, %get3A_495 : vector<16xf32>
            %add3A_499 = arith.addf %mul3A_488, %mul3A_498 : vector<16xf32>
            %swap3A_500 = arith.index_cast %mul3A_277 : i32 to index
            %swap3A_501 = arith.index_cast %scan3A_446 : i32 to index
            %swap3A_502 = arith.constant 16 : index
            %swap3A_503 = tpu.vector_load %arg12[%swap3A_500, %swap3A_501, %swap3A_502] {strides = array<i32>} : memref<10x125x32xf32, #tpu.memory_space<vmem>>, vector<1x1x16xf32>,
            %swap3A_504 = vector.shape_cast %swap3A_503 : vector<1x1x16xf32> to vector<16xf32>
            %swap3A_505 = vector.shape_cast %add3A_499 : vector<16xf32> to vector<1x1x16xf32>
            tpu.vector_store %arg12[%swap3A_500, %swap3A_501, %swap3A_502], %swap3A_505 {strides = array<i32>} : memref<10x125x32xf32, #tpu.memory_space<vmem>>, vector<1x1x16xf32>,
            %scan3A_506 = arith.constant 0 : i32
            scf.yield %scan3A_506 : i32
          }
          %scan3A_445 = arith.constant 125 : i32
        } else {
        }
        %not3A_430 = arith.constant true
        %not3A_431 = arith.xori %eq3A_181, %not3A_430 : i1
        %convert_element_type3A_432 = arith.extui %not3A_431 : i1 to i32
        %cond3A_433 = arith.constant 0 : i32
        %cond3A_434 = arith.cmpi ne, %convert_element_type3A_432, %cond3A_433 : i32
        scf.if %cond3A_434 {
          %add3A_439 = arith.addi %mul3A_2, %add3A_300 : i32
          %dma_start3A_440 = arith.constant 0 : i32
          %dma_start3A_441 = arith.constant 0 : i32
          %dma_start3A_442 = tpu.memref_slice %arg12[%mul3A_277, %dma_start3A_440, %dma_start3A_441] : memref<10x125x32xf32, #tpu.memory_space<vmem>> -> memref<1x125x32xf32, #tpu.memory_space<vmem>>
          %dma_start3A_443 = tpu.memref_squeeze %dma_start3A_442 : memref<1x125x32xf32, #tpu.memory_space<vmem>> -> memref<125x32xf32, #tpu.memory_space<vmem>>
          %dma_start3A_444 = arith.constant 0 : i32
          %dma_start3A_445 = tpu.memref_slice %arg8[%add3A_439, %dma_start3A_444] : memref<20000x32xf32, #tpu.memory_space<hbm>> -> memref<125x32xf32, #tpu.memory_space<hbm>>
          %dma_start3A_446 = tpu.memref_slice %arg16[%mul3A_277] : memref<10x!tpu.dma_semaphore, #tpu.memory_space<semaphore_mem>> -> memref<1x!tpu.dma_semaphore, #tpu.memory_space<semaphore_mem>>
          %dma_start3A_447 = tpu.memref_squeeze %dma_start3A_446 : memref<1x!tpu.dma_semaphore, #tpu.memory_space<semaphore_mem>> -> memref<!tpu.dma_semaphore, #tpu.memory_space<semaphore_mem>>
          %dma_start3A_448 = arith.constant 0 : i32
          %dma_start3A_449 = tpu.memref_slice %arg8[%add3A_439, %dma_start3A_448] : memref<20000x32xf32, #tpu.memory_space<hbm>> -> memref<125x32xf32, #tpu.memory_space<hbm>>
          %dma_start3A_450 = arith.constant 0 : i32
          %dma_start3A_451 = arith.constant 0 : i32
          %dma_start3A_452 = tpu.memref_slice %arg12[%mul3A_277, %dma_start3A_450, %dma_start3A_451] : memref<10x125x32xf32, #tpu.memory_space<vmem>> -> memref<1x125x32xf32, #tpu.memory_space<vmem>>
          %dma_start3A_453 = tpu.memref_squeeze %dma_start3A_452 : memref<1x125x32xf32, #tpu.memory_space<vmem>> -> memref<125x32xf32, #tpu.memory_space<vmem>>
          tpu.enqueue_dma source(%dma_start3A_453 : memref<125x32xf32, #tpu.memory_space<vmem>>) target(%dma_start3A_449 : memref<125x32xf32, #tpu.memory_space<hbm>>) target_semaphore(%dma_start3A_447 : memref<!tpu.dma_semaphore, #tpu.memory_space<semaphore_mem>>)
        } else {
        }
        %convert_element_type3A_435 = arith.extui %eq3A_181 : i1 to i32
        %cond3A_436 = arith.constant 0 : i32
        %cond3A_437 = arith.cmpi ne, %convert_element_type3A_435, %cond3A_436 : i32
        scf.if %cond3A_437 {
          %mul3A_439 = arith.constant 32 : i32
          %mul3A_440 = arith.muli %arg0, %mul3A_439 : i32
          %dma_start3A_441 = arith.constant 0 : i32
          %dma_start3A_442 = arith.constant 0 : i32
          %dma_start3A_443 = tpu.memref_slice %arg12[%mul3A_277, %dma_start3A_441, %dma_start3A_442] : memref<10x125x32xf32, #tpu.memory_space<vmem>> -> memref<1x125x32xf32, #tpu.memory_space<vmem>>
          %dma_start3A_444 = tpu.memref_squeeze %dma_start3A_443 : memref<1x125x32xf32, #tpu.memory_space<vmem>> -> memref<125x32xf32, #tpu.memory_space<vmem>>
          %dma_start3A_445 = tpu.memref_slice %arg9[%add3A_300, %mul3A_440] : memref<10000x64xf32, #tpu.memory_space<hbm>> -> memref<125x32xf32, #tpu.memory_space<hbm>>
          %dma_start3A_446 = tpu.memref_slice %arg16[%mul3A_277] : memref<10x!tpu.dma_semaphore, #tpu.memory_space<semaphore_mem>> -> memref<1x!tpu.dma_semaphore, #tpu.memory_space<semaphore_mem>>
          %dma_start3A_447 = tpu.memref_squeeze %dma_start3A_446 : memref<1x!tpu.dma_semaphore, #tpu.memory_space<semaphore_mem>> -> memref<!tpu.dma_semaphore, #tpu.memory_space<semaphore_mem>>
          %dma_start3A_448 = tpu.memref_slice %arg9[%add3A_300, %mul3A_440] : memref<10000x64xf32, #tpu.memory_space<hbm>> -> memref<125x32xf32, #tpu.memory_space<hbm>>
          %dma_start3A_449 = arith.constant 0 : i32
          %dma_start3A_450 = arith.constant 0 : i32
          %dma_start3A_451 = tpu.memref_slice %arg12[%mul3A_277, %dma_start3A_449, %dma_start3A_450] : memref<10x125x32xf32, #tpu.memory_space<vmem>> -> memref<1x125x32xf32, #tpu.memory_space<vmem>>
          %dma_start3A_452 = tpu.memref_squeeze %dma_start3A_451 : memref<1x125x32xf32, #tpu.memory_space<vmem>> -> memref<125x32xf32, #tpu.memory_space<vmem>>
          tpu.enqueue_dma source(%dma_start3A_452 : memref<125x32xf32, #tpu.memory_space<vmem>>) target(%dma_start3A_448 : memref<125x32xf32, #tpu.memory_space<hbm>>) target_semaphore(%dma_start3A_447 : memref<!tpu.dma_semaphore, #tpu.memory_space<semaphore_mem>>)
        } else {
        }
        %scan3A_438 = arith.constant 0 : i32
        scf.yield %scan3A_438 : i32
      }
      %scan3A_245 = arith.constant 5 : i32
      %scan3A_246 = arith.constant 0 : i32
      %scan3A_247 = arith.constant 0 : i32
      %scan3A_248 = arith.constant 2 : i32
      %scan3A_249 = arith.addi %scan3A_247, %scan3A_248 : i32
      %scan3A_250 = arith.constant 1 : i32
      %scan3A_251 = scf.for %scan3A_264 = %scan3A_247 to %scan3A_249 step %scan3A_250 iter_args(%scan3A_265 = %scan3A_246) -> (i32)  : i32 {
        %add3A_266 = arith.constant 3 : i32
        %add3A_267 = arith.addi %add3A_266, %scan3A_264 : i32
        %mul3A_268 = arith.constant 125 : i32
        %mul3A_269 = arith.muli %add3A_267, %mul3A_268 : i32
        %add3A_270 = arith.addi %mul3A_0, %mul3A_269 : i32
        %jit3A = arith.constant 2 : i32
        %eq3A_271 = arith.constant 0 : i32
        %eq3A_272 = arith.cmpi eq, %jit3A, %eq3A_271 : i32
        %jit3A_273 = arith.constant 1 : i32
        %select_n3A = arith.select %eq3A_272, %jit3A_273, %jit3A : i32
        %rem3A = arith.remsi %add3A_267, %select_n3A : i32
        %ne3A = arith.constant 0 : i32
        %ne3A_274 = arith.cmpi ne, %rem3A, %ne3A : i32
        %lt3A = arith.constant 0 : i32
        %lt3A_275 = arith.cmpi slt, %rem3A, %lt3A : i32
        %lt3A_276 = arith.constant 0 : i32
        %lt3A_277 = arith.cmpi slt, %select_n3A, %lt3A_276 : i32
        %ne3A_278 = arith.xori %lt3A_275, %lt3A_277 : i1
        %and3A = arith.andi %ne3A_278, %ne3A_274 : i1
        %add3A_279 = arith.addi %rem3A, %select_n3A : i32
        %select_n3A_280 = arith.select %and3A, %add3A_279, %rem3A : i32
        %add3A_281 = arith.constant 8 : i32
        %add3A_282 = arith.addi %add3A_281, %select_n3A_280 : i32
        %dma_wait3A_283 = arith.constant 0 : i32
        %dma_wait3A_284 = tpu.memref_slice %arg14[%add3A_270, %dma_wait3A_283] : memref<10000x32xf32, #tpu.memory_space<vmem_shared>> -> memref<125x32xf32, #tpu.memory_space<vmem_shared>>
        %dma_wait3A_285 = tpu.memref_slice %arg16[%add3A_282] : memref<10x!tpu.dma_semaphore, #tpu.memory_space<semaphore_mem>> -> memref<1x!tpu.dma_semaphore, #tpu.memory_space<semaphore_mem>>
        %dma_wait3A_286 = tpu.memref_squeeze %dma_wait3A_285 : memref<1x!tpu.dma_semaphore, #tpu.memory_space<semaphore_mem>> -> memref<!tpu.dma_semaphore, #tpu.memory_space<semaphore_mem>>
        %dma_wait3A_287 = arith.constant 0 : i32
        %dma_wait3A_288 = tpu.memref_slice %arg14[%add3A_270, %dma_wait3A_287] : memref<10000x32xf32, #tpu.memory_space<vmem_shared>> -> memref<125x32xf32, #tpu.memory_space<vmem_shared>>
        tpu.wait_dma2 semaphore(%dma_wait3A_286 : memref<!tpu.dma_semaphore, #tpu.memory_space<semaphore_mem>>) src(%arg13 : memref<125x32xf32, #tpu.memory_space<vmem>>) dst(%dma_wait3A_288 : memref<125x32xf32, #tpu.memory_space<vmem_shared>>)
        %scan3A_289 = arith.constant 0 : i32
        scf.yield %scan3A_289 : i32
      }
      %scan3A_252 = arith.constant 2 : i32
      %add3A_253 = arith.constant 500 : i32
      %add3A_254 = arith.addi %mul3A_0, %add3A_253 : i32
      %not3A = arith.constant true
      %not3A_255 = arith.xori %eq3A_181, %not3A : i1
      %convert_element_type3A_256 = arith.extui %not3A_255 : i1 to i32
      %cond3A_257 = arith.constant 0 : i32
      %cond3A_258 = arith.cmpi ne, %convert_element_type3A_256, %cond3A_257 : i32
      scf.if %cond3A_258 {
        %add3A_264 = arith.addi %mul3A_2, %add3A_254 : i32
        %dma_wait3A_265 = arith.constant 0 : i32
        %dma_wait3A_266 = arith.constant 0 : i32
        %dma_wait3A_267 = arith.constant 0 : i32
        %dma_wait3A_268 = arith.constant 0 : i32
        %dma_wait3A_269 = tpu.memref_slice %arg12[%dma_wait3A_265, %dma_wait3A_267, %dma_wait3A_268] : memref<10x125x32xf32, #tpu.memory_space<vmem>> -> memref<1x125x32xf32, #tpu.memory_space<vmem>>
        %dma_wait3A_270 = tpu.memref_squeeze %dma_wait3A_269 : memref<1x125x32xf32, #tpu.memory_space<vmem>> -> memref<125x32xf32, #tpu.memory_space<vmem>>
        %dma_wait3A_271 = arith.constant 0 : i32
        %dma_wait3A_272 = tpu.memref_slice %arg8[%add3A_264, %dma_wait3A_271] : memref<20000x32xf32, #tpu.memory_space<hbm>> -> memref<125x32xf32, #tpu.memory_space<hbm>>
        %dma_wait3A_273 = tpu.memref_slice %arg16[%dma_wait3A_266] : memref<10x!tpu.dma_semaphore, #tpu.memory_space<semaphore_mem>> -> memref<1x!tpu.dma_semaphore, #tpu.memory_space<semaphore_mem>>
        %dma_wait3A_274 = tpu.memref_squeeze %dma_wait3A_273 : memref<1x!tpu.dma_semaphore, #tpu.memory_space<semaphore_mem>> -> memref<!tpu.dma_semaphore, #tpu.memory_space<semaphore_mem>>
        %dma_wait3A_275 = arith.constant 0 : i32
        %dma_wait3A_276 = tpu.memref_slice %arg8[%add3A_264, %dma_wait3A_275] : memref<20000x32xf32, #tpu.memory_space<hbm>> -> memref<125x32xf32, #tpu.memory_space<hbm>>
        %dma_wait3A_277 = arith.constant 0 : i32
        %dma_wait3A_278 = arith.constant 0 : i32
        %dma_wait3A_279 = tpu.memref_slice %arg12[%dma_wait3A_265, %dma_wait3A_277, %dma_wait3A_278] : memref<10x125x32xf32, #tpu.memory_space<vmem>> -> memref<1x125x32xf32, #tpu.memory_space<vmem>>
        %dma_wait3A_280 = tpu.memref_squeeze %dma_wait3A_279 : memref<1x125x32xf32, #tpu.memory_space<vmem>> -> memref<125x32xf32, #tpu.memory_space<vmem>>
        tpu.wait_dma2 semaphore(%dma_wait3A_274 : memref<!tpu.dma_semaphore, #tpu.memory_space<semaphore_mem>>) src(%dma_wait3A_280 : memref<125x32xf32, #tpu.memory_space<vmem>>) dst(%dma_wait3A_276 : memref<125x32xf32, #tpu.memory_space<hbm>>)
      } else {
      }
      %convert_element_type3A_259 = arith.extui %eq3A_181 : i1 to i32
      %cond3A_260 = arith.constant 0 : i32
      %cond3A_261 = arith.cmpi ne, %convert_element_type3A_259, %cond3A_260 : i32
      scf.if %cond3A_261 {
        %mul3A_264 = arith.constant 32 : i32
        %mul3A_265 = arith.muli %arg0, %mul3A_264 : i32
        %dma_wait3A_266 = arith.constant 0 : i32
        %dma_wait3A_267 = arith.constant 0 : i32
        %dma_wait3A_268 = arith.constant 0 : i32
        %dma_wait3A_269 = arith.constant 0 : i32
        %dma_wait3A_270 = tpu.memref_slice %arg12[%dma_wait3A_266, %dma_wait3A_268, %dma_wait3A_269] : memref<10x125x32xf32, #tpu.memory_space<vmem>> -> memref<1x125x32xf32, #tpu.memory_space<vmem>>
        %dma_wait3A_271 = tpu.memref_squeeze %dma_wait3A_270 : memref<1x125x32xf32, #tpu.memory_space<vmem>> -> memref<125x32xf32, #tpu.memory_space<vmem>>
        %dma_wait3A_272 = tpu.memref_slice %arg9[%add3A_254, %mul3A_265] : memref<10000x64xf32, #tpu.memory_space<hbm>> -> memref<125x32xf32, #tpu.memory_space<hbm>>
        %dma_wait3A_273 = tpu.memref_slice %arg16[%dma_wait3A_267] : memref<10x!tpu.dma_semaphore, #tpu.memory_space<semaphore_mem>> -> memref<1x!tpu.dma_semaphore, #tpu.memory_space<semaphore_mem>>
        %dma_wait3A_274 = tpu.memref_squeeze %dma_wait3A_273 : memref<1x!tpu.dma_semaphore, #tpu.memory_space<semaphore_mem>> -> memref<!tpu.dma_semaphore, #tpu.memory_space<semaphore_mem>>
        %dma_wait3A_275 = tpu.memref_slice %arg9[%add3A_254, %mul3A_265] : memref<10000x64xf32, #tpu.memory_space<hbm>> -> memref<125x32xf32, #tpu.memory_space<hbm>>
        %dma_wait3A_276 = arith.constant 0 : i32
        %dma_wait3A_277 = arith.constant 0 : i32
        %dma_wait3A_278 = tpu.memref_slice %arg12[%dma_wait3A_266, %dma_wait3A_276, %dma_wait3A_277] : memref<10x125x32xf32, #tpu.memory_space<vmem>> -> memref<1x125x32xf32, #tpu.memory_space<vmem>>
        %dma_wait3A_279 = tpu.memref_squeeze %dma_wait3A_278 : memref<1x125x32xf32, #tpu.memory_space<vmem>> -> memref<125x32xf32, #tpu.memory_space<vmem>>
        tpu.wait_dma2 semaphore(%dma_wait3A_274 : memref<!tpu.dma_semaphore, #tpu.memory_space<semaphore_mem>>) src(%dma_wait3A_279 : memref<125x32xf32, #tpu.memory_space<vmem>>) dst(%dma_wait3A_275 : memref<125x32xf32, #tpu.memory_space<hbm>>)
      } else {
      }
      %barrier3A_262 = arith.constant 0 : index
      tpu.barrier barrier_id(%barrier3A_262)
      %scan3A_263 = arith.constant 0 : i32
      scf.yield %scan3A_263 : i32
    }
    %scan3A_22 = arith.constant 10 : i32
    return
  }
}

#map = affine_map<(d0, d1) -> (0, 0, 0)>
module attributes {stable_mosaic.version = 14 : i64} {
  func.func @_deg_kernel(%arg0: i32, %arg1: i32, %arg2: memref<32x80x125xi32, #tpu.memory_space<hbm>>, %arg3: memref<32x80x125xi32, #tpu.memory_space<hbm>>, %arg4: memref<2x2x10000xf32, #tpu.memory_space<hbm>>, %arg5: memref<80x125xi32, #tpu.memory_space<vmem>>, %arg6: memref<80x125xi32, #tpu.memory_space<vmem>>, %arg7: memref<128xf32, #tpu.memory_space<vmem>>, %arg8: memref<2000xf32, #tpu.memory_space<vmem>>, %arg9: memref<10000xf32, #tpu.memory_space<vmem_shared>>, %arg10: memref<10000xf32, #tpu.memory_space<vmem_shared>>, %arg11: memref<4x!tpu.dma_semaphore, #tpu.memory_space<semaphore_mem>>) attributes {dimension_semantics = [#tpu.dimension_semantics<core_parallel>, #tpu.dimension_semantics<subcore_parallel>], iteration_bounds = array<i64: 2, 16>, scalar_prefetch = 0 : i64, scratch_operands = 7 : i64, tpu.core_type = #tpu.core_type<sc_vector_subcore>, window_params = [{transform_indices = #map}, {transform_indices = #map}, {transform_indices = #map}]} {
    %mul3A = arith.constant 2 : i32
    %mul3A_0 = arith.muli %arg1, %mul3A : i32
    %add3A = arith.addi %mul3A_0, %arg0 : i32
    %scan3A = arith.constant 0 : i32
    %scan3A_1 = arith.constant 0 : i32
    %scan3A_2 = arith.constant 8 : i32
    %scan3A_3 = arith.addi %scan3A_1, %scan3A_2 : i32
    %scan3A_4 = arith.constant 1 : i32
    %scan3A_5 = scf.for %scan3A_36 = %scan3A_1 to %scan3A_3 step %scan3A_4 iter_args(%scan3A_37 = %scan3A) -> (i32)  : i32 {
      %broadcast_in_dim3A = arith.constant 1.000000e+00 : f32
      %broadcast_in_dim3A_38 = vector.broadcast %broadcast_in_dim3A : f32 to vector<16xf32>
      %mul3A_39 = arith.constant 16 : i32
      %mul3A_40 = arith.muli %scan3A_36, %mul3A_39 : i32
      %swap3A = arith.index_cast %mul3A_40 : i32 to index
      %swap3A_41 = tpu.vector_load %arg7[%swap3A] {strides = array<i32>} : memref<128xf32, #tpu.memory_space<vmem>>, vector<16xf32>,
      %swap3A_42 = vector.shape_cast %swap3A_41 : vector<16xf32> to vector<16xf32>
      %swap3A_43 = vector.shape_cast %broadcast_in_dim3A_38 : vector<16xf32> to vector<16xf32>
      tpu.vector_store %arg7[%swap3A], %swap3A_43 {strides = array<i32>} : memref<128xf32, #tpu.memory_space<vmem>>, vector<16xf32>,
      %scan3A_44 = arith.constant 0 : i32
      scf.yield %scan3A_44 : i32
    }
    %scan3A_6 = arith.constant 8 : i32
    %scan3A_7 = arith.constant 0 : i32
    %scan3A_8 = arith.constant 0 : i32
    %scan3A_9 = arith.constant 125 : i32
    %scan3A_10 = arith.addi %scan3A_8, %scan3A_9 : i32
    %scan3A_11 = arith.constant 1 : i32
    %scan3A_12 = scf.for %scan3A_36 = %scan3A_8 to %scan3A_10 step %scan3A_11 iter_args(%scan3A_37 = %scan3A_7) -> (i32)  : i32 {
      %broadcast_in_dim3A = arith.constant 0.000000e+00 : f32
      %broadcast_in_dim3A_38 = vector.broadcast %broadcast_in_dim3A : f32 to vector<16xf32>
      %mul3A_39 = arith.constant 16 : i32
      %mul3A_40 = arith.muli %scan3A_36, %mul3A_39 : i32
      %swap3A = arith.index_cast %mul3A_40 : i32 to index
      %swap3A_41 = tpu.vector_load %arg8[%swap3A] {strides = array<i32>} : memref<2000xf32, #tpu.memory_space<vmem>>, vector<16xf32>,
      %swap3A_42 = vector.shape_cast %swap3A_41 : vector<16xf32> to vector<16xf32>
      %swap3A_43 = vector.shape_cast %broadcast_in_dim3A_38 : vector<16xf32> to vector<16xf32>
      tpu.vector_store %arg8[%swap3A], %swap3A_43 {strides = array<i32>} : memref<2000xf32, #tpu.memory_space<vmem>>, vector<16xf32>,
      %scan3A_44 = arith.constant 0 : i32
      scf.yield %scan3A_44 : i32
    }
    %scan3A_13 = arith.constant 125 : i32
    %lt3A = arith.constant 5 : i32
    %lt3A_14 = arith.cmpi slt, %arg1, %lt3A : i32
    %convert_element_type3A = arith.extui %lt3A_14 : i1 to i32
    %cond3A = arith.constant 0 : i32
    %cond3A_15 = arith.cmpi ne, %convert_element_type3A, %cond3A : i32
    scf.if %cond3A_15 {
      %mul3A_36 = arith.constant 2000 : i32
      %mul3A_37 = arith.muli %arg1, %mul3A_36 : i32
      "tpu.region"() ({
        %run_scoped3A = tpu.sem_alloc : memref<!tpu.dma_semaphore, #tpu.memory_space<semaphore_mem>>
        %dma_start3A = tpu.memref_slice %arg9[%mul3A_37] : memref<10000xf32, #tpu.memory_space<vmem_shared>> -> memref<2000xf32, #tpu.memory_space<vmem_shared>>
        %dma_start3A_40 = tpu.memref_slice %arg9[%mul3A_37] : memref<10000xf32, #tpu.memory_space<vmem_shared>> -> memref<2000xf32, #tpu.memory_space<vmem_shared>>
        tpu.enqueue_dma source(%arg8 : memref<2000xf32, #tpu.memory_space<vmem>>) target(%dma_start3A_40 : memref<2000xf32, #tpu.memory_space<vmem_shared>>) target_semaphore(%run_scoped3A : memref<!tpu.dma_semaphore, #tpu.memory_space<semaphore_mem>>)
        %dma_wait3A = tpu.memref_slice %arg9[%mul3A_37] : memref<10000xf32, #tpu.memory_space<vmem_shared>> -> memref<2000xf32, #tpu.memory_space<vmem_shared>>
        %dma_wait3A_41 = tpu.memref_slice %arg9[%mul3A_37] : memref<10000xf32, #tpu.memory_space<vmem_shared>> -> memref<2000xf32, #tpu.memory_space<vmem_shared>>
        tpu.wait_dma2 semaphore(%run_scoped3A : memref<!tpu.dma_semaphore, #tpu.memory_space<semaphore_mem>>) src(%arg8 : memref<2000xf32, #tpu.memory_space<vmem>>) dst(%dma_wait3A_41 : memref<2000xf32, #tpu.memory_space<vmem_shared>>)
        tpu.yield
      }) : () -> ()
      %mul3A_38 = arith.constant 2000 : i32
      %mul3A_39 = arith.muli %arg1, %mul3A_38 : i32
      "tpu.region"() ({
        %run_scoped3A = tpu.sem_alloc : memref<!tpu.dma_semaphore, #tpu.memory_space<semaphore_mem>>
        %dma_start3A = tpu.memref_slice %arg10[%mul3A_39] : memref<10000xf32, #tpu.memory_space<vmem_shared>> -> memref<2000xf32, #tpu.memory_space<vmem_shared>>
        %dma_start3A_40 = tpu.memref_slice %arg10[%mul3A_39] : memref<10000xf32, #tpu.memory_space<vmem_shared>> -> memref<2000xf32, #tpu.memory_space<vmem_shared>>
        tpu.enqueue_dma source(%arg8 : memref<2000xf32, #tpu.memory_space<vmem>>) target(%dma_start3A_40 : memref<2000xf32, #tpu.memory_space<vmem_shared>>) target_semaphore(%run_scoped3A : memref<!tpu.dma_semaphore, #tpu.memory_space<semaphore_mem>>)
        %dma_wait3A = tpu.memref_slice %arg10[%mul3A_39] : memref<10000xf32, #tpu.memory_space<vmem_shared>> -> memref<2000xf32, #tpu.memory_space<vmem_shared>>
        %dma_wait3A_41 = tpu.memref_slice %arg10[%mul3A_39] : memref<10000xf32, #tpu.memory_space<vmem_shared>> -> memref<2000xf32, #tpu.memory_space<vmem_shared>>
        tpu.wait_dma2 semaphore(%run_scoped3A : memref<!tpu.dma_semaphore, #tpu.memory_space<semaphore_mem>>) src(%arg8 : memref<2000xf32, #tpu.memory_space<vmem>>) dst(%dma_wait3A_41 : memref<2000xf32, #tpu.memory_space<vmem_shared>>)
        tpu.yield
      }) : () -> ()
    } else {
    }
    %barrier3A = arith.constant 0 : index
    tpu.barrier barrier_id(%barrier3A)
    "tpu.region"() ({
      %run_scoped3A = tpu.sem_alloc : memref<!tpu.dma_semaphore, #tpu.memory_space<semaphore_mem>>
      %dma_start3A = arith.constant 0 : i32
      %dma_start3A_36 = arith.constant 0 : i32
      %dma_start3A_37 = tpu.memref_slice %arg2[%add3A, %dma_start3A, %dma_start3A_36] : memref<32x80x125xi32, #tpu.memory_space<hbm>> -> memref<1x80x125xi32, #tpu.memory_space<hbm>>
      %dma_start3A_38 = tpu.memref_squeeze %dma_start3A_37 : memref<1x80x125xi32, #tpu.memory_space<hbm>> -> memref<80x125xi32, #tpu.memory_space<hbm>>
      %dma_start3A_39 = arith.constant 0 : i32
      %dma_start3A_40 = arith.constant 0 : i32
      %dma_start3A_41 = tpu.memref_slice %arg2[%add3A, %dma_start3A_39, %dma_start3A_40] : memref<32x80x125xi32, #tpu.memory_space<hbm>> -> memref<1x80x125xi32, #tpu.memory_space<hbm>>
      %dma_start3A_42 = tpu.memref_squeeze %dma_start3A_41 : memref<1x80x125xi32, #tpu.memory_space<hbm>> -> memref<80x125xi32, #tpu.memory_space<hbm>>
      tpu.enqueue_dma source(%dma_start3A_42 : memref<80x125xi32, #tpu.memory_space<hbm>>) target(%arg5 : memref<80x125xi32, #tpu.memory_space<vmem>>) target_semaphore(%run_scoped3A : memref<!tpu.dma_semaphore, #tpu.memory_space<semaphore_mem>>)
      %dma_wait3A = arith.constant 0 : i32
      %dma_wait3A_43 = arith.constant 0 : i32
      %dma_wait3A_44 = tpu.memref_slice %arg2[%add3A, %dma_wait3A, %dma_wait3A_43] : memref<32x80x125xi32, #tpu.memory_space<hbm>> -> memref<1x80x125xi32, #tpu.memory_space<hbm>>
      %dma_wait3A_45 = tpu.memref_squeeze %dma_wait3A_44 : memref<1x80x125xi32, #tpu.memory_space<hbm>> -> memref<80x125xi32, #tpu.memory_space<hbm>>
      %dma_wait3A_46 = arith.constant 0 : i32
      %dma_wait3A_47 = arith.constant 0 : i32
      %dma_wait3A_48 = tpu.memref_slice %arg2[%add3A, %dma_wait3A_46, %dma_wait3A_47] : memref<32x80x125xi32, #tpu.memory_space<hbm>> -> memref<1x80x125xi32, #tpu.memory_space<hbm>>
      %dma_wait3A_49 = tpu.memref_squeeze %dma_wait3A_48 : memref<1x80x125xi32, #tpu.memory_space<hbm>> -> memref<80x125xi32, #tpu.memory_space<hbm>>
      tpu.wait_dma2 semaphore(%run_scoped3A : memref<!tpu.dma_semaphore, #tpu.memory_space<semaphore_mem>>) src(%dma_wait3A_49 : memref<80x125xi32, #tpu.memory_space<hbm>>) dst(%arg5 : memref<80x125xi32, #tpu.memory_space<vmem>>)
      tpu.yield
    }) : () -> ()
    "tpu.region"() ({
      %run_scoped3A = tpu.sem_alloc : memref<!tpu.dma_semaphore, #tpu.memory_space<semaphore_mem>>
      %dma_start3A = arith.constant 0 : i32
      %dma_start3A_36 = arith.constant 0 : i32
      %dma_start3A_37 = tpu.memref_slice %arg3[%add3A, %dma_start3A, %dma_start3A_36] : memref<32x80x125xi32, #tpu.memory_space<hbm>> -> memref<1x80x125xi32, #tpu.memory_space<hbm>>
      %dma_start3A_38 = tpu.memref_squeeze %dma_start3A_37 : memref<1x80x125xi32, #tpu.memory_space<hbm>> -> memref<80x125xi32, #tpu.memory_space<hbm>>
      %dma_start3A_39 = arith.constant 0 : i32
      %dma_start3A_40 = arith.constant 0 : i32
      %dma_start3A_41 = tpu.memref_slice %arg3[%add3A, %dma_start3A_39, %dma_start3A_40] : memref<32x80x125xi32, #tpu.memory_space<hbm>> -> memref<1x80x125xi32, #tpu.memory_space<hbm>>
      %dma_start3A_42 = tpu.memref_squeeze %dma_start3A_41 : memref<1x80x125xi32, #tpu.memory_space<hbm>> -> memref<80x125xi32, #tpu.memory_space<hbm>>
      tpu.enqueue_dma source(%dma_start3A_42 : memref<80x125xi32, #tpu.memory_space<hbm>>) target(%arg6 : memref<80x125xi32, #tpu.memory_space<vmem>>) target_semaphore(%run_scoped3A : memref<!tpu.dma_semaphore, #tpu.memory_space<semaphore_mem>>)
      %dma_wait3A = arith.constant 0 : i32
      %dma_wait3A_43 = arith.constant 0 : i32
      %dma_wait3A_44 = tpu.memref_slice %arg3[%add3A, %dma_wait3A, %dma_wait3A_43] : memref<32x80x125xi32, #tpu.memory_space<hbm>> -> memref<1x80x125xi32, #tpu.memory_space<hbm>>
      %dma_wait3A_45 = tpu.memref_squeeze %dma_wait3A_44 : memref<1x80x125xi32, #tpu.memory_space<hbm>> -> memref<80x125xi32, #tpu.memory_space<hbm>>
      %dma_wait3A_46 = arith.constant 0 : i32
      %dma_wait3A_47 = arith.constant 0 : i32
      %dma_wait3A_48 = tpu.memref_slice %arg3[%add3A, %dma_wait3A_46, %dma_wait3A_47] : memref<32x80x125xi32, #tpu.memory_space<hbm>> -> memref<1x80x125xi32, #tpu.memory_space<hbm>>
      %dma_wait3A_49 = tpu.memref_squeeze %dma_wait3A_48 : memref<1x80x125xi32, #tpu.memory_space<hbm>> -> memref<80x125xi32, #tpu.memory_space<hbm>>
      tpu.wait_dma2 semaphore(%run_scoped3A : memref<!tpu.dma_semaphore, #tpu.memory_space<semaphore_mem>>) src(%dma_wait3A_49 : memref<80x125xi32, #tpu.memory_space<hbm>>) dst(%arg6 : memref<80x125xi32, #tpu.memory_space<vmem>>)
      tpu.yield
    }) : () -> ()
    %scan3A_16 = arith.constant 0 : i32
    %scan3A_17 = arith.constant 0 : i32
    %scan3A_18 = arith.constant 80 : i32
    %scan3A_19 = arith.addi %scan3A_17, %scan3A_18 : i32
    %scan3A_20 = arith.constant 1 : i32
    %scan3A_21 = scf.for %scan3A_36 = %scan3A_17 to %scan3A_19 step %scan3A_20 iter_args(%scan3A_37 = %scan3A_16) -> (i32)  : i32 {
      %jit3A = arith.constant 2 : i32
      %eq3A = arith.constant 0 : i32
      %eq3A_38 = arith.cmpi eq, %jit3A, %eq3A : i32
      %jit3A_39 = arith.constant 1 : i32
      %select_n3A = arith.select %eq3A_38, %jit3A_39, %jit3A : i32
      %rem3A = arith.remsi %scan3A_36, %select_n3A : i32
      %ne3A = arith.constant 0 : i32
      %ne3A_40 = arith.cmpi ne, %rem3A, %ne3A : i32
      %lt3A_41 = arith.constant 0 : i32
      %lt3A_42 = arith.cmpi slt, %rem3A, %lt3A_41 : i32
      %lt3A_43 = arith.constant 0 : i32
      %lt3A_44 = arith.cmpi slt, %select_n3A, %lt3A_43 : i32
      %ne3A_45 = arith.xori %lt3A_42, %lt3A_44 : i1
      %and3A = arith.andi %ne3A_45, %ne3A_40 : i1
      %add3A_46 = arith.addi %rem3A, %select_n3A : i32
      %select_n3A_47 = arith.select %and3A, %add3A_46, %rem3A : i32
      %mul3A_48 = arith.constant 2 : i32
      %mul3A_49 = arith.muli %select_n3A_47, %mul3A_48 : i32
      %ge3A = arith.constant 2 : i32
      %ge3A_50 = arith.cmpi sge, %scan3A_36, %ge3A : i32
      %convert_element_type3A_51 = arith.extui %ge3A_50 : i1 to i32
      %cond3A_52 = arith.constant 0 : i32
      %cond3A_53 = arith.cmpi ne, %convert_element_type3A_51, %cond3A_52 : i32
      scf.if %cond3A_53 {
        %sub3A = arith.constant 2 : i32
        %sub3A_74 = arith.subi %scan3A_36, %sub3A : i32
        %dma_wait3A = arith.constant 0 : i32
        %dma_wait3A_75 = tpu.memref_slice %arg7[%dma_wait3A] : memref<128xf32, #tpu.memory_space<vmem>> -> memref<125xf32, #tpu.memory_space<vmem>>
        %dma_wait3A_76 = arith.constant 0 : i32
        %dma_wait3A_77 = tpu.memref_slice %arg5[%sub3A_74, %dma_wait3A_76] : memref<80x125xi32, #tpu.memory_space<vmem>> -> memref<1x125xi32, #tpu.memory_space<vmem>>
        %dma_wait3A_78 = tpu.memref_squeeze %dma_wait3A_77 : memref<1x125xi32, #tpu.memory_space<vmem>> -> memref<125xi32, #tpu.memory_space<vmem>>
        %dma_wait3A_79 = arith.constant 0 : i32
        %dma_wait3A_80 = tpu.memref_slice %arg9[%dma_wait3A_79] : memref<10000xf32, #tpu.memory_space<vmem_shared>> -> memref<10000xf32, #tpu.memory_space<vmem_shared>>
        %dma_wait3A_81 = tpu.memref_slice %arg11[%mul3A_49] : memref<4x!tpu.dma_semaphore, #tpu.memory_space<semaphore_mem>> -> memref<1x!tpu.dma_semaphore, #tpu.memory_space<semaphore_mem>>
        %dma_wait3A_82 = tpu.memref_squeeze %dma_wait3A_81 : memref<1x!tpu.dma_semaphore, #tpu.memory_space<semaphore_mem>> -> memref<!tpu.dma_semaphore, #tpu.memory_space<semaphore_mem>>
        tpu.wait_indirect_dma semaphore(%dma_wait3A_82 : memref<!tpu.dma_semaphore, #tpu.memory_space<semaphore_mem>>) src(%dma_wait3A_75 : memref<125xf32, #tpu.memory_space<vmem>>) dst(%dma_wait3A_80 : memref<10000xf32, #tpu.memory_space<vmem_shared>>)
        %sub3A_83 = arith.constant 2 : i32
        %sub3A_84 = arith.subi %scan3A_36, %sub3A_83 : i32
        %add3A_85 = arith.constant 1 : i32
        %add3A_86 = arith.addi %mul3A_49, %add3A_85 : i32
        %dma_wait3A_87 = arith.constant 0 : i32
        %dma_wait3A_88 = tpu.memref_slice %arg7[%dma_wait3A_87] : memref<128xf32, #tpu.memory_space<vmem>> -> memref<125xf32, #tpu.memory_space<vmem>>
        %dma_wait3A_89 = arith.constant 0 : i32
        %dma_wait3A_90 = tpu.memref_slice %arg6[%sub3A_84, %dma_wait3A_89] : memref<80x125xi32, #tpu.memory_space<vmem>> -> memref<1x125xi32, #tpu.memory_space<vmem>>
        %dma_wait3A_91 = tpu.memref_squeeze %dma_wait3A_90 : memref<1x125xi32, #tpu.memory_space<vmem>> -> memref<125xi32, #tpu.memory_space<vmem>>
        %dma_wait3A_92 = arith.constant 0 : i32
        %dma_wait3A_93 = tpu.memref_slice %arg10[%dma_wait3A_92] : memref<10000xf32, #tpu.memory_space<vmem_shared>> -> memref<10000xf32, #tpu.memory_space<vmem_shared>>
        %dma_wait3A_94 = tpu.memref_slice %arg11[%add3A_86] : memref<4x!tpu.dma_semaphore, #tpu.memory_space<semaphore_mem>> -> memref<1x!tpu.dma_semaphore, #tpu.memory_space<semaphore_mem>>
        %dma_wait3A_95 = tpu.memref_squeeze %dma_wait3A_94 : memref<1x!tpu.dma_semaphore, #tpu.memory_space<semaphore_mem>> -> memref<!tpu.dma_semaphore, #tpu.memory_space<semaphore_mem>>
        tpu.wait_indirect_dma semaphore(%dma_wait3A_95 : memref<!tpu.dma_semaphore, #tpu.memory_space<semaphore_mem>>) src(%dma_wait3A_88 : memref<125xf32, #tpu.memory_space<vmem>>) dst(%dma_wait3A_93 : memref<10000xf32, #tpu.memory_space<vmem_shared>>)
      } else {
      }
      %dma_start3A = arith.constant 0 : i32
      %dma_start3A_54 = tpu.memref_slice %arg7[%dma_start3A] : memref<128xf32, #tpu.memory_space<vmem>> -> memref<125xf32, #tpu.memory_space<vmem>>
      %dma_start3A_55 = arith.constant 0 : i32
      %dma_start3A_56 = tpu.memref_slice %arg5[%scan3A_36, %dma_start3A_55] : memref<80x125xi32, #tpu.memory_space<vmem>> -> memref<1x125xi32, #tpu.memory_space<vmem>>
      %dma_start3A_57 = tpu.memref_squeeze %dma_start3A_56 : memref<1x125xi32, #tpu.memory_space<vmem>> -> memref<125xi32, #tpu.memory_space<vmem>>
      %dma_start3A_58 = arith.constant 0 : i32
      %dma_start3A_59 = tpu.memref_slice %arg9[%dma_start3A_58] : memref<10000xf32, #tpu.memory_space<vmem_shared>> -> memref<10000xf32, #tpu.memory_space<vmem_shared>>
      %dma_start3A_60 = tpu.memref_slice %arg11[%mul3A_49] : memref<4x!tpu.dma_semaphore, #tpu.memory_space<semaphore_mem>> -> memref<1x!tpu.dma_semaphore, #tpu.memory_space<semaphore_mem>>
      %dma_start3A_61 = tpu.memref_squeeze %dma_start3A_60 : memref<1x!tpu.dma_semaphore, #tpu.memory_space<semaphore_mem>> -> memref<!tpu.dma_semaphore, #tpu.memory_space<semaphore_mem>>
      tpu.enqueue_indirect_dma source(%dma_start3A_54 : memref<125xf32, #tpu.memory_space<vmem>>) target(%dma_start3A_59 : memref<10000xf32, #tpu.memory_space<vmem_shared>>) offsets(%dma_start3A_57 : memref<125xi32, #tpu.memory_space<vmem>>) semaphore(%dma_start3A_61 : memref<!tpu.dma_semaphore, #tpu.memory_space<semaphore_mem>>) {add = true}
      %add3A_62 = arith.constant 1 : i32
      %add3A_63 = arith.addi %mul3A_49, %add3A_62 : i32
      %dma_start3A_64 = arith.constant 0 : i32
      %dma_start3A_65 = tpu.memref_slice %arg7[%dma_start3A_64] : memref<128xf32, #tpu.memory_space<vmem>> -> memref<125xf32, #tpu.memory_space<vmem>>
      %dma_start3A_66 = arith.constant 0 : i32
      %dma_start3A_67 = tpu.memref_slice %arg6[%scan3A_36, %dma_start3A_66] : memref<80x125xi32, #tpu.memory_space<vmem>> -> memref<1x125xi32, #tpu.memory_space<vmem>>
      %dma_start3A_68 = tpu.memref_squeeze %dma_start3A_67 : memref<1x125xi32, #tpu.memory_space<vmem>> -> memref<125xi32, #tpu.memory_space<vmem>>
      %dma_start3A_69 = arith.constant 0 : i32
      %dma_start3A_70 = tpu.memref_slice %arg10[%dma_start3A_69] : memref<10000xf32, #tpu.memory_space<vmem_shared>> -> memref<10000xf32, #tpu.memory_space<vmem_shared>>
      %dma_start3A_71 = tpu.memref_slice %arg11[%add3A_63] : memref<4x!tpu.dma_semaphore, #tpu.memory_space<semaphore_mem>> -> memref<1x!tpu.dma_semaphore, #tpu.memory_space<semaphore_mem>>
      %dma_start3A_72 = tpu.memref_squeeze %dma_start3A_71 : memref<1x!tpu.dma_semaphore, #tpu.memory_space<semaphore_mem>> -> memref<!tpu.dma_semaphore, #tpu.memory_space<semaphore_mem>>
      tpu.enqueue_indirect_dma source(%dma_start3A_65 : memref<125xf32, #tpu.memory_space<vmem>>) target(%dma_start3A_70 : memref<10000xf32, #tpu.memory_space<vmem_shared>>) offsets(%dma_start3A_68 : memref<125xi32, #tpu.memory_space<vmem>>) semaphore(%dma_start3A_72 : memref<!tpu.dma_semaphore, #tpu.memory_space<semaphore_mem>>) {add = true}
      %scan3A_73 = arith.constant 0 : i32
      scf.yield %scan3A_73 : i32
    }
    %scan3A_22 = arith.constant 80 : i32
    %scan3A_23 = arith.constant 0 : i32
    %scan3A_24 = arith.constant 0 : i32
    %scan3A_25 = arith.constant 2 : i32
    %scan3A_26 = arith.addi %scan3A_24, %scan3A_25 : i32
    %scan3A_27 = arith.constant 1 : i32
    %scan3A_28 = scf.for %scan3A_36 = %scan3A_24 to %scan3A_26 step %scan3A_27 iter_args(%scan3A_37 = %scan3A_23) -> (i32)  : i32 {
      %add3A_38 = arith.constant 78 : i32
      %add3A_39 = arith.addi %add3A_38, %scan3A_36 : i32
      %jit3A = arith.constant 2 : i32
      %eq3A = arith.constant 0 : i32
      %eq3A_40 = arith.cmpi eq, %jit3A, %eq3A : i32
      %jit3A_41 = arith.constant 1 : i32
      %select_n3A = arith.select %eq3A_40, %jit3A_41, %jit3A : i32
      %rem3A = arith.remsi %add3A_39, %select_n3A : i32
      %ne3A = arith.constant 0 : i32
      %ne3A_42 = arith.cmpi ne, %rem3A, %ne3A : i32
      %lt3A_43 = arith.constant 0 : i32
      %lt3A_44 = arith.cmpi slt, %rem3A, %lt3A_43 : i32
      %lt3A_45 = arith.constant 0 : i32
      %lt3A_46 = arith.cmpi slt, %select_n3A, %lt3A_45 : i32
      %ne3A_47 = arith.xori %lt3A_44, %lt3A_46 : i1
      %and3A = arith.andi %ne3A_47, %ne3A_42 : i1
      %add3A_48 = arith.addi %rem3A, %select_n3A : i32
      %select_n3A_49 = arith.select %and3A, %add3A_48, %rem3A : i32
      %mul3A_50 = arith.constant 2 : i32
      %mul3A_51 = arith.muli %select_n3A_49, %mul3A_50 : i32
      %dma_wait3A = arith.constant 0 : i32
      %dma_wait3A_52 = tpu.memref_slice %arg7[%dma_wait3A] : memref<128xf32, #tpu.memory_space<vmem>> -> memref<125xf32, #tpu.memory_space<vmem>>
      %dma_wait3A_53 = arith.constant 0 : i32
      %dma_wait3A_54 = tpu.memref_slice %arg5[%add3A_39, %dma_wait3A_53] : memref<80x125xi32, #tpu.memory_space<vmem>> -> memref<1x125xi32, #tpu.memory_space<vmem>>
      %dma_wait3A_55 = tpu.memref_squeeze %dma_wait3A_54 : memref<1x125xi32, #tpu.memory_space<vmem>> -> memref<125xi32, #tpu.memory_space<vmem>>
      %dma_wait3A_56 = arith.constant 0 : i32
      %dma_wait3A_57 = tpu.memref_slice %arg9[%dma_wait3A_56] : memref<10000xf32, #tpu.memory_space<vmem_shared>> -> memref<10000xf32, #tpu.memory_space<vmem_shared>>
      %dma_wait3A_58 = tpu.memref_slice %arg11[%mul3A_51] : memref<4x!tpu.dma_semaphore, #tpu.memory_space<semaphore_mem>> -> memref<1x!tpu.dma_semaphore, #tpu.memory_space<semaphore_mem>>
      %dma_wait3A_59 = tpu.memref_squeeze %dma_wait3A_58 : memref<1x!tpu.dma_semaphore, #tpu.memory_space<semaphore_mem>> -> memref<!tpu.dma_semaphore, #tpu.memory_space<semaphore_mem>>
      tpu.wait_indirect_dma semaphore(%dma_wait3A_59 : memref<!tpu.dma_semaphore, #tpu.memory_space<semaphore_mem>>) src(%dma_wait3A_52 : memref<125xf32, #tpu.memory_space<vmem>>) dst(%dma_wait3A_57 : memref<10000xf32, #tpu.memory_space<vmem_shared>>)
      %add3A_60 = arith.constant 1 : i32
      %add3A_61 = arith.addi %mul3A_51, %add3A_60 : i32
      %dma_wait3A_62 = arith.constant 0 : i32
      %dma_wait3A_63 = tpu.memref_slice %arg7[%dma_wait3A_62] : memref<128xf32, #tpu.memory_space<vmem>> -> memref<125xf32, #tpu.memory_space<vmem>>
      %dma_wait3A_64 = arith.constant 0 : i32
      %dma_wait3A_65 = tpu.memref_slice %arg6[%add3A_39, %dma_wait3A_64] : memref<80x125xi32, #tpu.memory_space<vmem>> -> memref<1x125xi32, #tpu.memory_space<vmem>>
      %dma_wait3A_66 = tpu.memref_squeeze %dma_wait3A_65 : memref<1x125xi32, #tpu.memory_space<vmem>> -> memref<125xi32, #tpu.memory_space<vmem>>
      %dma_wait3A_67 = arith.constant 0 : i32
      %dma_wait3A_68 = tpu.memref_slice %arg10[%dma_wait3A_67] : memref<10000xf32, #tpu.memory_space<vmem_shared>> -> memref<10000xf32, #tpu.memory_space<vmem_shared>>
      %dma_wait3A_69 = tpu.memref_slice %arg11[%add3A_61] : memref<4x!tpu.dma_semaphore, #tpu.memory_space<semaphore_mem>> -> memref<1x!tpu.dma_semaphore, #tpu.memory_space<semaphore_mem>>
      %dma_wait3A_70 = tpu.memref_squeeze %dma_wait3A_69 : memref<1x!tpu.dma_semaphore, #tpu.memory_space<semaphore_mem>> -> memref<!tpu.dma_semaphore, #tpu.memory_space<semaphore_mem>>
      tpu.wait_indirect_dma semaphore(%dma_wait3A_70 : memref<!tpu.dma_semaphore, #tpu.memory_space<semaphore_mem>>) src(%dma_wait3A_63 : memref<125xf32, #tpu.memory_space<vmem>>) dst(%dma_wait3A_68 : memref<10000xf32, #tpu.memory_space<vmem_shared>>)
      %scan3A_71 = arith.constant 0 : i32
      scf.yield %scan3A_71 : i32
    }
    %scan3A_29 = arith.constant 2 : i32
    %barrier3A_30 = arith.constant 0 : index
    tpu.barrier barrier_id(%barrier3A_30)
    %lt3A_31 = arith.constant 10 : i32
    %lt3A_32 = arith.cmpi slt, %arg1, %lt3A_31 : i32
    %convert_element_type3A_33 = arith.extui %lt3A_32 : i1 to i32
    %cond3A_34 = arith.constant 0 : i32
    %cond3A_35 = arith.cmpi ne, %convert_element_type3A_33, %cond3A_34 : i32
    scf.if %cond3A_35 {
      %mul3A_36 = arith.constant 1000 : i32
      %mul3A_37 = arith.muli %arg1, %mul3A_36 : i32
      %mul3A_38 = arith.constant 1000 : i32
      %mul3A_39 = arith.muli %arg1, %mul3A_38 : i32
      %run_scoped3A = arith.constant 0 : i32
      "tpu.region"() ({
        %run_scoped3A_45 = tpu.sem_alloc : memref<!tpu.dma_semaphore, #tpu.memory_space<semaphore_mem>>
        %dma_start3A = tpu.memref_slice %arg4[%arg0, %run_scoped3A, %mul3A_39] : memref<2x2x10000xf32, #tpu.memory_space<hbm>> -> memref<1x1x1000xf32, #tpu.memory_space<hbm>>
        %dma_start3A_46 = tpu.memref_squeeze %dma_start3A : memref<1x1x1000xf32, #tpu.memory_space<hbm>> -> memref<1000xf32, #tpu.memory_space<hbm>>
        %dma_start3A_47 = tpu.memref_slice %arg9[%mul3A_37] : memref<10000xf32, #tpu.memory_space<vmem_shared>> -> memref<1000xf32, #tpu.memory_space<vmem_shared>>
        tpu.enqueue_dma source(%dma_start3A_47 : memref<1000xf32, #tpu.memory_space<vmem_shared>>) target(%dma_start3A_46 : memref<1000xf32, #tpu.memory_space<hbm>>) target_semaphore(%run_scoped3A_45 : memref<!tpu.dma_semaphore, #tpu.memory_space<semaphore_mem>>)
        %dma_wait3A = tpu.memref_slice %arg4[%arg0, %run_scoped3A, %mul3A_39] : memref<2x2x10000xf32, #tpu.memory_space<hbm>> -> memref<1x1x1000xf32, #tpu.memory_space<hbm>>
        %dma_wait3A_48 = tpu.memref_squeeze %dma_wait3A : memref<1x1x1000xf32, #tpu.memory_space<hbm>> -> memref<1000xf32, #tpu.memory_space<hbm>>
        %dma_wait3A_49 = tpu.memref_slice %arg9[%mul3A_37] : memref<10000xf32, #tpu.memory_space<vmem_shared>> -> memref<1000xf32, #tpu.memory_space<vmem_shared>>
        tpu.wait_dma2 semaphore(%run_scoped3A_45 : memref<!tpu.dma_semaphore, #tpu.memory_space<semaphore_mem>>) src(%dma_wait3A_49 : memref<1000xf32, #tpu.memory_space<vmem_shared>>) dst(%dma_wait3A_48 : memref<1000xf32, #tpu.memory_space<hbm>>)
        tpu.yield
      }) : () -> ()
      %mul3A_40 = arith.constant 1000 : i32
      %mul3A_41 = arith.muli %arg1, %mul3A_40 : i32
      %mul3A_42 = arith.constant 1000 : i32
      %mul3A_43 = arith.muli %arg1, %mul3A_42 : i32
      %run_scoped3A_44 = arith.constant 1 : i32
      "tpu.region"() ({
        %run_scoped3A_45 = tpu.sem_alloc : memref<!tpu.dma_semaphore, #tpu.memory_space<semaphore_mem>>
        %dma_start3A = tpu.memref_slice %arg4[%arg0, %run_scoped3A_44, %mul3A_43] : memref<2x2x10000xf32, #tpu.memory_space<hbm>> -> memref<1x1x1000xf32, #tpu.memory_space<hbm>>
        %dma_start3A_46 = tpu.memref_squeeze %dma_start3A : memref<1x1x1000xf32, #tpu.memory_space<hbm>> -> memref<1000xf32, #tpu.memory_space<hbm>>
        %dma_start3A_47 = tpu.memref_slice %arg10[%mul3A_41] : memref<10000xf32, #tpu.memory_space<vmem_shared>> -> memref<1000xf32, #tpu.memory_space<vmem_shared>>
        tpu.enqueue_dma source(%dma_start3A_47 : memref<1000xf32, #tpu.memory_space<vmem_shared>>) target(%dma_start3A_46 : memref<1000xf32, #tpu.memory_space<hbm>>) target_semaphore(%run_scoped3A_45 : memref<!tpu.dma_semaphore, #tpu.memory_space<semaphore_mem>>)
        %dma_wait3A = tpu.memref_slice %arg4[%arg0, %run_scoped3A_44, %mul3A_43] : memref<2x2x10000xf32, #tpu.memory_space<hbm>> -> memref<1x1x1000xf32, #tpu.memory_space<hbm>>
        %dma_wait3A_48 = tpu.memref_squeeze %dma_wait3A : memref<1x1x1000xf32, #tpu.memory_space<hbm>> -> memref<1000xf32, #tpu.memory_space<hbm>>
        %dma_wait3A_49 = tpu.memref_slice %arg10[%mul3A_41] : memref<10000xf32, #tpu.memory_space<vmem_shared>> -> memref<1000xf32, #tpu.memory_space<vmem_shared>>
        tpu.wait_dma2 semaphore(%run_scoped3A_45 : memref<!tpu.dma_semaphore, #tpu.memory_space<semaphore_mem>>) src(%dma_wait3A_49 : memref<1000xf32, #tpu.memory_space<vmem_shared>>) dst(%dma_wait3A_48 : memref<1000xf32, #tpu.memory_space<hbm>>)
        tpu.yield
      }) : () -> ()
    } else {
    }
    return
  }
}

module attributes {stable_mosaic.version = 14 : i64} {
  func.func @_mlp_body(%arg0: i32, %arg1: memref<1000x128xf32, #tpu.memory_space<vmem>>, %arg2: memref<128x256xf32, #tpu.memory_space<vmem>>, %arg3: memref<1x256xf32, #tpu.memory_space<vmem>>, %arg4: memref<256x256xf32, #tpu.memory_space<vmem>>, %arg5: memref<1x256xf32, #tpu.memory_space<vmem>>, %arg6: memref<256x64xf32, #tpu.memory_space<vmem>>, %arg7: memref<1x64xf32, #tpu.memory_space<vmem>>, %arg8: memref<1000x32xf32, #tpu.memory_space<vmem>>, %arg9: memref<1000x32xf32, #tpu.memory_space<vmem>>) attributes {dimension_semantics = [#tpu.dimension_semantics<arbitrary>], iteration_bounds = array<i64: 10>, scalar_prefetch = 0 : i64, scratch_operands = 0 : i64, tpu.core_type = #tpu.core_type<tc>, window_params = [{transform_indices = @transform_0, window_bounds = array<i64: 1000, 128>}, {pipeline_mode = #tpu.pipeline_mode<synchronous>, transform_indices = @transform_1, window_bounds = array<i64: 128, 256>}, {pipeline_mode = #tpu.pipeline_mode<synchronous>, transform_indices = @transform_2, window_bounds = array<i64: 1, 256>}, {pipeline_mode = #tpu.pipeline_mode<synchronous>, transform_indices = @transform_3, window_bounds = array<i64: 256, 256>}, {pipeline_mode = #tpu.pipeline_mode<synchronous>, transform_indices = @transform_4, window_bounds = array<i64: 1, 256>}, {pipeline_mode = #tpu.pipeline_mode<synchronous>, transform_indices = @transform_5, window_bounds = array<i64: 256, 64>}, {pipeline_mode = #tpu.pipeline_mode<synchronous>, transform_indices = @transform_6, window_bounds = array<i64: 1, 64>}, {transform_indices = @transform_7, window_bounds = array<i64: 1000, 32>}, {transform_indices = @transform_8, window_bounds = array<i64: 1000, 32>}]} {
    %get3A = arith.constant 0 : index
    %get3A_0 = arith.constant 0 : index
    %get3A_1 = vector.load %arg1[%get3A, %get3A_0] : memref<1000x128xf32, #tpu.memory_space<vmem>>, vector<1000x128xf32>
    %get3A_2 = arith.constant 0 : index
    %get3A_3 = arith.constant 0 : index
    %get3A_4 = vector.load %arg2[%get3A_2, %get3A_3] : memref<128x256xf32, #tpu.memory_space<vmem>>, vector<128x256xf32>
    %dot_general3A = arith.constant dense<0.000000e+00> : vector<1000x256xf32>
    %dot_general3A_5 = tpu.matmul %get3A_1, %get3A_4, %dot_general3A {dimension_numbers = #tpu.dot_dimension_numbers<[1], [0], [0], [1], [0, 0, 1, 1], [], []>, transpose_lhs_hint = false} : vector<1000x128xf32>, vector<128x256xf32>, vector<1000x256xf32> -> vector<1000x256xf32>
    %get3A_6 = arith.constant 0 : index
    %get3A_7 = arith.constant 0 : index
    %get3A_8 = vector.load %arg3[%get3A_6, %get3A_7] : memref<1x256xf32, #tpu.memory_space<vmem>>, vector<1x256xf32>
    %add3A = vector.broadcast %get3A_8 : vector<1x256xf32> to vector<1000x256xf32>
    %add3A_9 = arith.addf %dot_general3A_5, %add3A : vector<1000x256xf32>
    %max3A = arith.constant 0.000000e+00 : f32
    %max3A_10 = vector.broadcast %max3A : f32 to vector<1000x256xf32>
    %max3A_11 = arith.maximumf %add3A_9, %max3A_10 : vector<1000x256xf32>
    %get3A_12 = arith.constant 0 : index
    %get3A_13 = arith.constant 0 : index
    %get3A_14 = vector.load %arg4[%get3A_12, %get3A_13] : memref<256x256xf32, #tpu.memory_space<vmem>>, vector<256x256xf32>
    %dot_general3A_15 = arith.constant dense<0.000000e+00> : vector<1000x256xf32>
    %dot_general3A_16 = tpu.matmul %max3A_11, %get3A_14, %dot_general3A_15 {dimension_numbers = #tpu.dot_dimension_numbers<[1], [0], [0], [1], [0, 0, 1, 1], [], []>, transpose_lhs_hint = false} : vector<1000x256xf32>, vector<256x256xf32>, vector<1000x256xf32> -> vector<1000x256xf32>
    %get3A_17 = arith.constant 0 : index
    %get3A_18 = arith.constant 0 : index
    %get3A_19 = vector.load %arg5[%get3A_17, %get3A_18] : memref<1x256xf32, #tpu.memory_space<vmem>>, vector<1x256xf32>
    %add3A_20 = vector.broadcast %get3A_19 : vector<1x256xf32> to vector<1000x256xf32>
    %add3A_21 = arith.addf %dot_general3A_16, %add3A_20 : vector<1000x256xf32>
    %max3A_22 = arith.constant 0.000000e+00 : f32
    %max3A_23 = vector.broadcast %max3A_22 : f32 to vector<1000x256xf32>
    %max3A_24 = arith.maximumf %add3A_21, %max3A_23 : vector<1000x256xf32>
    %get3A_25 = arith.constant 0 : index
    %get3A_26 = arith.constant 0 : index
    %get3A_27 = vector.load %arg6[%get3A_25, %get3A_26] : memref<256x64xf32, #tpu.memory_space<vmem>>, vector<256x64xf32>
    %dot_general3A_28 = arith.constant dense<0.000000e+00> : vector<1000x64xf32>
    %dot_general3A_29 = tpu.matmul %max3A_24, %get3A_27, %dot_general3A_28 {dimension_numbers = #tpu.dot_dimension_numbers<[1], [0], [0], [1], [0, 0, 1, 1], [], []>, transpose_lhs_hint = false} : vector<1000x256xf32>, vector<256x64xf32>, vector<1000x64xf32> -> vector<1000x64xf32>
    %get3A_30 = arith.constant 0 : index
    %get3A_31 = arith.constant 0 : index
    %get3A_32 = vector.load %arg7[%get3A_30, %get3A_31] : memref<1x64xf32, #tpu.memory_space<vmem>>, vector<1x64xf32>
    %add3A_33 = vector.broadcast %get3A_32 : vector<1x64xf32> to vector<1000x64xf32>
    %add3A_34 = arith.addf %dot_general3A_29, %add3A_33 : vector<1000x64xf32>
    %slice3A = vector.extract_strided_slice %add3A_34 {offsets = [0, 0], sizes = [1000, 32], strides = [1, 1]} : vector<1000x64xf32> to vector<1000x32xf32>
    %swap3A = arith.constant 0 : index
    %swap3A_35 = arith.constant 0 : index
    %swap3A_36 = vector.load %arg8[%swap3A, %swap3A_35] : memref<1000x32xf32, #tpu.memory_space<vmem>>, vector<1000x32xf32>
    tpu.vector_store %arg8[%swap3A, %swap3A_35], %slice3A {strides = array<i32>} : memref<1000x32xf32, #tpu.memory_space<vmem>>, vector<1000x32xf32>,
    %slice3A_37 = vector.extract_strided_slice %add3A_34 {offsets = [0, 32], sizes = [1000, 32], strides = [1, 1]} : vector<1000x64xf32> to vector<1000x32xf32>
    %swap3A_38 = arith.constant 0 : index
    %swap3A_39 = arith.constant 0 : index
    %swap3A_40 = vector.load %arg9[%swap3A_38, %swap3A_39] : memref<1000x32xf32, #tpu.memory_space<vmem>>, vector<1000x32xf32>
    tpu.vector_store %arg9[%swap3A_38, %swap3A_39], %slice3A_37 {strides = array<i32>} : memref<1000x32xf32, #tpu.memory_space<vmem>>, vector<1000x32xf32>,
    return
  }
  func.func @transform_0(%arg0: i32) -> (i32, i32) {
    %c0_i32 = arith.constant 0 : i32
    %c0_i32_0 = arith.constant 0 : i32
    return %arg0, %c0_i32 : i32, i32
  }
  func.func @transform_1(%arg0: i32) -> (i32, i32) {
    %c0_i32 = arith.constant 0 : i32
    %c0_i32_0 = arith.constant 0 : i32
    %c0_i32_1 = arith.constant 0 : i32
    return %c0_i32, %c0_i32_0 : i32, i32
  }
  func.func @transform_2(%arg0: i32) -> (i32, i32) {
    %c0_i32 = arith.constant 0 : i32
    %c0_i32_0 = arith.constant 0 : i32
    %c0_i32_1 = arith.constant 0 : i32
    return %c0_i32, %c0_i32_0 : i32, i32
  }
  func.func @transform_3(%arg0: i32) -> (i32, i32) {
    %c0_i32 = arith.constant 0 : i32
    %c0_i32_0 = arith.constant 0 : i32
    %c0_i32_1 = arith.constant 0 : i32
    return %c0_i32, %c0_i32_0 : i32, i32
  }
  func.func @transform_4(%arg0: i32) -> (i32, i32) {
    %c0_i32 = arith.constant 0 : i32
    %c0_i32_0 = arith.constant 0 : i32
    %c0_i32_1 = arith.constant 0 : i32
    return %c0_i32, %c0_i32_0 : i32, i32
  }
  func.func @transform_5(%arg0: i32) -> (i32, i32) {
    %c0_i32 = arith.constant 0 : i32
    %c0_i32_0 = arith.constant 0 : i32
    %c0_i32_1 = arith.constant 0 : i32
    return %c0_i32, %c0_i32_0 : i32, i32
  }
  func.func @transform_6(%arg0: i32) -> (i32, i32) {
    %c0_i32 = arith.constant 0 : i32
    %c0_i32_0 = arith.constant 0 : i32
    %c0_i32_1 = arith.constant 0 : i32
    return %c0_i32, %c0_i32_0 : i32, i32
  }
  func.func @transform_7(%arg0: i32) -> (i32, i32) {
    %c0_i32 = arith.constant 0 : i32
    %c0_i32_0 = arith.constant 0 : i32
    return %arg0, %c0_i32 : i32, i32
  }
  func.func @transform_8(%arg0: i32) -> (i32, i32) {
    %c0_i32 = arith.constant 0 : i32
    %c0_i32_0 = arith.constant 0 : i32
    return %arg0, %c0_i32 : i32, i32
  }
}

module attributes {stable_mosaic.version = 14 : i64} {
  func.func @_norm_body(%arg0: i32, %arg1: memref<2x1000x1xf32, #tpu.memory_space<vmem>>, %arg2: memref<2x1000x1xf32, #tpu.memory_space<vmem>>, %arg3: memref<1000x32xf32, #tpu.memory_space<vmem>>, %arg4: memref<1000x32xf32, #tpu.memory_space<vmem>>) attributes {dimension_semantics = [#tpu.dimension_semantics<arbitrary>], iteration_bounds = array<i64: 10>, scalar_prefetch = 0 : i64, scratch_operands = 0 : i64, tpu.core_type = #tpu.core_type<tc>, window_params = [{transform_indices = @transform_0, window_bounds = array<i64: 2, 1000, 1>}, {transform_indices = @transform_1, window_bounds = array<i64: 2, 1000, 1>}, {transform_indices = @transform_2, window_bounds = array<i64: 1000, 32>}, {transform_indices = @transform_3, window_bounds = array<i64: 1000, 32>}]} {
    %get3A = arith.constant 0 : index
    %get3A_0 = arith.constant 0 : index
    %get3A_1 = arith.constant 0 : index
    %get3A_2 = vector.load %arg1[%get3A, %get3A_0, %get3A_1] : memref<2x1000x1xf32, #tpu.memory_space<vmem>>, vector<1x1000x1xf32>
    %get3A_3 = vector.shape_cast %get3A_2 : vector<1x1000x1xf32> to vector<1000x1xf32>
    %get3A_4 = arith.constant 1 : index
    %get3A_5 = arith.constant 0 : index
    %get3A_6 = arith.constant 0 : index
    %get3A_7 = vector.load %arg1[%get3A_4, %get3A_5, %get3A_6] : memref<2x1000x1xf32, #tpu.memory_space<vmem>>, vector<1x1000x1xf32>
    %get3A_8 = vector.shape_cast %get3A_7 : vector<1x1000x1xf32> to vector<1000x1xf32>
    %add3A = arith.addf %get3A_3, %get3A_8 : vector<1000x1xf32>
    %max3A = arith.constant 1.000000e+00 : f32
    %max3A_9 = vector.broadcast %max3A : f32 to vector<1000x1xf32>
    %max3A_10 = arith.maximumf %add3A, %max3A_9 : vector<1000x1xf32>
    %get3A_11 = arith.constant 0 : index
    %get3A_12 = arith.constant 0 : index
    %get3A_13 = arith.constant 0 : index
    %get3A_14 = vector.load %arg2[%get3A_11, %get3A_12, %get3A_13] : memref<2x1000x1xf32, #tpu.memory_space<vmem>>, vector<1x1000x1xf32>
    %get3A_15 = vector.shape_cast %get3A_14 : vector<1x1000x1xf32> to vector<1000x1xf32>
    %get3A_16 = arith.constant 1 : index
    %get3A_17 = arith.constant 0 : index
    %get3A_18 = arith.constant 0 : index
    %get3A_19 = vector.load %arg2[%get3A_16, %get3A_17, %get3A_18] : memref<2x1000x1xf32, #tpu.memory_space<vmem>>, vector<1x1000x1xf32>
    %get3A_20 = vector.shape_cast %get3A_19 : vector<1x1000x1xf32> to vector<1000x1xf32>
    %add3A_21 = arith.addf %get3A_15, %get3A_20 : vector<1000x1xf32>
    %max3A_22 = arith.constant 1.000000e+00 : f32
    %max3A_23 = vector.broadcast %max3A_22 : f32 to vector<1000x1xf32>
    %max3A_24 = arith.maximumf %add3A_21, %max3A_23 : vector<1000x1xf32>
    %rsqrt3A = math.rsqrt %max3A_10 : vector<1000x1xf32>
    %rsqrt3A_25 = math.rsqrt %max3A_24 : vector<1000x1xf32>
    %mul3A = arith.constant 0.899999976 : f32
    %mul3A_26 = vector.broadcast %mul3A : f32 to vector<1000x1xf32>
    %mul3A_27 = arith.mulf %mul3A_26, %rsqrt3A_25 : vector<1000x1xf32>
    %broadcast_in_dim3A = vector.shape_cast %mul3A_27 : vector<1000x1xf32> to vector<1000x1xf32>
    %broadcast_in_dim3A_28 = vector.broadcast %broadcast_in_dim3A : vector<1000x1xf32> to vector<1000x32xf32>
    %swap3A = arith.constant 0 : index
    %swap3A_29 = arith.constant 0 : index
    %swap3A_30 = vector.load %arg3[%swap3A, %swap3A_29] : memref<1000x32xf32, #tpu.memory_space<vmem>>, vector<1000x32xf32>
    tpu.vector_store %arg3[%swap3A, %swap3A_29], %broadcast_in_dim3A_28 {strides = array<i32>} : memref<1000x32xf32, #tpu.memory_space<vmem>>, vector<1000x32xf32>,
    %broadcast_in_dim3A_31 = vector.shape_cast %rsqrt3A : vector<1000x1xf32> to vector<1000x1xf32>
    %broadcast_in_dim3A_32 = vector.broadcast %broadcast_in_dim3A_31 : vector<1000x1xf32> to vector<1000x32xf32>
    %swap3A_33 = arith.constant 0 : index
    %swap3A_34 = arith.constant 0 : index
    %swap3A_35 = vector.load %arg4[%swap3A_33, %swap3A_34] : memref<1000x32xf32, #tpu.memory_space<vmem>>, vector<1000x32xf32>
    tpu.vector_store %arg4[%swap3A_33, %swap3A_34], %broadcast_in_dim3A_32 {strides = array<i32>} : memref<1000x32xf32, #tpu.memory_space<vmem>>, vector<1000x32xf32>,
    return
  }
  func.func @transform_0(%arg0: i32) -> (i32, i32, i32) {
    %c0_i32 = arith.constant 0 : i32
    %c0_i32_0 = arith.constant 0 : i32
    %c0_i32_1 = arith.constant 0 : i32
    return %c0_i32, %arg0, %c0_i32_0 : i32, i32, i32
  }
  func.func @transform_1(%arg0: i32) -> (i32, i32, i32) {
    %c0_i32 = arith.constant 0 : i32
    %c0_i32_0 = arith.constant 0 : i32
    %c0_i32_1 = arith.constant 0 : i32
    return %c0_i32, %arg0, %c0_i32_0 : i32, i32, i32
  }
  func.func @transform_2(%arg0: i32) -> (i32, i32) {
    %c0_i32 = arith.constant 0 : i32
    %c0_i32_0 = arith.constant 0 : i32
    return %arg0, %c0_i32 : i32, i32
  }
  func.func @transform_3(%arg0: i32) -> (i32, i32) {
    %c0_i32 = arith.constant 0 : i32
    %c0_i32_0 = arith.constant 0 : i32
    return %arg0, %c0_i32 : i32, i32
  }
}

</mosaic_0001>

<sc_bundles>
// kernel: kernel.6.cloned.1.call-start
scs
__scs_entry_jumppad:
0x0: {  	(pc) =	sbr.rel $0x88, $3  }
0x1: {  	(tag) =	ssettag $0x0;
	lr =	simm.s32 $0x1  }
0x2: {  	[smem:$0x3F99] =	sst lr;
	_ =	strace $0xD0000000  }
0x3: {  	_ = 	snop  }
0x4: {  	_ = 	snop  }
0x5: {  	_ = 	snop  }
0x6: {  	_ = 	snop  }
0x7: {  	_ = 	snop  }
__scs_overlays_trampoline_lowered:
0x8: {  	[smem:$0x3FA8] =	sst s0  }
0x9: {  	[smem:$0x3FA9] =	sst s1  }
0xa: {  	[smem:$0x3FAA] =	sst s2  }
0xb: {  	[smem:$0x3FAB] =	sst s3  }
0xc: {  	[smem:$0x3FAC] =	sst s4  }
0xd: {  	[smem:$0x3FAD] =	sst s5  }
0xe: {  	[smem:$0x3FAE] =	sst s6  }
0xf: {  	[smem:$0x3FAF] =	sst s7  }
0x10: {  	[smem:$0x3FB0] =	sst s8  }
0x11: {  	[smem:$0x3FB1] =	sst s9;
	s0 =	simm.s32 @!p0 $0x0  }
0x12: {  	s1 =	sld [smem:$0x3F97];
	s0 =	simm.s32 @p0 $0x1  }
0x13: {  	[smem:$0x3FB2] =	sst s0;
	s0 =	simm.s32 @!p1 $0x0  }
0x14: {  	s2 =	sld [smem:$0x3F96];
	s0 =	simm.s32 @p1 $0x1  }
0x15: {  	[smem:$0x3FB3] =	sst s0;
	s0 =	simm.s32 @!p2 $0x0  }
0x16: {  	s3 =	sld [smem:$0x3FDB];
	s0 =	simm.s32 @p2 $0x1  }
0x17: {  	s4 =	simm.s32 $0x1BF5;
	[smem:$0x3FB5] =	sst s0  }
0x18: {  	s0 =	sld [smem:$0x3F98];
	_ =	swait.ge [sflag:s4], $0x0  }
0x19: {  	s7 =	sld [smem:$0x3F99]  }
0x1a: {  	s8 =	sadd.s32 $0xFFFFE003, lr  }
0x1b: {  	s9 =	sadd.s32 $0xFFFFFEF7, lr;
	s5 =	simm.s32 $0xFFFFFFFF;
	p2 =	slt.u32 s8, $0xFFFFF086  }
0x1c: {  	p1 =	slt.u32 s9, $0xF7A;
	s5 =	simm.s32 @!p2 $0x0  }
0x1d: {  	s5 =	simm.s32 @p1 $0x1;
	p0 =	seq.s32 s7, s2  }
0x1e: {  	s7 =	smul.u32 @!p0 $0xF7A, s2;
	p2 =	seq.s32 @!p0 s5, $0x0  }
0x1f: {  	s9 =	smul.u32 $0xF7A, s1;
	s8 =	simm.s32 @!p0 $0x1BF5;
	p2 =	por !p2, p0  }
0x20: {  	[sflag:s8] =	ssyncset.s32 @!p0 $0xFFFFF086;
	s6 =	sadd.s32 @!p0 s3, s7;
	s7 =	simm.s32 @!p0 $0x108  }
0x21: {  	s3 =	sadd.s32 s3, s9;
	s6 =	sadd.s32 @!p0 $0x88, s6;
	s7 =	simm.s32 @p2 $0x1082  }
0x22: {  	[simem:s7], [sflag:s8] =	dma.local @!p0 [hbm:s6], $0xF7A  }
0x23: {  	s9 =	sor.u32 $0xD0000000, s2;
	s6 =	simm.s32 $0x108;
	_ =	swait.ge @!p0 [sflag:s8], $0x0  }
0x24: {  	s3 =	sadd.s32 $0x88, s3;
	s6 =	simm.s32 @!p1 $0x1082;
	[sflag:s4] =	ssyncset.s32 $0xFFFFF086  }
0x25: {  	[simem:s6], [sflag:s4] =	dma.local [hbm:s3], $0xF7A  }
0x26: {  	[smem:$0x3F99] =	sst s1;
	(tag) =	ssettag s2;
	_ =	strace s9  }
0x27: {  	s1 =	sld [smem:$0x3FA9]  }
0x28: {  	s2 =	sld [smem:$0x3FAA]  }
0x29: {  	s4 =	sld [smem:$0x3FAC]  }
0x2a: {  	p0 =	seq.s32 s5, $0x0;
	s5 =	sld [smem:$0x3FAD]  }
0x2b: {  	s6 =	sld [smem:$0x3FAE]  }
0x2c: {  	s7 =	sld [smem:$0x3FAF]  }
0x2d: {  	s3 =	simm.s32 $0x108;
	s8 =	sld [smem:$0x3FB0]  }
0x2e: {  	s3 =	simm.s32 @!p0 $0x1082;
	s9 =	sld [smem:$0x3FB1]  }
0x2f: {  	lr =	sadd.s32 s0, s3;
	s0 =	sld [smem:$0x3FA8]  }
0x30: {  	s3 =	sld [smem:$0x3FAB]  }
0x31: {  	[smem:$0x3FB4] =	sst s10  }
0x32: {  	s10 =	sld [smem:$0x3FB2];
	_ =	sdelay $0x3  }
0x33: {  	p0 =	seq.s32 s10, $0x1;
	s10 =	sld [smem:$0x3FB4];
	_ =	sdelay $0x3  }
0x34: {  	[smem:$0x3FB4] =	sst s10  }
0x35: {  	s10 =	sld [smem:$0x3FB3];
	_ =	sdelay $0x3  }
0x36: {  	p1 =	seq.s32 s10, $0x1;
	s10 =	sld [smem:$0x3FB4];
	_ =	sdelay $0x3  }
0x37: {  	[smem:$0x3FB4] =	sst s10  }
0x38: {  	s10 =	sld [smem:$0x3FB5]  }
0x39: {  	_ = 	snop;
	(pc) =	sbr.ind lr, $3  }
0x3a: {  	_ = 	snop  }
0x3b: {  	_ = 	snop  }
0x3c: {  	p2 =	seq.s32 s10, $0x1;
	s10 =	sld [smem:$0x3FB4]  }
0x3d: {  	_ =	shalt  }
0x3e: {  	_ =	shalt  }
0x3f: {  	_ =	shalt  }
0x40: {  	_ =	shalt  }
0x41: {  	_ =	shalt  }
0x42: {  	_ =	shalt  }
0x43: {  	_ =	shalt  }
0x44: {  	_ =	shalt  }
0x45: {  	_ =	shalt  }
0x46: {  	_ =	shalt  }
0x47: {  	_ =	shalt  }
0x48: {  	_ =	shalt  }
0x49: {  	_ =	shalt  }
0x4a: {  	_ =	shalt  }
0x4b: {  	_ =	shalt  }
0x4c: {  	_ =	shalt  }
0x4d: {  	_ =	shalt  }
0x4e: {  	_ =	shalt  }
0x4f: {  	_ =	shalt  }
0x50: {  	_ =	shalt  }
0x51: {  	_ =	shalt  }
0x52: {  	_ =	shalt  }
0x53: {  	_ =	shalt  }
0x54: {  	_ =	shalt  }
0x55: {  	_ =	shalt  }
0x56: {  	_ =	shalt  }
0x57: {  	_ =	shalt  }
0x58: {  	_ =	shalt  }
0x59: {  	_ =	shalt  }
0x5a: {  	_ =	shalt  }
0x5b: {  	_ =	shalt  }
0x5c: {  	_ =	shalt  }
0x5d: {  	_ =	shalt  }
0x5e: {  	_ =	shalt  }
0x5f: {  	_ =	shalt  }
0x60: {  	_ =	shalt  }
0x61: {  	_ =	shalt  }
0x62: {  	_ =	shalt  }
0x63: {  	_ =	shalt  }
0x64: {  	_ =	shalt  }
0x65: {  	_ =	shalt  }
0x66: {  	_ =	shalt  }
0x67: {  	_ =	shalt  }
0x68: {  	_ =	shalt  }
0x69: {  	_ =	shalt  }
0x6a: {  	_ =	shalt  }
0x6b: {  	_ =	shalt  }
0x6c: {  	_ =	shalt  }
0x6d: {  	_ =	shalt  }
0x6e: {  	_ =	shalt  }
0x6f: {  	_ =	shalt  }
0x70: {  	_ =	shalt  }
0x71: {  	_ =	shalt  }
0x72: {  	_ =	shalt  }
0x73: {  	_ =	shalt  }
0x74: {  	_ =	shalt  }
0x75: {  	_ =	shalt  }
0x76: {  	_ =	shalt  }
0x77: {  	_ =	shalt  }
0x78: {  	_ =	shalt  }
0x79: {  	_ =	shalt  }
0x7a: {  	_ =	shalt  }
0x7b: {  	_ =	shalt  }
0x7c: {  	_ =	shalt  }
0x7d: {  	_ =	shalt  }
0x7e: {  	_ =	shalt  }
0x7f: {  	_ =	shalt  }
0x80: {  	_ =	shalt  }
0x81: {  	_ =	shalt  }
0x82: {  	_ =	shalt  }
0x83: {  	_ =	shalt  }
0x84: {  	_ =	shalt  }
0x85: {  	_ =	shalt  }
0x86: {  	_ =	shalt  }
0x87: {  	_ =	shalt  }
.Lfunc_end0:
.L_simem_size_0:
called_computation_lowered:
.L_overlay_start_0:
0x88: {  	s2 =	sld [smem:$0x3FD9]  }
0x89: {  	s3 =	sld [smem:$0x3FFE];
	_ =	sdelay $0x1  }
0x8a: {  	s1 =	srdreg.scid  }
0x8b: {  	s0 =	sand.u32 $0x1, s1  }
0x8c: {  	s17 =	sshll.u32 s0, $0xA;
	s2 =	sadd.s32 s3, s2  }
0x8d: {  	s2 =	sadd.s32 s2, s17  }
0x8e: {  	[smem:$0x3FC0] =	sst s2  }
0x8f: {  	_ = 	snop  }
0x90: {  	s2 =	sld [smem:$0x3FD0];
	(tm) =	ssettm $0x1  }
0x91: {  	s18 =	sld [smem:$0x3FFB];
	_ =	sdelay $0x3  }
0x92: {  	_ =	strace s18  }
0x93: {  	s3 =	sld [smem:$0x3FFC];
	_ =	sdelay $0x3  }
0x94: {  	_ =	strace s3  }
0x95: {  	s3 =	sld [smem:$0x3FFD];
	_ =	sdelay $0x3  }
0x96: {  	_ =	strace s3  }
0x97: {  	_ =	strace $0x8FFFFFFF  }
0x98: {  	s19 =	sld [smem:$0x3FDB];
	_ =	sdelay $0x1  }
0x99: {  	s4 =	simm.s32 $_scs_section_size  }
0x9a: {  	s5 =	simm.s32 $_size__tile_overlayer_lowered;
	s6 =	simm.s32 $_tile_overlayer_lowered  }
0x9b: {  	s22 =	simm.s32 $0x1BFF;
	s21 =	sshll.u32 s6, $0x1;
	s3 =	sadd.s32 s4, s19  }
0x9c: {  	s7 =	simm.s32 $0x0;
	s20 =	sshll.u32 s5, $0x1;
	s5 =	sadd.s32 s21, s3  }
0x9d: {  	[timem:s7], [sflag:s22] =	dma.local [hbm:s5], s20  }
0x9e: {  	_ =	swait.ge [sflag:s22], s20  }
0x9f: {  	s4 =	ssub.s32 $0x0, s20;
	[sflag:s22] =	ssyncset.done $0x0  }
0xa0: {  	[sflag:s22] =	ssyncadd.s32 s4;
	_ =	sdelay $0x1  }
0xa1: {  	s23 =	simm.s32 $0x1B8B  }
0xa2: {  	_ =	swait.ge [sflag:s23], $0x1  }
0xa3: {  	[sflag:s23] =	ssyncset.done $0x0  }
0xa4: {  	s25 =	simm.s32 $0x1B8E;
	s24 =	sld [smem:$0x3FFE];
	[sflag:s23] =	ssyncadd.s32 $0xFFFFFFFF  }
0xa5: {  	s26 =	simm.s32 $execute0_lowered;
	[smem:$0x3FD2] =	sst s25  }
0xa6: {  	s5 =	sshll.u32 s26, $0x1;
	_ =	strace $0x80000046;
	[dreg:$0x1] =	wrdreg $0xFFFFFFFF  }
0xa7: {  	s28 =	simm.s32 $_size_execute0_lowered;
	s3 =	sadd.s32 s3, s5;
	[dreg:$0x0] =	wrdreg $0x0  }
0xa8: {  	s5 =	sshll.u32 s28, $0x1;
	[dreg:$0x2] =	wrdreg s3  }
0xa9: {  	[dreg:$0x3] =	wrdreg s5  }
0xaa: {  	[dreg:$0x4] =	wrdreg $0xC0  }
0xab: {  	_ =	task [dreg:s7], $0x5FFFF  }
0xac: {  	[dreg:$0x1] =	wrdreg $0xFFFFFFFF  }
0xad: {  	[dreg:$0x0] =	wrdreg $0x60  }
0xae: {  	[dreg:$0x2] =	wrdreg s2  }
0xaf: {  	[dreg:$0x3] =	wrdreg s24  }
0xb0: {  	[dreg:$0x4] =	wrdreg $0x58500  }
0xb1: {  	[dreg:$0x5] =	wrdreg $0x5AC80  }
0xb2: {  	[dreg:$0x6] =	wrdreg $0x9  }
0xb3: {  	_ =	task.clear_ibuf [dreg:s7], $0x7FFFF;
	_ =	strace $0x90000046  }
0xb4: {  	s29 =	simm.s32 $0x9;
	_ =	strace $0x80000048  }
0xb5: {  	_ =	swait.ge [sflag:s29], $0x1  }
0xb6: {  	[sflag:s29] =	ssyncadd.s32 $0xFFFFFFFF  }
0xb7: {  	_ =	strace $0x90000048  }
0xb8: {  	_ =	sfence  }
0xb9: {  	s30 =	sld [smem:$0x0];
	_ =	sdelay $0x2  }
0xba: {  	s31 =	sshll.u32 s1, $0xD;
	s1 =	sshrl.u32 s1, $0x2  }
0xbb: {  	s3 =	sand.u32 $0x4000, s31;
	s1 =	sadd.s32 s1, s30  }
0xbc: {  	s0 =	sor.u32 s3, s0;
	s1 =	sshll.u32 s1, $0x11  }
0xbd: {  	s0 =	sor.u32 s1, s0  }
0xbe: {  	s0 =	sadd.s32 $0x8F2B, s0  }
0xbf: {  	[sflag:s0] =	ssyncadd.remote.s32 $0x1  }
0xc0: {  	_ =	sfence.sel $0xFFFF  }
0xc1: {  	[dreg:$0x0] =	wrdreg $0xFFFFFFFF;
	(pc) =	sbr.abs _section_cstart, $3  }
0xc2: {  	[dreg:$0x1] =	wrdreg $0xFFFFFFFF  }
0xc3: {  	_ =	task.clear_ibuf [dreg:s7], $0x2FFFF;
	_ =	strace $0x9FFFFFFF  }
0xc4: {  	(tm) =	ssettm $0x7FFFFFFF  }
0xc5: {  	_ =	shalt  }
tec
execute0_lowered:
.L_overlay_start_1:
0x0: {  	(tag) =	ssettag $0x1  }
0x1: {  	s7 =	rddreg [dreg:$0x0]  }
0x2: {  	s5 =	rddreg [dreg:$0x1]  }
0x3: {  	s2 =	rddreg [dreg:$0x2]  }
0x4: {  	s3 =	rddreg [dreg:$0x3]  }
0x5: {  	s6 =	srdreg.scid;
	s0 =	stileid.u32;
	s4 =	simm.s32 $0x0  }
0x6: {  	s17 =	stileid.u32;
	s18 =	simm.s32 $0x1;
	s19 =	simm.s32 $0x2  }
0x7: {  	s20 =	simm.s32 $0x3;
	s21 =	simm.s32 $0x4;
	s24 =	simm.s32 $0x0  }
0x8: {  	s6 =	sand.u32 $0x1, s6;
	s11 =	smul.u32 $0x3E8, s0;
	[smem:$0x7FF] =	sst s4  }
0x9: {  	s8 =	sshll.u32 s0, $0x1;
	s12 =	smul.u32 $0x7D0, s0;
	p0 =	sgt.u32 s0, $0x4  }
0xa: {  	p1 =	sgt.u32 s0, $0x9;
	s9 =	smul.u32 $0x4E20, s6;
	s8 =	sor.u32 s6, s8  }
0xb: {  	_ =	strace $0x80000047;
	s6 =	ssub.s32 $0x2, s6;
	s8 =	smul.u32 $0x500, s8  }
0xc: {  	s10 =	sshrl.u32 s6, $0x1;
	s22 =	sadd.s32 s11, s2;
	s23 =	sadd.s32 s11, s3  }
0xd: {  	s9 =	sadd.s32 s11, s9;
	s15 =	ssub.s32 s6, s10;
	s6 =	sadd.s32 s12, s3  }
0xe: {  	s22 =	sshrl.u32 @!p1 s22, $0x3;
	s23 =	sshrl.u32 @!p1 s23, $0x3;
	s9 =	sshrl.u32 s9, $0x3  }
0xf: {  	s13 =	sadd.s32 s8, s5;
	s7 =	sadd.s32 s7, s8;
	s11 =	smax.u32 s15, $0x1  }
0x10: {  	s15 =	simm.s32 $0x5000;
	s14 =	sadd.s32 s9, s5;
	s5 =	sadd.s32 s12, s2  }
0x11: {  	s8 =	sadd.s32 $0xC00, s13;
	s12 =	simm.s32 $0x5;
	s13 =	simm.s32 $0x2800  }
0x12: {  	v0 =	vimm.f32 $1.000000000e+00;
	v1 =	vimm.f32 $0.0e+00;
	s9 =	sadd.s32 $0xAC00, s14;
	s10 =	sadd.s32 $0xB0E2, s14;
	s14 =	simm.s32 $0x7D  }
.LBB2_1:
0x13: {  	[tilespmem:$0x5000] =	vst v0  }
0x14: {  	[tilespmem:$0x5010] =	vst v0  }
0x15: {  	[tilespmem:$0x5020] =	vst v0  }
0x16: {  	[tilespmem:$0x5030] =	vst v0  }
0x17: {  	[tilespmem:$0x5040] =	vst v0  }
0x18: {  	[tilespmem:$0x5050] =	vst v0  }
0x19: {  	[tilespmem:$0x5060] =	vst v0  }
0x1a: {  	[tilespmem:$0x5070] =	vst v0;
	s25 =	simm.s32 $0x40;
	s26 =	simm.s32 $0x0  }
.LBB2_2:
0x1b: {  	p2 =	sne.s32 s25, $0x1F00;
	[tilespmem:s26+$0x5080] =	vst v1;
	s26 =	smov.u32 s25;
	s25 =	sadd.s32 $0x40, s25  }
.Ltmp0:
0x1c: {  	(pc) =	sbr.rel @p2 .LBB2_2-.Ltmp0, $2  }
0x1d: {  	_ =	sdelay $0x2  }
0x1e: {  	s26 =	sshra.s32 s26, $0x2  }
0x1f: {  	[tilespmem:s26+$0x5080] =	vst v1;
	s25 =	simm.s32 @!p0 $0x5080;
	s26 =	simm.s32 @!p0 $0x5  }
0x20: {  	[spmem:s5] =	stream.linear.scatter @!p0 [tilespmem:s25], [sflag:$0x5], $0x7D0, $0x38;
	[tilespmem:$0x5D40] =	vst v63  }
0x21: {  	_ =	swait.ge @!p0 [sflag:s26], $0x7D0  }
0x22: {  	[sflag:s26] =	ssyncset.done @!p0 $0x0  }
0x23: {  	[sflag:s26] =	ssyncadd.s32 @!p0 $0xFFFFF830  }
0x24: {  	[spmem:s6] =	stream.linear.scatter @!p0 [tilespmem:s25], [sflag:$0x5], $0x7D0, $0x38;
	[tilespmem:$0x5D40] =	vst v63  }
0x25: {  	_ =	swait.ge @!p0 [sflag:s26], $0x7D0  }
0x26: {  	[sflag:s26] =	ssyncset.done @!p0 $0x0  }
0x27: {  	[sflag:s26] =	ssyncadd.s32 @!p0 $0xFFFFF830  }
0x28: {  	[bflag:$0x0] =	sbarrier.arrive $0xFFFF  }
0x29: {  	[tilespmem:s4], [sflag:$0x5] =	stream.linear.gather [hbm4b:s7+s4], $0x2800, $0x38;
	[tilespmem:$0x5D40] =	vst v63  }
0x2a: {  	_ =	swait.ge [sflag:s12], $0x2800  }
0x2b: {  	[sflag:s12] =	ssyncset.done $0x0  }
0x2c: {  	[sflag:s12] =	ssyncadd.s32 $0xFFFFD800  }
0x2d: {  	[tilespmem:s13], [sflag:$0x5] =	stream.linear.gather [hbm4b:s8+s4], $0x2800, $0x38;
	[tilespmem:$0x5D40] =	vst v63  }
0x2e: {  	_ =	swait.ge [sflag:s12], $0x2800  }
0x2f: {  	[sflag:s12] =	ssyncset.done $0x0  }
0x30: {  	[sflag:s12] =	ssyncadd.s32 $0xFFFFD800  }
0x31: {  	[spmem:s2] =	stream.indirect.scatter.add.f32 [tilespmem:s15], [sflag:$0x1], $0x1, s4, s14, $0xb8;
	[tilespmem:$0x5D40] =	vst v63  }
0x32: {  	_ = 	snop  }
0x33: {  	[spmem:s3] =	stream.indirect.scatter.add.f32 [tilespmem:s15], [sflag:$0x2], $0x1, s13, s14, $0xb8;
	[tilespmem:$0x5D40] =	vst v63  }
0x34: {  	s0 =	simm.s32 $0x80  }
0x35: {  	[spmem:s2] =	stream.indirect.scatter.add.f32 [tilespmem:s15], [sflag:$0x3], $0x1, s0, s14, $0xb8;
	[tilespmem:$0x5D40] =	vst v63  }
0x36: {  	s0 =	simm.s32 $0x4  }
0x37: {  	s26 =	simm.s32 $0x2880;
	s25 =	sand.u32 $0x2, s0  }
0x38: {  	[spmem:s3] =	stream.indirect.scatter.add.f32 [tilespmem:s15], [sflag:$0x4], $0x1, s26, s14, $0xb8;
	[tilespmem:$0x5D40] =	vst v63  }
0x39: {  	s1 =	sor.u32 $0x1, s25  }
0x3a: {  	_ =	swait.ge [sflag:s1], $0x7D  }
0x3b: {  	[sflag:s1] =	ssyncset.done $0x0  }
0x3c: {  	s28 =	sadd.s32 $0x2, s25;
	[sflag:s1] =	ssyncadd.s32 $0xFFFFFF83  }
0x3d: {  	s29 =	simm.s32 $0x2900;
	s16 =	simm.s32 $0x6;
	_ =	swait.ge [sflag:s28], $0x7D  }
0x3e: {  	s31 =	simm.s32 $0x8;
	s30 =	sand.u32 $0x2, s16;
	[sflag:s28] =	ssyncset.done $0x0  }
0x3f: {  	s25 =	simm.s32 $0x100;
	s26 =	simm.s32 $0x2980;
	[sflag:s28] =	ssyncadd.s32 $0xFFFFFF83  }
0x40: {  	[spmem:s2] =	stream.indirect.scatter.add.f32 [tilespmem:s15], [sflag:s1], $0x1, s25, s14, $0xb8;
	[tilespmem:$0x5D40] =	vst v63  }
.LBB2_4:
0x41: {  	s0 =	sor.u32 $0x1, s30  }
0x42: {  	s25 =	sadd.s32 $0x80, s25;
	s1 =	smov.u32 s31;
	s16 =	sadd.s32 $0x2, s31  }
0x43: {  	[spmem:s3] =	stream.indirect.scatter.add.f32 [tilespmem:s15], [sflag:s28], $0x1, s29, s14, $0xb8;
	[tilespmem:$0x5D40] =	vst v63  }
0x44: {  	p2 =	sne.s32 s31, $0x9E;
	s29 =	smov.u32 s26;
	_ =	swait.ge [sflag:s0], $0x7D  }
0x45: {  	[sflag:s0] =	ssyncset.done $0x0  }
.Ltmp1:
0x46: {  	s28 =	sadd.s32 $0x2, s30;
	[sflag:s0] =	ssyncadd.s32 $0xFFFFFF83;
	(pc) =	sbr.rel @p2 .LBB2_4-.Ltmp1, $4  }
0x47: {  	_ =	swait.ge [sflag:s28], $0x7D  }
0x48: {  	s30 =	sand.u32 $0x2, s1;
	[sflag:s28] =	ssyncset.done $0x0  }
0x49: {  	s26 =	sadd.s32 $0x80, s26;
	s31 =	smov.u32 s16;
	[sflag:s28] =	ssyncadd.s32 $0xFFFFFF83  }
0x4a: {  	[spmem:s2] =	stream.indirect.scatter.add.f32 [tilespmem:s15], [sflag:s0], $0x1, s25, s14, $0xb8;
	[tilespmem:$0x5D40] =	vst v63  }
0x4b: {  	s0 =	sor.u32 $0x1, s30  }
0x4c: {  	[spmem:s3] =	stream.indirect.scatter.add.f32 [tilespmem:s15], [sflag:s28], $0x1, s29, s14, $0xb8;
	[tilespmem:$0x5D40] =	vst v63  }
0x4d: {  	_ =	swait.ge [sflag:s0], $0x7D  }
0x4e: {  	[sflag:s0] =	ssyncset.done $0x0  }
0x4f: {  	s1 =	sadd.s32 $0x2, s30;
	[sflag:s0] =	ssyncadd.s32 $0xFFFFFF83  }
0x50: {  	_ =	swait.ge [sflag:s1], $0x7D  }
0x51: {  	[sflag:s1] =	ssyncset.done $0x0  }
0x52: {  	s16 =	sadd.s32 $0x80, s25;
	[sflag:s1] =	ssyncadd.s32 $0xFFFFFF83  }
0x53: {  	[spmem:s2] =	stream.indirect.scatter.add.f32 [tilespmem:s15], [sflag:s0], $0x1, s16, s14, $0xb8;
	[tilespmem:$0x5D40] =	vst v63  }
0x54: {  	_ = 	snop  }
0x55: {  	[spmem:s3] =	stream.indirect.scatter.add.f32 [tilespmem:s15], [sflag:s1], $0x1, s26, s14, $0xb8;
	[tilespmem:$0x5D40] =	vst v63  }
0x56: {  	_ =	swait.ge [sflag:s18], $0x7D  }
0x57: {  	[sflag:s18] =	ssyncset.done $0x0  }
0x58: {  	[sflag:s18] =	ssyncadd.s32 $0xFFFFFF83  }
0x59: {  	_ =	swait.ge [sflag:s19], $0x7D  }
0x5a: {  	[sflag:s19] =	ssyncset.done $0x0  }
0x5b: {  	[sflag:s19] =	ssyncadd.s32 $0xFFFFFF83  }
0x5c: {  	_ =	swait.ge [sflag:s20], $0x7D  }
0x5d: {  	[sflag:s20] =	ssyncset.done $0x0  }
0x5e: {  	[sflag:s20] =	ssyncadd.s32 $0xFFFFFF83  }
0x5f: {  	_ =	swait.ge [sflag:s21], $0x7D  }
0x60: {  	[sflag:s21] =	ssyncset.done $0x0  }
0x61: {  	s0 =	sshll.u32 @!p1 s17, $0x6;
	[sflag:s21] =	ssyncadd.s32 $0xFFFFFF83  }
0x62: {  	s0 =	sor.u32 @!p1 $0x1C05, s0;
	s1 =	simm.s32 @!p1 $0x5;
	[bflag:$0x0] =	sbarrier.arrive $0xFFFF  }
0x63: {  	[hbm:s9], [sflag:s0] =	dma.local @!p1 [spmem:s22], $0x7D  }
0x64: {  	s24 =	sadd.s32 $0x1, s24;
	_ =	swait.ge @!p1 [sflag:s1], $0x7D  }
0x65: {  	p2 =	sne.s32 s24, s11;
	[sflag:s1] =	ssyncset.done @!p1 $0x0  }
.Ltmp2:
0x66: {  	[sflag:s1] =	ssyncadd.s32 @!p1 $0xFFFFFF83;
	(pc) =	sbr.rel @p2 .LBB2_1-.Ltmp2, $4  }
0x67: {  	[hbm:s10], [sflag:s0] =	dma.local @!p1 [spmem:s23], $0x7D  }
0x68: {  	_ =	swait.ge @!p1 [sflag:s1], $0x7D  }
0x69: {  	[sflag:s1] =	ssyncset.done @!p1 $0x0  }
0x6a: {  	[sflag:s1] =	ssyncadd.s32 @!p1 $0xFFFFFF83  }
0x6b: {  	_ =	sfence.sel $0x180000  }
0x6c: {  	[bflag:$0x0] =	sbarrier.arrive $0xFFFF  }
0x6d: {  	_ =	strace $0x90000047  }
0x6e: {  	[bflag:$0x2] =	sbarrier.arrive $0xFFFF  }
0x6f: {  	p0 =	sne.s32 s17, $0x0;
	s0 =	rddreg [dreg:$0x4]  }
0x70: {  	s0 =	sadd.s32 @!p0 $0x100000, s0  }
0x71: {  	[sflag:s0] =	ssyncadd.tile.s32 @!p0 $0x1;
	_ =	shalt  }
.Lfunc_end2:
_tile_overlayer_lowered:
.L_overlay_start_2:
0x72: {  	(tag) =	ssettag $0x2  }
0x73: {  	s0 =	rddreg [dreg:$0x0];
	s2 =	stileid.u32  }
0x74: {  	s1 =	rddreg [dreg:$0x1];
	p0 =	sne.s32 s2, $0x0  }
0x75: {  	s3 =	rddreg [dreg:$0x2];
	[bflag:$0x3] =	sbarrier.arrive $0xFFFF;
	s2 =	simm.s32 @!p0 $0x1C05  }
0x76: {  	[timem:s3], [sflag:s2] =	dma.local @!p0 [hbm:s0], s1  }
0x77: {  	s0 =	simm.s32 @!p0 $0x5  }
0x78: {  	_ =	swait.ge @!p0 [sflag:s0], s1  }
0x79: {  	s1 =	ssub.s32 @!p0 $0x0, s1;
	[sflag:s0] =	ssyncset.done @!p0 $0x0  }
0x7a: {  	[sflag:s0] =	ssyncadd.s32 @!p0 s1  }
0x7b: {  	[bflag:$0x3] =	sbarrier.arrive $0xFFFF  }
0x7c: {  	_ =	shalt  }

// kernel: kernel.9.cloned.1.call-start
scs
__scs_entry_jumppad:
0x0: {  	(pc) =	sbr.rel $0x88, $3  }
0x1: {  	(tag) =	ssettag $0x0;
	lr =	simm.s32 $0x1  }
0x2: {  	[smem:$0x3F99] =	sst lr;
	_ =	strace $0xD0000000  }
0x3: {  	_ = 	snop  }
0x4: {  	_ = 	snop  }
0x5: {  	_ = 	snop  }
0x6: {  	_ = 	snop  }
0x7: {  	_ = 	snop  }
__scs_overlays_trampoline_lowered:
0x8: {  	[smem:$0x3FA8] =	sst s0  }
0x9: {  	[smem:$0x3FA9] =	sst s1  }
0xa: {  	[smem:$0x3FAA] =	sst s2  }
0xb: {  	[smem:$0x3FAB] =	sst s3  }
0xc: {  	[smem:$0x3FAC] =	sst s4  }
0xd: {  	[smem:$0x3FAD] =	sst s5  }
0xe: {  	[smem:$0x3FAE] =	sst s6  }
0xf: {  	[smem:$0x3FAF] =	sst s7  }
0x10: {  	[smem:$0x3FB0] =	sst s8  }
0x11: {  	[smem:$0x3FB1] =	sst s9;
	s0 =	simm.s32 @!p0 $0x0  }
0x12: {  	s1 =	sld [smem:$0x3F97];
	s0 =	simm.s32 @p0 $0x1  }
0x13: {  	[smem:$0x3FB2] =	sst s0;
	s0 =	simm.s32 @!p1 $0x0  }
0x14: {  	s2 =	sld [smem:$0x3F96];
	s0 =	simm.s32 @p1 $0x1  }
0x15: {  	[smem:$0x3FB3] =	sst s0;
	s0 =	simm.s32 @!p2 $0x0  }
0x16: {  	s3 =	sld [smem:$0x3FDB];
	s0 =	simm.s32 @p2 $0x1  }
0x17: {  	s4 =	simm.s32 $0x1BF5;
	[smem:$0x3FB5] =	sst s0  }
0x18: {  	s0 =	sld [smem:$0x3F98];
	_ =	swait.ge [sflag:s4], $0x0  }
0x19: {  	s7 =	sld [smem:$0x3F99]  }
0x1a: {  	s8 =	sadd.s32 $0xFFFFE003, lr  }
0x1b: {  	s9 =	sadd.s32 $0xFFFFFEF7, lr;
	s5 =	simm.s32 $0xFFFFFFFF;
	p2 =	slt.u32 s8, $0xFFFFF086  }
0x1c: {  	p1 =	slt.u32 s9, $0xF7A;
	s5 =	simm.s32 @!p2 $0x0  }
0x1d: {  	s5 =	simm.s32 @p1 $0x1;
	p0 =	seq.s32 s7, s2  }
0x1e: {  	s7 =	smul.u32 @!p0 $0xF7A, s2;
	p2 =	seq.s32 @!p0 s5, $0x0  }
0x1f: {  	s9 =	smul.u32 $0xF7A, s1;
	s8 =	simm.s32 @!p0 $0x1BF5;
	p2 =	por !p2, p0  }
0x20: {  	[sflag:s8] =	ssyncset.s32 @!p0 $0xFFFFF086;
	s6 =	sadd.s32 @!p0 s3, s7;
	s7 =	simm.s32 @!p0 $0x108  }
0x21: {  	s3 =	sadd.s32 s3, s9;
	s6 =	sadd.s32 @!p0 $0x88, s6;
	s7 =	simm.s32 @p2 $0x1082  }
0x22: {  	[simem:s7], [sflag:s8] =	dma.local @!p0 [hbm:s6], $0xF7A  }
0x23: {  	s9 =	sor.u32 $0xD0000000, s2;
	s6 =	simm.s32 $0x108;
	_ =	swait.ge @!p0 [sflag:s8], $0x0  }
0x24: {  	s3 =	sadd.s32 $0x88, s3;
	s6 =	simm.s32 @!p1 $0x1082;
	[sflag:s4] =	ssyncset.s32 $0xFFFFF086  }
0x25: {  	[simem:s6], [sflag:s4] =	dma.local [hbm:s3], $0xF7A  }
0x26: {  	[smem:$0x3F99] =	sst s1;
	(tag) =	ssettag s2;
	_ =	strace s9  }
0x27: {  	s1 =	sld [smem:$0x3FA9]  }
0x28: {  	s2 =	sld [smem:$0x3FAA]  }
0x29: {  	s4 =	sld [smem:$0x3FAC]  }
0x2a: {  	p0 =	seq.s32 s5, $0x0;
	s5 =	sld [smem:$0x3FAD]  }
0x2b: {  	s6 =	sld [smem:$0x3FAE]  }
0x2c: {  	s7 =	sld [smem:$0x3FAF]  }
0x2d: {  	s3 =	simm.s32 $0x108;
	s8 =	sld [smem:$0x3FB0]  }
0x2e: {  	s3 =	simm.s32 @!p0 $0x1082;
	s9 =	sld [smem:$0x3FB1]  }
0x2f: {  	lr =	sadd.s32 s0, s3;
	s0 =	sld [smem:$0x3FA8]  }
0x30: {  	s3 =	sld [smem:$0x3FAB]  }
0x31: {  	[smem:$0x3FB4] =	sst s10  }
0x32: {  	s10 =	sld [smem:$0x3FB2];
	_ =	sdelay $0x3  }
0x33: {  	p0 =	seq.s32 s10, $0x1;
	s10 =	sld [smem:$0x3FB4];
	_ =	sdelay $0x3  }
0x34: {  	[smem:$0x3FB4] =	sst s10  }
0x35: {  	s10 =	sld [smem:$0x3FB3];
	_ =	sdelay $0x3  }
0x36: {  	p1 =	seq.s32 s10, $0x1;
	s10 =	sld [smem:$0x3FB4];
	_ =	sdelay $0x3  }
0x37: {  	[smem:$0x3FB4] =	sst s10  }
0x38: {  	s10 =	sld [smem:$0x3FB5]  }
0x39: {  	_ = 	snop;
	(pc) =	sbr.ind lr, $3  }
0x3a: {  	_ = 	snop  }
0x3b: {  	_ = 	snop  }
0x3c: {  	p2 =	seq.s32 s10, $0x1;
	s10 =	sld [smem:$0x3FB4]  }
0x3d: {  	_ =	shalt  }
0x3e: {  	_ =	shalt  }
0x3f: {  	_ =	shalt  }
0x40: {  	_ =	shalt  }
0x41: {  	_ =	shalt  }
0x42: {  	_ =	shalt  }
0x43: {  	_ =	shalt  }
0x44: {  	_ =	shalt  }
0x45: {  	_ =	shalt  }
0x46: {  	_ =	shalt  }
0x47: {  	_ =	shalt  }
0x48: {  	_ =	shalt  }
0x49: {  	_ =	shalt  }
0x4a: {  	_ =	shalt  }
0x4b: {  	_ =	shalt  }
0x4c: {  	_ =	shalt  }
0x4d: {  	_ =	shalt  }
0x4e: {  	_ =	shalt  }
0x4f: {  	_ =	shalt  }
0x50: {  	_ =	shalt  }
0x51: {  	_ =	shalt  }
0x52: {  	_ =	shalt  }
0x53: {  	_ =	shalt  }
0x54: {  	_ =	shalt  }
0x55: {  	_ =	shalt  }
0x56: {  	_ =	shalt  }
0x57: {  	_ =	shalt  }
0x58: {  	_ =	shalt  }
0x59: {  	_ =	shalt  }
0x5a: {  	_ =	shalt  }
0x5b: {  	_ =	shalt  }
0x5c: {  	_ =	shalt  }
0x5d: {  	_ =	shalt  }
0x5e: {  	_ =	shalt  }
0x5f: {  	_ =	shalt  }
0x60: {  	_ =	shalt  }
0x61: {  	_ =	shalt  }
0x62: {  	_ =	shalt  }
0x63: {  	_ =	shalt  }
0x64: {  	_ =	shalt  }
0x65: {  	_ =	shalt  }
0x66: {  	_ =	shalt  }
0x67: {  	_ =	shalt  }
0x68: {  	_ =	shalt  }
0x69: {  	_ =	shalt  }
0x6a: {  	_ =	shalt  }
0x6b: {  	_ =	shalt  }
0x6c: {  	_ =	shalt  }
0x6d: {  	_ =	shalt  }
0x6e: {  	_ =	shalt  }
0x6f: {  	_ =	shalt  }
0x70: {  	_ =	shalt  }
0x71: {  	_ =	shalt  }
0x72: {  	_ =	shalt  }
0x73: {  	_ =	shalt  }
0x74: {  	_ =	shalt  }
0x75: {  	_ =	shalt  }
0x76: {  	_ =	shalt  }
0x77: {  	_ =	shalt  }
0x78: {  	_ =	shalt  }
0x79: {  	_ =	shalt  }
0x7a: {  	_ =	shalt  }
0x7b: {  	_ =	shalt  }
0x7c: {  	_ =	shalt  }
0x7d: {  	_ =	shalt  }
0x7e: {  	_ =	shalt  }
0x7f: {  	_ =	shalt  }
0x80: {  	_ =	shalt  }
0x81: {  	_ =	shalt  }
0x82: {  	_ =	shalt  }
0x83: {  	_ =	shalt  }
0x84: {  	_ =	shalt  }
0x85: {  	_ =	shalt  }
0x86: {  	_ =	shalt  }
0x87: {  	_ =	shalt  }
.Lfunc_end0:
.L_simem_size_0:
called_computation.1_lowered:
.L_overlay_start_0:
0x88: {  	s2 =	sld [smem:$0x3FD9]  }
0x89: {  	s3 =	sld [smem:$0x3FFE];
	_ =	sdelay $0x1  }
0x8a: {  	s1 =	srdreg.scid  }
0x8b: {  	s0 =	sand.u32 $0x1, s1  }
0x8c: {  	s17 =	sshll.u32 s0, $0xA;
	s2 =	sadd.s32 s3, s2  }
0x8d: {  	s2 =	sadd.s32 s2, s17  }
0x8e: {  	[smem:$0x3FC0] =	sst s2  }
0x8f: {  	_ = 	snop  }
0x90: {  	s2 =	sld [smem:$0x3FD0];
	(tm) =	ssettm $0x1  }
0x91: {  	s18 =	sld [smem:$0x3FFB];
	_ =	sdelay $0x3  }
0x92: {  	_ =	strace s18  }
0x93: {  	s3 =	sld [smem:$0x3FFC];
	_ =	sdelay $0x3  }
0x94: {  	_ =	strace s3  }
0x95: {  	s3 =	sld [smem:$0x3FFD];
	_ =	sdelay $0x3  }
0x96: {  	_ =	strace s3  }
0x97: {  	_ =	strace $0x8FFFFFFF  }
0x98: {  	s19 =	sld [smem:$0x3FDB];
	_ =	sdelay $0x1  }
0x99: {  	s4 =	simm.s32 $_scs_section_size  }
0x9a: {  	s5 =	simm.s32 $_size__tile_overlayer_lowered;
	s6 =	simm.s32 $_tile_overlayer_lowered  }
0x9b: {  	s22 =	simm.s32 $0x1BFF;
	s21 =	sshll.u32 s6, $0x1;
	s3 =	sadd.s32 s4, s19  }
0x9c: {  	s7 =	simm.s32 $0x0;
	s20 =	sshll.u32 s5, $0x1;
	s5 =	sadd.s32 s21, s3  }
0x9d: {  	[timem:s7], [sflag:s22] =	dma.local [hbm:s5], s20  }
0x9e: {  	_ =	swait.ge [sflag:s22], s20  }
0x9f: {  	s4 =	ssub.s32 $0x0, s20;
	[sflag:s22] =	ssyncset.done $0x0  }
0xa0: {  	[sflag:s22] =	ssyncadd.s32 s4;
	_ =	sdelay $0x1  }
0xa1: {  	s23 =	simm.s32 $0x1B8B  }
0xa2: {  	_ =	swait.ge [sflag:s23], $0x1  }
0xa3: {  	[sflag:s23] =	ssyncset.done $0x0  }
0xa4: {  	s25 =	simm.s32 $0x1B8E;
	s24 =	sld [smem:$0x3FFE];
	[sflag:s23] =	ssyncadd.s32 $0xFFFFFFFF  }
0xa5: {  	s26 =	simm.s32 $execute0_lowered;
	[smem:$0x3FD2] =	sst s25  }
0xa6: {  	s5 =	sshll.u32 s26, $0x1;
	_ =	strace $0x80000049;
	[dreg:$0x1] =	wrdreg $0xFFFFFFFF  }
0xa7: {  	s28 =	simm.s32 $_size_execute0_lowered;
	s3 =	sadd.s32 s3, s5;
	[dreg:$0x0] =	wrdreg $0x0  }
0xa8: {  	s5 =	sshll.u32 s28, $0x1;
	[dreg:$0x2] =	wrdreg s3  }
0xa9: {  	[dreg:$0x3] =	wrdreg s5  }
0xaa: {  	[dreg:$0x4] =	wrdreg $0xC0  }
0xab: {  	_ =	task [dreg:s7], $0x5FFFF  }
0xac: {  	[dreg:$0x1] =	wrdreg $0xFFFFFFFF  }
0xad: {  	[dreg:$0x0] =	wrdreg $0x60  }
0xae: {  	[dreg:$0x2] =	wrdreg s24  }
0xaf: {  	[dreg:$0x3] =	wrdreg s2  }
0xb0: {  	[dreg:$0x4] =	wrdreg $0x14BE00  }
0xb1: {  	[dreg:$0x5] =	wrdreg $0x9  }
0xb2: {  	_ =	task.clear_ibuf [dreg:s7], $0x6FFFF;
	_ =	strace $0x90000049  }
0xb3: {  	s29 =	simm.s32 $0x9;
	_ =	strace $0x8000004B  }
0xb4: {  	_ =	swait.ge [sflag:s29], $0x1  }
0xb5: {  	[sflag:s29] =	ssyncadd.s32 $0xFFFFFFFF  }
0xb6: {  	_ =	strace $0x9000004B  }
0xb7: {  	_ =	sfence  }
0xb8: {  	s30 =	sld [smem:$0x0];
	_ =	sdelay $0x2  }
0xb9: {  	s31 =	sshll.u32 s1, $0xD;
	s1 =	sshrl.u32 s1, $0x2  }
0xba: {  	s3 =	sand.u32 $0x4000, s31;
	s1 =	sadd.s32 s1, s30  }
0xbb: {  	s0 =	sor.u32 s3, s0;
	s1 =	sshll.u32 s1, $0x11  }
0xbc: {  	s0 =	sor.u32 s1, s0  }
0xbd: {  	s0 =	sadd.s32 $0x8F2B, s0  }
0xbe: {  	[sflag:s0] =	ssyncadd.remote.s32 $0x1  }
0xbf: {  	_ =	sfence.sel $0xFFFF  }
0xc0: {  	[dreg:$0x0] =	wrdreg $0xFFFFFFFF;
	(pc) =	sbr.abs _section_cstart, $3  }
0xc1: {  	[dreg:$0x1] =	wrdreg $0xFFFFFFFF  }
0xc2: {  	_ =	task.clear_ibuf [dreg:s7], $0x2FFFF;
	_ =	strace $0x9FFFFFFF  }
0xc3: {  	(tm) =	ssettm $0x7FFFFFFF  }
tec
execute0_lowered:
.L_overlay_start_1:
0x0: {  	(tag) =	ssettag $0x1  }
0x1: {  	s0 =	rddreg [dreg:$0x0]  }
0x2: {  	s2 =	rddreg [dreg:$0x1]  }
0x3: {  	s3 =	rddreg [dreg:$0x2];
	s1 =	srdreg.scid  }
0x4: {  	s15 =	stileid.u32;
	s4 =	simm.s32 $0x0;
	s19 =	simm.s32 $0x15  }
0x5: {  	s29 =	simm.s32 $0xBF40;
	s31 =	simm.s32 $0x14;
	s8 =	smul.u32 $0x5000, s15  }
0x6: {  	s20 =	simm.s32 $0x13;
	s1 =	sand.u32 $0x1, s1;
	s24 =	smul.u32 $0x4E20, s15  }
0x7: {  	[smem:$0x7FF] =	sst s4;
	s10 =	sadd.s32 $0x2A000, s0;
	s25 =	smul.u32 $0x9C4, s15  }
0x8: {  	s5 =	sadd.s32 $0x33E00, s0;
	s6 =	sadd.s32 $0x3DC00, s0;
	s7 =	smul.u32 $0x50000, s1  }
0x9: {  	_ =	strace $0x8000004A;
	s21 =	ssub.s32 $0x2, s1;
	s13 =	sshll.u32 s1, $0x2  }
0xa: {  	p0 =	seq.s32 s1, $0x1;
	p1 =	seq.s32 s1, $0x0;
	s14 =	sshrl.u32 s21, $0x1  }
0xb: {  	s26 =	sadd.s32 s24, s3;
	s9 =	sadd.s32 s8, s7;
	s7 =	sadd.s32 $0xC00, s0  }
0xc: {  	s8 =	sshrl.u32 s8, $0x3;
	s22 =	ssub.s32 s21, s14;
	[dreg:$0x7] =	wrdreg s26  }
0xd: {  	s21 =	simm.s32 $0xAFA0;
	s9 =	sshrl.u32 s9, $0x3;
	s12 =	sadd.s32 s8, s0  }
0xe: {  	s8 =	smul.u32 $0x271, s15;
	s30 =	smax.u32 s22, $0x1;
	s22 =	simm.s32 $0xCEE0  }
0xf: {  	s11 =	sadd.s32 s9, s0;
	s0 =	sadd.s32 s13, s0;
	s9 =	smul.u32 $0x2710, s1  }
0x10: {  	s23 =	sadd.s32 $0x20000, s12;
	s12 =	smov.u32 s10;
	[dreg:$0xa] =	wrdreg s30  }
0x11: {  	s1 =	simm.s32 $0x40;
	s13 =	simm.s32 $0x0;
	s11 =	sadd.s32 $0xC000, s11  }
0x12: {  	[dreg:$0x5] =	wrdreg s23;
	s12 =	smov.u32 @p0 s5;
	s5 =	smov.u32 @p1 s10  }
.Ltmp0:
0x13: {  	s16 =	sadd.s32 $0x47A00, s0;
	s23 =	simm.s32 $0x13C40;
	(pc) =	sbr.rel .LBB2_1-.Ltmp0, $4  }
0x14: {  	s0 =	simm.s32 $0x20;
	[dreg:$0x4] =	wrdreg s11;
	s11 =	sshrl.u32 s24, $0x3  }
0x15: {  	s10 =	simm.s32 $0xB;
	[dreg:$0x6] =	wrdreg s12;
	s28 =	sadd.s32 s6, s11  }
0x16: {  	s18 =	sadd.s32 s5, s25;
	s11 =	sadd.s32 s7, s11;
	[dreg:$0x8] =	wrdreg s28  }
0x17: {  	v0 =	vimm.f32 $0.0e+00;
	s24 =	simm.s32 $0x7D;
	s25 =	simm.s32 $0xA000;
	[dreg:$0x9] =	wrdreg s11  }
.LBB2_20:
0x18: {  	s13 =	rddreg [dreg:$0xb]  }
0x19: {  	s11 =	rddreg [dreg:$0xa];
	s13 =	sadd.s32 $0x1, s13  }
0x1a: {  	p0 =	sne.s32 s13, s11  }
.Ltmp1:
0x1b: {  	_ = 	snop;
	(pc) =	sbr.rel @!p0 .LBB2_21-.Ltmp1, $2  }
0x1c: {  	_ =	sdelay $0x2  }
0x1d: {  	s12 =	rddreg [dreg:$0x6]  }
.LBB2_1:
0x1e: {  	[dreg:$0xb] =	wrdreg s13  }
0x1f: {  	s11 =	rddreg [dreg:$0x4]  }
0x20: {  	[tilespmem:s4], [sflag:$0x15] =	stream.linear.gather [hbm4b:s11+s4], $0x5000, $0x38;
	[tilespmem:$0x19A00] =	vst v63  }
0x21: {  	_ =	swait.ge [sflag:s19], $0x5000  }
0x22: {  	[sflag:s19] =	ssyncset.done $0x0  }
0x23: {  	s28 =	simm.s32 $0x5000;
	s26 =	rddreg [dreg:$0x5];
	[sflag:s19] =	ssyncadd.s32 $0xFFFFB000  }
0x24: {  	[tilespmem:s28], [sflag:$0x15] =	stream.linear.gather [hbm4b:s26+s4], $0x5000, $0x38;
	[tilespmem:$0x19A00] =	vst v63  }
0x25: {  	s30 =	sand.u32 $0x3F80, s4;
	s14 =	sand.u32 $0x10, s4;
	_ =	swait.ge [sflag:s19], $0x5000  }
0x26: {  	s13 =	simm.s32 $0x40;
	s11 =	sshrl.u32 s30, $0x2;
	[sflag:s19] =	ssyncset.done $0x0  }
0x27: {  	s17 =	sor.u32 s14, s11;
	s14 =	simm.s32 $0x0;
	[sflag:s19] =	ssyncadd.s32 $0xFFFFB000  }
.LBB2_2:
0x28: {  	p0 =	sne.s32 s13, $0x3E40  }
0x29: {  	[tilespmem:s17+$0x13C40] =	vst v0;
	s14 =	sadd.s32 $0x10, s14;
	s11 =	smov.u32 s13;
	s13 =	sadd.s32 $0x40, s13  }
.Ltmp2:
0x2a: {  	(pc) =	sbr.rel @p0 .LBB2_2-.Ltmp2, $4  }
0x2b: {  	_ = 	snop  }
0x2c: {  	s11 =	sand.u32 $0x3F80, s11  }
0x2d: {  	s17 =	sand.u32 $0x10, s14;
	s11 =	sshrl.u32 s11, $0x2  }
0x2e: {  	s17 =	sor.u32 s17, s11;
	s11 =	simm.s32 $0x0  }
0x2f: {  	[tilespmem:s17+$0x13C40] =	vst v0;
	s13 =	simm.s32 $0x0  }
.LBB2_4:
0x30: {  	s14 =	smul.u32 $0x7D, s13;
	_ =	sdelay $0x1  }
0x31: {  	s14 =	sadd.s32 s8, s14  }
0x32: {  	s17 =	sshll.u32 s14, $0x2  }
0x33: {  	s26 =	sadd.s32 s12, s17  }
0x34: {  	[tilespmem:s21], [sflag:$0x15] =	stream.linear.gather [hbm4b:s26+s11], $0xFA0, $0x38;
	[tilespmem:$0x19A00] =	vst v63  }
0x35: {  	_ =	swait.ge [sflag:s19], $0xFA0  }
0x36: {  	[sflag:s19] =	ssyncset.done $0x0  }
0x37: {  	s17 =	sadd.s32 s7, s17;
	[sflag:s19] =	ssyncadd.s32 $0xFFFFF060  }
0x38: {  	[tilespmem:s22], [sflag:$0x15] =	stream.linear.gather [hbm4b:s17+s11], $0xFA0, $0x38;
	[tilespmem:$0x19A00] =	vst v63  }
0x39: {  	_ =	swait.ge [sflag:s19], $0xFA0  }
0x3a: {  	[sflag:s19] =	ssyncset.done $0x0  }
0x3b: {  	s17 =	simm.s32 $0x0;
	[sflag:s19] =	ssyncadd.s32 $0xFFFFF060  }
0x3c: {  	v1 =	vld [tilespmem:s17+$0xCEE0]  }
0x3d: {  	v2 =	vld [tilespmem:s17+$0xCEF0]  }
0x3e: {  	s26 =	simm.s32 $0x80;
	v3 =	vld [tilespmem:s17+$0xAFA0]  }
.LBB2_5:
0x3f: {  	p0 =	sne.s32 s26, $0x3E00;
	v4 =	vld [tilespmem:s17+$0xAFB0];
	_ =	sdelay $0x2  }
.Ltmp3:
0x40: {  	(pc) =	sbr.rel @p0 .LBB2_5-.Ltmp3, $4  }
0x41: {  	s28 =	sshra.s32 s26, $0x2;
	v3 =	vmul.f32 v1, v3  }
0x42: {  	v1 =	vld [tilespmem:s28+$0xCEE0];
	v4 =	vmul.f32 v2, v4  }
0x43: {  	v2 =	vld [tilespmem:s28+$0xCEF0];
	[tilespmem:s17+$0xAFA0] =	vst v3  }
0x44: {  	s26 =	sadd.s32 $0x80, s26;
	v3 =	vld [tilespmem:s28+$0xAFA0];
	[tilespmem:s17+$0xAFB0] =	vst v4;
	s17 =	smov.u32 s28  }
0x45: {  	v4 =	vld [tilespmem:s17+$0xAFB0];
	_ =	sdelay $0x3  }
0x46: {  	v1 =	vmul.f32 v1, v3  }
0x47: {  	s26 =	sadd.s32 s9, s14;
	v2 =	vmul.f32 v2, v4  }
0x48: {  	s26 =	sshll.u32 s26, $0x2;
	[tilespmem:s17+$0xAFA0] =	vst v1  }
0x49: {  	s28 =	sadd.s32 s2, s26;
	[tilespmem:s17+$0xAFB0] =	vst v2  }
0x4a: {  	[hbm4b:s28+s4] =	stream.linear.scatter [tilespmem:s21], [sflag:$0x15], $0xFA0, $0x38;
	[tilespmem:$0x19A00] =	vst v63  }
0x4b: {  	s30 =	sshll.u32 s14, $0x5;
	s13 =	sadd.s32 $0x1, s13;
	_ =	swait.ge [sflag:s19], $0xFA0  }
0x4c: {  	s14 =	sand.u32 $0x3FFFFFE0, s30;
	p0 =	sne.s32 s13, $0x5;
	[sflag:s19] =	ssyncset.done $0x0  }
.Ltmp4:
0x4d: {  	s14 =	sadd.s32 s14, s3;
	[sflag:s19] =	ssyncadd.s32 $0xFFFFF060;
	(pc) =	sbr.rel @p0 .LBB2_4-.Ltmp4, $4  }
0x4e: {  	[spmem:s14] =	stream.linear.scatter [tilespmem:s23], [sflag:$0x15], $0xFA0, $0x38;
	[tilespmem:$0x19A00] =	vst v63  }
0x4f: {  	_ =	swait.ge [sflag:s19], $0xFA0  }
0x50: {  	[sflag:s19] =	ssyncset.done $0x0  }
0x51: {  	[sflag:s19] =	ssyncadd.s32 $0xFFFFF060  }
.Ltmp5:
0x52: {  	(pc) =	sbr.rel .LBB2_8-.Ltmp5, $3  }
0x53: {  	_ =	sdelay $0x1  }
0x54: {  	[bflag:$0x0] =	sbarrier.arrive $0xFFFF  }
0x55: {  	s17 =	simm.s32 $0x0  }
.LBB2_19:
0x56: {  	_ =	swait.ge [sflag:s31], $0xFA0  }
0x57: {  	[sflag:s31] =	ssyncset.done $0x0  }
0x58: {  	[sflag:s31] =	ssyncadd.s32 $0xFFFFF060  }
0x59: {  	_ =	swait.ge [sflag:s20], $0xFA0  }
0x5a: {  	s17 =	sadd.s32 $0x1, s17;
	[sflag:s20] =	ssyncset.done $0x0  }
0x5b: {  	p0 =	sne.s32 s17, $0xA;
	[sflag:s20] =	ssyncadd.s32 $0xFFFFF060  }
.Ltmp6:
0x5c: {  	_ =	swait.ge [sflag:s10], $0xFA0;
	(pc) =	sbr.rel @!p0 .LBB2_20-.Ltmp6, $3  }
0x5d: {  	[sflag:s10] =	ssyncset.done $0x0  }
0x5e: {  	[sflag:s10] =	ssyncadd.s32 $0xFFFFF060  }
0x5f: {  	[bflag:$0x0] =	sbarrier.arrive $0xFFFF;
	_ =	sdelay $0x1  }
.LBB2_8:
0x60: {  	s11 =	simm.s32 $0x0  }
0x61: {  	[tilespmem:s25], [sflag:$0x1] =	stream.indirect.gather [hbm4b:s2+s24], $0x20, s11, s24, $0xb8;
	[tilespmem:$0x19A00] =	vst v63  }
0x62: {  	s13 =	simm.s32 $0x80  }
0x63: {  	[tilespmem:s21], [sflag:$0x2] =	stream.indirect.gather [hbm4b:s2+s24], $0x20, s13, s24, $0xb8;
	[tilespmem:$0x19A00] =	vst v63  }
0x64: {  	s14 =	simm.s32 $0x100  }
0x65: {  	[tilespmem:s29], [sflag:$0x3] =	stream.indirect.gather [hbm4b:s2+s24], $0x20, s14, s24, $0xb8;
	[tilespmem:$0x19A00] =	vst v63  }
0x66: {  	s15 =	simm.s32 $0x180  }
0x67: {  	[tilespmem:s22], [sflag:$0x4] =	stream.indirect.gather [hbm4b:s2+s24], $0x20, s15, s24, $0xb8;
	[tilespmem:$0x19A00] =	vst v63  }
0x68: {  	s26 =	simm.s32 $0x200;
	s12 =	simm.s32 $0xDE80  }
0x69: {  	[tilespmem:s12], [sflag:$0x5] =	stream.indirect.gather [hbm4b:s2+s24], $0x20, s26, s24, $0xb8;
	[tilespmem:$0x19A00] =	vst v63  }
0x6a: {  	s28 =	simm.s32 $0x280;
	s30 =	simm.s32 $0xEE20  }
0x6b: {  	[tilespmem:s30], [sflag:$0x6] =	stream.indirect.gather [hbm4b:s2+s24], $0x20, s28, s24, $0xb8;
	[tilespmem:$0x19A00] =	vst v63  }
0x6c: {  	s11 =	simm.s32 $0x5000;
	s13 =	simm.s32 $0x300;
	s14 =	simm.s32 $0xFDC0  }
0x6d: {  	[tilespmem:s14], [sflag:$0x7] =	stream.indirect.gather [hbm4b:s2+s24], $0x20, s13, s24, $0xb8;
	[tilespmem:$0x19A00] =	vst v63  }
0x6e: {  	s15 =	simm.s32 $0x380;
	s26 =	simm.s32 $0x10D60;
	s28 =	simm.s32 $0x400  }
0x6f: {  	[tilespmem:s26], [sflag:$0x8] =	stream.indirect.gather [hbm4b:s2+s24], $0x20, s15, s24, $0xb8;
	[tilespmem:$0x19A00] =	vst v63  }
0x70: {  	s30 =	simm.s32 $0x11D00;
	s13 =	simm.s32 $0x480;
	s14 =	simm.s32 $0x0  }
0x71: {  	[tilespmem:s30], [sflag:$0x9] =	stream.indirect.gather [hbm4b:s2+s24], $0x20, s28, s24, $0xb8;
	[tilespmem:$0x19A00] =	vst v63  }
.LBB2_9:
0x72: {  	s26 =	sadd.s32 $0x9, s14  }
0x73: {  	s28 =	sand.u32 $0xFF, s26  }
0x74: {  	s28 =	smul.u32 $0xCD, s28;
	_ =	sdelay $0x1  }
0x75: {  	s28 =	sshrl.u32 s28, $0xB  }
0x76: {  	s28 =	smul.u32 $0xA, s28;
	_ =	sdelay $0x1  }
0x77: {  	s26 =	ssub.s32 s26, s28  }
0x78: {  	p0 =	seq.s32 s14, $0x0;
	s26 =	sand.u32 $0xFF, s26  }
0x79: {  	s28 =	sadd.s32 @!p0 $0xB, s26  }
0x7a: {  	p1 =	sgt.u32 @!p0 s14, $0x96;
	_ =	swait.ge @!p0 [sflag:s28], $0xFA0  }
0x7b: {  	p1 =	por p0, !p1;
	[sflag:s28] =	ssyncset.done @!p0 $0x0  }
0x7c: {  	[sflag:s28] =	ssyncadd.s32 @!p0 $0xFFFFF060;
	s28 =	smul.u32 @p1 $0x3E80, s26;
	_ =	sdelay $0x1  }
0x7d: {  	s28 =	sshrl.u32 @p1 s28, $0x2  }
0x7e: {  	s12 =	smul.u32 $0xCD, s14;
	s26 =	sadd.s32 @p1 $0x1, s26;
	s28 =	sadd.s32 @p1 $0xA000, s28  }
0x7f: {  	[tilespmem:s28], [sflag:s26] =	stream.indirect.gather @p1 [hbm4b:s2+s24], $0x20, s13, s24, $0xb8;
	[tilespmem:$0x19A00] =	vst v63  }
0x80: {  	s26 =	sshrl.u32 s12, $0xB  }
0x81: {  	s26 =	sand.u32 $0x1F, s26  }
0x82: {  	s26 =	smul.u32 $0xA, s26;
	_ =	sdelay $0x1  }
0x83: {  	s26 =	ssub.s32 s14, s26  }
0x84: {  	s14 =	sadd.s32 $0x1, s14;
	s26 =	sand.u32 $0xFF, s26  }
0x85: {  	p0 =	sne.s32 s14, $0xA0;
	s15 =	smul.u32 $0x3E80, s26;
	s30 =	sadd.s32 $0x1, s26  }
.Ltmp7:
0x86: {  	_ =	swait.ge [sflag:s30], $0xFA0;
	(pc) =	sbr.rel @p0 .LBB2_9-.Ltmp7, $4  }
0x87: {  	s28 =	sshrl.u32 s15, $0x2;
	[sflag:s30] =	ssyncset.done $0x0  }
0x88: {  	s26 =	sadd.s32 $0xB, s26;
	s28 =	sadd.s32 $0xA000, s28;
	[sflag:s30] =	ssyncadd.s32 $0xFFFFF060  }
0x89: {  	[spmem:s3] =	stream.indirect.scatter.add.f32 [tilespmem:s28], [sflag:s26], $0x20, s11, s24, $0xb8;
	[tilespmem:$0x19A00] =	vst v63  }
0x8a: {  	s13 =	sadd.s32 $0x80, s13;
	s11 =	sadd.s32 $0x80, s11  }
0x8b: {  	_ =	swait.ge [sflag:s31], $0xFA0  }
0x8c: {  	[sflag:s31] =	ssyncset.done $0x0  }
0x8d: {  	[sflag:s31] =	ssyncadd.s32 $0xFFFFF060  }
0x8e: {  	s11 =	simm.s32 $0x0;
	[bflag:$0x0] =	sbarrier.arrive $0xFFFF  }
0x8f: {  	[tilespmem:s21], [sflag:$0x2] =	stream.linear.gather [hbm4b:s18+s11], $0xFA0, $0x38;
	[tilespmem:$0x19A00] =	vst v63  }
0x90: {  	s12 =	rddreg [dreg:$0x7]  }
0x91: {  	[tilespmem:s25], [sflag:$0x1] =	stream.linear.gather [spmem:s12], $0xFA0, $0x38;
	[tilespmem:$0x19A00] =	vst v63  }
.Ltmp8:
0x92: {  	_ = 	snop;
	(pc) =	sbr.rel .LBB2_11-.Ltmp8, $4  }
0x93: {  	s28 =	rddreg [dreg:$0x8]  }
0x94: {  	[tilespmem:s29], [sflag:$0x3] =	stream.linear.gather [hbm4b:s28+s11], $0xFA0, $0x38;
	[tilespmem:$0x19A00] =	vst v63  }
0x95: {  	p0 =	por $0x0, $0x0;
	p1 =	seq.s32 s17, $0x9;
	s30 =	rddreg [dreg:$0x9]  }
0x96: {  	[tilespmem:s22], [sflag:$0x4] =	stream.linear.gather [hbm4b:s30+s11], $0xFA0, $0x38;
	[tilespmem:$0x19A00] =	vst v63  }
.LBB2_17:
0x97: {  	v3 =	vadd.f32 v3, v4;
	_ =	sdelay $0x1  }
0x98: {  	s12 =	sadd.s32 s9, s30;
	v2 =	vmul.f32 v3, v2  }
0x99: {  	s12 =	sshll.u32 s12, $0x2  }
0x9a: {  	s30 =	sadd.s32 $0xB, s28;
	s12 =	sadd.s32 s2, s12;
	[tilespmem:v1+s13+$0xFFFFE0C0 ss:$0x1] =	vst.idx.msk $0xffff, v2  }
0x9b: {  	[hbm4b:s12+s4] =	stream.linear.scatter [tilespmem:s11], [sflag:s30], $0xFA0, $0x38;
	[tilespmem:$0x19A00] =	vst v63  }
.LBB2_18:
0x9c: {  	p2 =	sne.s32 s26, $0x5  }
.Ltmp9:
0x9d: {  	_ = 	snop;
	(pc) =	sbr.rel @!p2 .LBB2_19-.Ltmp9, $2  }
0x9e: {  	_ =	sdelay $0x2  }
0x9f: {  	p0 =	por !p0, !p0;
	s11 =	smov.u32 s26  }
.LBB2_11:
0xa0: {  	s26 =	sadd.s32 $0x1, s11  }
0xa1: {  	s13 =	sshll.u32 s26, $0x2  }
0xa2: {  	p2 =	seq.s32 s11, $0x0;
	s13 =	sand.u32 $0x4, s13  }
0xa3: {  	s14 =	sadd.s32 @!p2 $0xB, s13  }
0xa4: {  	p3 =	seq.s32 @!p2 s11, $0x4;
	_ =	swait.ge @!p2 [sflag:s14], $0xFA0  }
0xa5: {  	p3 =	por p2, !p3;
	[sflag:s14] =	ssyncset.done @!p2 $0x0  }
0xa6: {  	s28 =	sor.u32 @p3 $0x1, s13;
	[sflag:s14] =	ssyncadd.s32 @!p2 $0xFFFFF060;
	s14 =	smul.u32 @p3 $0x7D, s26  }
0xa7: {  	s28 =	smul.u32 @p3 $0x3E80, s28  }
0xa8: {  	s14 =	sadd.s32 @p3 s8, s14  }
0xa9: {  	s28 =	sshrl.u32 @p3 s28, $0x2;
	s30 =	sshll.u32 @p3 s14, $0x2  }
0xaa: {  	s15 =	sadd.s32 @p3 $0x2, s13;
	s28 =	sadd.s32 @p3 $0xA000, s28;
	s12 =	sadd.s32 @p3 s5, s30  }
0xab: {  	[tilespmem:s28], [sflag:s15] =	stream.linear.gather @p3 [hbm4b:s12+s4], $0xFA0, $0x38;
	[tilespmem:$0x19A00] =	vst v63  }
0xac: {  	s14 =	sshll.u32 @p3 s14, $0x5;
	s12 =	smul.u32 @p3 $0x3E80, s13  }
0xad: {  	s14 =	sand.u32 @p3 $0x3FFFFFE0, s14  }
0xae: {  	s15 =	sadd.s32 @p3 $0x1, s13;
	s28 =	sor.u32 @p3 $0x2, s13;
	s12 =	sshrl.u32 @p3 s12, $0x2  }
0xaf: {  	s14 =	sadd.s32 @p3 s14, s3;
	s28 =	smul.u32 @p3 $0x3E80, s28;
	s12 =	sadd.s32 @p3 $0xA000, s12  }
0xb0: {  	[tilespmem:s12], [sflag:s15] =	stream.linear.gather @p3 [spmem:s14], $0xFA0, $0x38;
	[tilespmem:$0x19A00] =	vst v63  }
0xb1: {  	s12 =	sshrl.u32 @p3 s28, $0x2;
	s14 =	sor.u32 @p3 $0x3, s13;
	s15 =	sadd.s32 @p3 $0x3, s13  }
0xb2: {  	s28 =	sadd.s32 @p3 s6, s30;
	s12 =	sadd.s32 @p3 $0xA000, s12;
	s14 =	smul.u32 @p3 $0x3E80, s14  }
0xb3: {  	[tilespmem:s12], [sflag:s15] =	stream.linear.gather @p3 [hbm4b:s28+s4], $0xFA0, $0x38;
	[tilespmem:$0x19A00] =	vst v63  }
0xb4: {  	s12 =	sshrl.u32 @p3 s14, $0x2  }
0xb5: {  	s13 =	sadd.s32 @p3 $0x4, s13;
	s14 =	sadd.s32 @p3 s7, s30;
	s12 =	sadd.s32 @p3 $0xA000, s12  }
0xb6: {  	[tilespmem:s12], [sflag:s13] =	stream.linear.gather @p3 [hbm4b:s14+s4], $0xFA0, $0x38;
	[tilespmem:$0x19A00] =	vst v63  }
0xb7: {  	s12 =	sand.u32 $0x1, s11  }
0xb8: {  	s28 =	sshll.u32 s12, $0x2  }
0xb9: {  	s15 =	sadd.s32 $0x1, s28  }
0xba: {  	_ =	swait.ge [sflag:s15], $0xFA0  }
0xbb: {  	[sflag:s15] =	ssyncset.done $0x0  }
0xbc: {  	s14 =	sadd.s32 $0x2, s28;
	[sflag:s15] =	ssyncadd.s32 $0xFFFFF060  }
0xbd: {  	_ =	swait.ge [sflag:s14], $0xFA0  }
0xbe: {  	[sflag:s14] =	ssyncset.done $0x0  }
0xbf: {  	s15 =	sadd.s32 $0x3, s28;
	[sflag:s14] =	ssyncadd.s32 $0xFFFFF060  }
0xc0: {  	_ =	swait.ge [sflag:s15], $0xFA0  }
0xc1: {  	s13 =	sadd.s32 $0x4, s28;
	[sflag:s15] =	ssyncset.done $0x0  }
0xc2: {  	s14 =	simm.s32 $0x1;
	[sflag:s15] =	ssyncadd.s32 $0xFFFFF060;
	s15 =	smul.u32 $0x7D, s11  }
0xc3: {  	s14 =	simm.s32 @!p0 $0x0;
	_ =	swait.ge [sflag:s13], $0xFA0  }
0xc4: {  	[sflag:s13] =	ssyncset.done $0x0;
	s30 =	sadd.s32 s8, s15;
	s15 =	smul.u32 $0xFA00, s12  }
0xc5: {  	p2 =	slt.u32 s11, $0x2;
	[sflag:s13] =	ssyncadd.s32 $0xFFFFF060;
	s13 =	smul.u32 $0xFA00, s14  }
.Ltmp10:
0xc6: {  	s11 =	sadd.s32 @!p2 $0x13, s12;
	s14 =	sshll.u32 s30, $0x5;
	(pc) =	sbr.rel @!p1 .LBB2_15-.Ltmp10, $4  }
0xc7: {  	s12 =	sadd.s32 $0x13, s12;
	_ =	swait.ge @!p2 [sflag:s11], $0xFA0;
	s14 =	sand.u32 $0x3FFFFFE0, s14  }
0xc8: {  	s15 =	sshrl.u32 s15, $0x2;
	[sflag:s11] =	ssyncset.done @!p2 $0x0;
	s14 =	sadd.s32 s14, s3  }
0xc9: {  	s13 =	sshrl.u32 s13, $0x2;
	[sflag:s11] =	ssyncadd.s32 @!p2 $0xFFFFF060;
	s11 =	sadd.s32 $0xA000, s15  }
0xca: {  	[spmem:s14] =	stream.linear.scatter [tilespmem:s23], [sflag:s12], $0xFA0, $0x38;
	[tilespmem:$0x19A00] =	vst v63  }
0xcb: {  	s12 =	sadd.s32 $0xAFB0, s13  }
0xcc: {  	v1 =	vmov s12;
	_ =	sdelay $0x3  }
0xcd: {  	s13 =	simm.s32 $0xFFFFF060  }
0xce: {  	v2 =	vld.idx.msk [tilespmem:v1+s13+$0xF90 ss:$0x1], $0xffff  }
0xcf: {  	v3 =	vld.idx.msk [tilespmem:v1+s13+$0xFFFFFFF0 ss:$0x1], $0xffff  }
0xd0: {  	v4 =	vld.idx.msk [tilespmem:v1+s13+$0x1F30 ss:$0x1], $0xffff;
	_ =	sdelay $0x4  }
0xd1: {  	v3 =	vmul.f32 v4, v3;
	v2 =	vmul.f32 $1.000000010e-01, v2;
	_ =	sdelay $0x1  }
0xd2: {  	v2 =	vadd.f32 v2, v3;
	_ =	sdelay $0x1  }
0xd3: {  	[tilespmem:v1+s13+$0xFFFFFFF0 ss:$0x1] =	vst.idx.msk $0xffff, v2  }
0xd4: {  	v4 =	vld.idx.msk [tilespmem:v1+s13+$0xFA0 ss:$0x1], $0xffff  }
0xd5: {  	v2 =	vld.idx.msk [tilespmem:v1+s13+$0x0 ss:$0x1], $0xffff  }
0xd6: {  	v3 =	vld.idx.msk [tilespmem:v1+s13+$0x1F40 ss:$0x1], $0xffff;
	_ =	sdelay $0x3  }
0xd7: {  	s14 =	simm.s32 $0xFFFFC200;
	v4 =	vmul.f32 $1.000000010e-01, v4  }
.LBB2_13:
0xd8: {  	p2 =	sne.s32 s14, $0xFFFFFF80;
	v2 =	vmul.f32 v3, v2;
	s12 =	smov.u32 s14;
	s14 =	sadd.s32 $0x80, s14  }
0xd9: {  	_ = 	snop  }
0xda: {  	v2 =	vadd.f32 v4, v2;
	_ =	sdelay $0x1  }
0xdb: {  	[tilespmem:v1+s13+$0x0 ss:$0x1] =	vst.idx.msk $0xffff, v2;
	s13 =	sshra.s32 s12, $0x2  }
0xdc: {  	v2 =	vld.idx.msk [tilespmem:v1+s13+$0xF90 ss:$0x1], $0xffff  }
0xdd: {  	v3 =	vld.idx.msk [tilespmem:v1+s13+$0xFFFFFFF0 ss:$0x1], $0xffff  }
0xde: {  	v4 =	vld.idx.msk [tilespmem:v1+s13+$0x1F30 ss:$0x1], $0xffff;
	_ =	sdelay $0x5  }
0xdf: {  	v2 =	vmul.f32 $1.000000010e-01, v2;
	v3 =	vmul.f32 v4, v3;
	_ =	sdelay $0x1  }
0xe0: {  	v2 =	vadd.f32 v2, v3;
	_ =	sdelay $0x1  }
0xe1: {  	[tilespmem:v1+s13+$0xFFFFFFF0 ss:$0x1] =	vst.idx.msk $0xffff, v2  }
0xe2: {  	v2 =	vld.idx.msk [tilespmem:v1+s13+$0x0 ss:$0x1], $0xffff  }
0xe3: {  	v4 =	vld.idx.msk [tilespmem:v1+s13+$0xFA0 ss:$0x1], $0xffff  }
0xe4: {  	v3 =	vld.idx.msk [tilespmem:v1+s13+$0x1F40 ss:$0x1], $0xffff  }
.Ltmp11:
0xe5: {  	(pc) =	sbr.rel @p2 .LBB2_13-.Ltmp11, $2  }
0xe6: {  	_ =	sdelay $0x2  }
0xe7: {  	v4 =	vmul.f32 $1.000000010e-01, v4  }
0xe8: {  	v2 =	vmul.f32 v3, v2  }
.Ltmp12:
0xe9: {  	_ = 	snop;
	(pc) =	sbr.rel .LBB2_18-.Ltmp12, $4  }
0xea: {  	v2 =	vadd.f32 v4, v2  }
0xeb: {  	s12 =	sshll.u32 s30, $0x3  }
0xec: {  	s30 =	sadd.s32 $0xB, s28;
	s12 =	sadd.s32 s12, s16;
	[tilespmem:v1+s13+$0x0 ss:$0x1] =	vst.idx.msk $0xffff, v2  }
0xed: {  	[hbm4b:s12+s0] =	stream.strided.scatter [tilespmem:s11], [sflag:s30], $0xFA0, s1, s0, $0x38;
	[tilespmem:$0x19A00] =	vst v63  }
.LBB2_15:
0xee: {  	s12 =	sadd.s32 $0xCEF0, s13  }
0xef: {  	v1 =	vmov s12;
	_ =	sdelay $0x3  }
0xf0: {  	s13 =	simm.s32 $0xFFFFF060  }
0xf1: {  	v2 =	vld.idx.msk [tilespmem:v1+s13+$0xFFFFF050 ss:$0x1], $0xffff  }
0xf2: {  	v3 =	vld.idx.msk [tilespmem:v1+s13+$0xFFFFE0B0 ss:$0x1], $0xffff  }
0xf3: {  	v4 =	vld.idx.msk [tilespmem:v1+s13+$0xFFFFFFF0 ss:$0x1], $0xffff;
	_ =	sdelay $0x3  }
0xf4: {  	v5 =	vld.idx.msk [tilespmem:v1+s13+$0xF90 ss:$0x1], $0xffff  }
0xf5: {  	v3 =	vmul.f32 v4, v3;
	v2 =	vmul.f32 $1.000000010e-01, v2;
	_ =	sdelay $0x1  }
0xf6: {  	v2 =	vadd.f32 v2, v3;
	_ =	sdelay $0x1  }
0xf7: {  	v2 =	vmul.f32 v2, v5;
	_ =	sdelay $0x1  }
0xf8: {  	[tilespmem:v1+s13+$0xFFFFE0B0 ss:$0x1] =	vst.idx.msk $0xffff, v2  }
0xf9: {  	v4 =	vld.idx.msk [tilespmem:v1+s13+$0xFFFFE0C0 ss:$0x1], $0xffff  }
0xfa: {  	v3 =	vld.idx.msk [tilespmem:v1+s13+$0xFFFFF060 ss:$0x1], $0xffff  }
0xfb: {  	v5 =	vld.idx.msk [tilespmem:v1+s13+$0x0 ss:$0x1], $0xffff;
	_ =	sdelay $0x3  }
0xfc: {  	v2 =	vld.idx.msk [tilespmem:v1+s13+$0xFA0 ss:$0x1], $0xffff  }
0xfd: {  	v3 =	vmul.f32 $1.000000010e-01, v3;
	v4 =	vmul.f32 v5, v4  }
0xfe: {  	s14 =	simm.s32 $0xFFFFC200  }
.LBB2_16:
0xff: {  	p2 =	seq.s32 s14, $0xFFFFFF80;
	v3 =	vadd.f32 v3, v4;
	s12 =	smov.u32 s14;
	s14 =	sadd.s32 $0x80, s14  }
0x100: {  	_ = 	snop  }
0x101: {  	v2 =	vmul.f32 v3, v2;
	_ =	sdelay $0x1  }
0x102: {  	[tilespmem:v1+s13+$0xFFFFE0C0 ss:$0x1] =	vst.idx.msk $0xffff, v2;
	s13 =	sshra.s32 s12, $0x2  }
0x103: {  	v2 =	vld.idx.msk [tilespmem:v1+s13+$0xFFFFF050 ss:$0x1], $0xffff  }
0x104: {  	v3 =	vld.idx.msk [tilespmem:v1+s13+$0xFFFFE0B0 ss:$0x1], $0xffff  }
0x105: {  	v4 =	vld.idx.msk [tilespmem:v1+s13+$0xFFFFFFF0 ss:$0x1], $0xffff;
	_ =	sdelay $0x3  }
0x106: {  	v5 =	vld.idx.msk [tilespmem:v1+s13+$0xF90 ss:$0x1], $0xffff;
	_ =	sdelay $0x1  }
0x107: {  	v2 =	vmul.f32 $1.000000010e-01, v2;
	v3 =	vmul.f32 v4, v3;
	_ =	sdelay $0x1  }
0x108: {  	v2 =	vadd.f32 v2, v3;
	_ =	sdelay $0x1  }
0x109: {  	v2 =	vmul.f32 v2, v5;
	_ =	sdelay $0x1  }
0x10a: {  	[tilespmem:v1+s13+$0xFFFFE0B0 ss:$0x1] =	vst.idx.msk $0xffff, v2  }
0x10b: {  	v4 =	vld.idx.msk [tilespmem:v1+s13+$0xFFFFE0C0 ss:$0x1], $0xffff  }
0x10c: {  	v3 =	vld.idx.msk [tilespmem:v1+s13+$0xFFFFF060 ss:$0x1], $0xffff  }
0x10d: {  	v5 =	vld.idx.msk [tilespmem:v1+s13+$0x0 ss:$0x1], $0xffff;
	_ =	sdelay $0x1  }
.Ltmp13:
0x10e: {  	(pc) =	sbr.rel @!p2 .LBB2_16-.Ltmp13, $3  }
0x10f: {  	v2 =	vld.idx.msk [tilespmem:v1+s13+$0xFA0 ss:$0x1], $0xffff;
	_ =	sdelay $0x1  }
0x110: {  	v3 =	vmul.f32 $1.000000010e-01, v3  }
0x111: {  	v4 =	vmul.f32 v5, v4  }
.Ltmp14:
0x112: {  	_ = 	snop;
	(pc) =	sbr.rel .LBB2_17-.Ltmp14, $1  }
0x113: {  	_ =	sdelay $0x3  }
.LBB2_21:
0x114: {  	_ =	sfence.sel $0x180000  }
0x115: {  	[bflag:$0x0] =	sbarrier.arrive $0xFFFF  }
0x116: {  	_ =	strace $0x9000004A  }
0x117: {  	s0 =	stileid.u32;
	[bflag:$0x2] =	sbarrier.arrive $0xFFFF  }
0x118: {  	p0 =	sne.s32 s0, $0x0;
	s0 =	rddreg [dreg:$0x3]  }
0x119: {  	s0 =	sadd.s32 @!p0 $0x100000, s0  }
0x11a: {  	[sflag:s0] =	ssyncadd.tile.s32 @!p0 $0x1;
	_ =	shalt  }
.Lfunc_end2:
_tile_overlayer_lowered:
.L_overlay_start_2:
0x11b: {  	(tag) =	ssettag $0x2  }
0x11c: {  	s0 =	rddreg [dreg:$0x0];
	s2 =	stileid.u32  }
0x11d: {  	s1 =	rddreg [dreg:$0x1];
	p0 =	sne.s32 s2, $0x0  }
0x11e: {  	s3 =	rddreg [dreg:$0x2];
	[bflag:$0x3] =	sbarrier.arrive $0xFFFF;
	s2 =	simm.s32 @!p0 $0x1C15  }
0x11f: {  	[timem:s3], [sflag:s2] =	dma.local @!p0 [hbm:s0], s1  }
0x120: {  	s0 =	simm.s32 @!p0 $0x15  }
0x121: {  	_ =	swait.ge @!p0 [sflag:s0], s1  }
0x122: {  	s1 =	ssub.s32 @!p0 $0x0, s1;
	[sflag:s0] =	ssyncset.done @!p0 $0x0  }
0x123: {  	[sflag:s0] =	ssyncadd.s32 @!p0 s1  }
0x124: {  	[bflag:$0x3] =	sbarrier.arrive $0xFFFF  }
0x125: {  	_ =	shalt  }

</sc_bundles>
